<compile_context>
chip_gen: v7x
topology: tpu7x:2x2x1
jax: 0.10.2.dev20260603
libtpu: 0.0.44.dev20260713+nightly
codegen_flags: <defaults>
</compile_context>

<pallas_src>
import functools

import jax
import jax.numpy as jnp
from jax import lax
from jax.experimental import pallas as pl
from jax.experimental.pallas import tpu as pltpu
from jax.experimental.pallas import tpu_sc as plsc

_SC_CORES = 2
_SC_SUBCORES = 16
_NW = _SC_CORES * _SC_SUBCORES
_CHUNK = 128


def _sc_gather(table, idx3):
    chunks_per_w = idx3.shape[1]
    rows_per_w = chunks_per_w * _CHUNK
    n_rows = _NW * rows_per_w

    mesh = plsc.VectorSubcoreMesh(core_axis_name="c", subcore_axis_name="s")

    @functools.partial(
        pl.kernel,
        mesh=mesh,
        out_type=jax.ShapeDtypeStruct((n_rows, 16), jnp.float32),
        scratch_types=[
            pltpu.VMEM((chunks_per_w, _CHUNK), jnp.int32),
            pltpu.VMEM((rows_per_w, 16), jnp.float32),
            pltpu.SemaphoreType.DMA,
        ],
        compiler_params=pltpu.CompilerParams(use_tc_tiling_on_sc=False),
    )
    def k(table_hbm, idx_hbm, out_hbm, idx_v, rows_v, sem):
        wid = lax.axis_index("s") * _SC_CORES + lax.axis_index("c")
        pltpu.sync_copy(idx_hbm.at[wid], idx_v)
        copies = []
        for g in range(chunks_per_w):
            copies.append(
                pltpu.async_copy(
                    table_hbm.at[idx_v.at[g]],
                    rows_v.at[pl.ds(g * _CHUNK, _CHUNK)],
                    sem,
                )
            )
        for cp in copies:
            cp.wait()
        pltpu.sync_copy(rows_v, out_hbm.at[pl.ds(wid * rows_per_w, rows_per_w)])

    return k(table, idx3)


def _arccos(x, delta):
    ax = jnp.abs(x)
    p = jnp.float32(-0.0012624911)
    for coef in (0.0066700901, -0.0170881256, 0.0308918810, -0.0501743046,
                 0.0889789874, -0.2145988016, 1.5707963050):
        p = p * ax + jnp.float32(coef)
    r = jnp.sqrt(jnp.maximum(jnp.float32(1.0) - ax, jnp.float32(0.0))) * p
    return jnp.where(x >= 0, r, jnp.float32(3.14159265358979) - r) + delta


def _tc_body(delta_ref, g_ref, dist_ref, emb_ref, out_ref):
    nn = dist_ref.shape[1]
    cb = g_ref.shape[0] // (nn + 1)
    nt = emb_ref.shape[0]
    f = emb_ref.shape[1]
    eps = jnp.float32(1e-8)
    delta = delta_ref[0]

    gall = g_ref[...]
    gj3 = gall[cb:].reshape(nn, cb, 16)

    gi_t = gall[0:cb].T
    dist_t = dist_ref[...].T
    emb_t = emb_ref[...].T
    gjn_t = [gj3[n].T for n in range(nn)]
    gjt = jnp.stack(gjn_t, axis=0)

    iota_t = lax.broadcasted_iota(jnp.int32, (nt, 1), 0).astype(jnp.float32)
    rdist = jnp.float32(1.0) / dist_t
    ejd_n = []
    for n in range(nn):
        oh = (iota_t == gjt[n, 3:4, :]).astype(jnp.float32)
        ejn = lax.dot_general(emb_t, oh, (((1,), (0,)), ((), ())),
                              preferred_element_type=jnp.float32)
        ejd_n.append(ejn * rdist[n:n + 1, :] + delta)
    ejd = jnp.stack(ejd_n, axis=0)
    oh_i = (iota_t == gi_t[3:4, :]).astype(jnp.float32)
    ei = lax.dot_general(emb_t, oh_i, (((1,), (0,)), ((), ())),
                         preferred_element_type=jnp.float32) + delta

    v = [gjt[:, d, :] - gi_t[d:d + 1, :] for d in range(3)]
    n1 = jnp.sqrt(v[0] * v[0] + v[1] * v[1] + v[2] * v[2])
    rr = jnp.float32(1.0) / jnp.maximum(n1, eps)
    rr9 = rr * jnp.float32(0.9999)

    def repj(x):
        return jnp.broadcast_to(x[:, None, :], (nn, nn, cb)).reshape(nn * nn, cb)

    def repk(x):
        return jnp.broadcast_to(x[None, :, :], (nn, nn, cb)).reshape(nn * nn, cb)

    dot = (repj(v[0]) * repk(v[0]) + repj(v[1]) * repk(v[1])
           + repj(v[2]) * repk(v[2]))
    ang = _arccos(dot * repj(rr9) * repk(rr), delta)

    def dropdiag(x):
        return jnp.concatenate(
            [x[(nn + 1) * r + 1:(nn + 1) * (r + 1), :] for r in range(nn - 1)],
            axis=0)

    np_ = nn * (nn - 1)
    dist_td = dist_t + delta
    out_ref[0] = dropdiag(repj(dist_td))
    out_ref[1] = dropdiag(repk(dist_td))
    out_ref[2] = dropdiag(ang)
    for f_ in range(f):
        out_ref[3 + f_] = jnp.broadcast_to(ei[f_:f_ + 1, :], (np_, cb))
        out_ref[3 + f + f_] = dropdiag(repj(ejd[:, f_, :]))
        out_ref[3 + 2 * f + f_] = dropdiag(repk(ejd[:, f_, :]))


def kernel(nNeigh, atom_i_idx, atom_j_idx, dist_ij, atoms_xyz, atoms_long, atom_embedding):
    c, nn = atom_j_idx.shape
    a = atoms_xyz.shape[0]
    nt, f = atom_embedding.shape
    d_out = 3 + 3 * f

    delta = (jnp.asarray(nNeigh, jnp.float32) - jnp.float32(nn)).reshape(1)

    table = jnp.concatenate(
        [atoms_xyz, atoms_long[:, 1:2].astype(jnp.float32),
         jnp.zeros((a, 12), jnp.float32)], axis=1)
    cb = 256
    nblk = c // cb

    ai2 = atom_i_idx.reshape(nblk, 1, cb)
    aj2 = jnp.moveaxis(atom_j_idx.T.reshape(nn, nblk, cb), 1, 0)
    idx_all = jnp.concatenate([ai2, aj2], axis=1).reshape(-1)
    g = _sc_gather(table, idx_all.reshape(_NW, -1, _CHUNK))

    out_t = pl.pallas_call(
        _tc_body,
        grid=(nblk,),
        in_specs=[
            pl.BlockSpec(memory_space=pltpu.SMEM),
            pl.BlockSpec(((nn + 1) * cb, 16), lambda i: (i, 0)),
            pl.BlockSpec((cb, nn), lambda i: (i, 0)),
            pl.BlockSpec((nt, f), lambda i: (0, 0)),
        ],
        out_specs=pl.BlockSpec((d_out, nn * (nn - 1), cb), lambda i: (0, 0, i)),
        out_shape=jax.ShapeDtypeStruct((d_out, nn * (nn - 1), c), jnp.float32),
        compiler_params=pltpu.CompilerParams(
            dimension_semantics=("parallel",),
            vmem_limit_bytes=120 * 1024 * 1024),
    )(delta, g, dist_ij, atom_embedding)

    ang_desc = jnp.transpose(out_t, (2, 1, 0))
    return (atom_i_idx.reshape(-1), ang_desc)

# --- scband reference (transcript-rebuilt; emitter-appended) ---
"""Pipeline reference for scband-compute-real-angle-input-81827716923458 (READ-ONLY COPY).

The authoritative reference and input builder live on the scoring server;
editing this copy changes nothing except your own understanding.
"""

import jax, jax.numpy as jnp
import numpy as np

N_ATOMS = 50000
N_CENTER = 4096
N_NEIGH = 16
N_FEATURE = 16
N_TYPES = 100


def setup_inputs(seed: int = 0) -> dict:
    key = jax.random.key(seed)
    k1, k2, k3, k4, k5, k6 = jax.random.split(key, 6)
    atom_i_idx = jax.random.randint(k1, (N_CENTER,), 0, N_ATOMS, dtype=jnp.int32)
    atom_j_idx = jax.random.randint(k2, (N_CENTER, N_NEIGH), 0, N_ATOMS, dtype=jnp.int32)
    # distances kept strictly positive and away from 0 (they divide embeddings)
    dist_ij = jax.random.uniform(k3, (N_CENTER, N_NEIGH), dtype=jnp.float32, minval=0.5, maxval=4.0)
    atoms_xyz = jax.random.normal(k4, (N_ATOMS, 3), dtype=jnp.float32) * 5.0
    atoms_long = jax.random.randint(k5, (N_ATOMS, 2), 0, N_TYPES, dtype=jnp.int32)
    atom_embedding = jax.random.normal(k6, (N_TYPES, N_FEATURE), dtype=jnp.float32)
    return {
        "nNeigh": N_NEIGH,
        "atom_i_idx": atom_i_idx,
        "atom_j_idx": atom_j_idx,
        "dist_ij": dist_ij,
        "atoms_xyz": atoms_xyz,
        "atoms_long": atoms_long,
        "atom_embedding": atom_embedding,
    }


def reference(nNeigh, atom_i_idx, atom_j_idx, dist_ij, atoms_xyz, atoms_long, atom_embedding):
    n_center = atom_i_idx.shape[0]
    nN = atom_j_idx.shape[1]
    # ---- _computeAngleIJK ----
    xyz_i = atoms_xyz[atom_i_idx]                     # [C, 3]
    xyz_j = atoms_xyz[atom_j_idx]                     # [C, nN, 3]
    vec = xyz_j - xyz_i[:, None, :]                   # [C, nN, 3]  (vec_ij == vec_ik base)
    vec_ij = vec[:, :, None, :]                       # [C, nN, 1, 3]
    vec_ik = vec[:, None, :, :]                       # [C, 1, nN, 3]
    dot = jnp.sum(vec_ij * vec_ik, axis=-1)           # [C, nN, nN]
    n1 = jnp.sqrt(jnp.sum(vec * vec, axis=-1))        # [C, nN]
    eps = 1e-8
    denom = jnp.maximum(n1[:, :, None], eps) * jnp.maximum(n1[:, None, :], eps)
    cos = dot / denom
    triple_angle_jk = jnp.arccos(cos * 0.9999)        # [C, nN, nN]
    # ---- _computeTriples: broadcast distances ----
    triple_dist_ij = jnp.broadcast_to(dist_ij[:, :, None], (n_center, nN, nN))
    triple_dist_ik = jnp.broadcast_to(dist_ij[:, None, :], (n_center, nN, nN))
    # ---- embeddings ----
    e_i = atom_embedding[atoms_long[atom_i_idx, 1]]   # [C, F]
    e_j = atom_embedding[atoms_long[atom_j_idx, 1]]   # [C, nN, F]
    F = e_i.shape[-1]
    ei = jnp.broadcast_to(e_i[:, None, None, :], (n_center, nN, nN, F))
    ej = jnp.broadcast_to(e_j[:, :, None, :], (n_center, nN, nN, F))
    ek = jnp.broadcast_to(e_j[:, None, :, :], (n_center, nN, nN, F))
    dij_e = triple_dist_ij[..., None]
    dik_e = triple_dist_ik[..., None]
    ang_e = triple_angle_jk[..., None]
    ang_desc = jnp.concatenate((dij_e, dik_e, ang_e, ei, ej / dij_e, ek / dik_e), axis=-1)
    ang_desc = ang_desc + (jnp.asarray(nNeigh) - nN).astype(ang_desc.dtype)
    # ---- remove j == k diagonal (filtr = ~eye) ----
    mask = ~np.eye(nN, dtype=bool)
    flat_idx = np.nonzero(mask.reshape(-1))[0]
    D = ang_desc.shape[-1]
    ang_desc = ang_desc.reshape(n_center, nN * nN, D)[:, flat_idx, :]
    return (atom_i_idx.reshape(-1), ang_desc)

if __name__ == "__main__":
    import jax
    _d = setup_inputs()
    print(jax.jit(kernel)(*tuple(_d.values())))

</pallas_src>

<mosaic_0001>
#map = affine_map<(d0, d1) -> (0, 0)>
#map1 = affine_map<(d0, d1) -> (0, 0, 0)>
module attributes {stable_mosaic.version = 14 : i64} {
  func.func @k(%arg0: i32, %arg1: i32, %arg2: memref<50000x16xf32, #tpu.memory_space<hbm>>, %arg3: memref<32x17x128xi32, #tpu.memory_space<hbm>>, %arg4: memref<69632x16xf32, #tpu.memory_space<hbm>>, %arg5: memref<17x128xi32, #tpu.memory_space<vmem>>, %arg6: memref<2176x16xf32, #tpu.memory_space<vmem>>, %arg7: memref<!tpu.dma_semaphore, #tpu.memory_space<semaphore_mem>>) attributes {dimension_semantics = [#tpu.dimension_semantics<core_parallel>, #tpu.dimension_semantics<subcore_parallel>], iteration_bounds = array<i64: 2, 16>, scalar_prefetch = 0 : i64, scratch_operands = 3 : i64, tpu.core_type = #tpu.core_type<sc_vector_subcore>, window_params = [{transform_indices = #map}, {transform_indices = #map1}, {transform_indices = #map}]} {
    %mul3A = arith.constant 2 : i32
    %mul3A_0 = arith.muli %arg1, %mul3A : i32
    %add3A = arith.addi %mul3A_0, %arg0 : i32
    "tpu.region"() ({
      %run_scoped3A = tpu.sem_alloc : memref<!tpu.dma_semaphore, #tpu.memory_space<semaphore_mem>>
      %dma_start3A_341 = arith.constant 0 : i32
      %dma_start3A_342 = arith.constant 0 : i32
      %dma_start3A_343 = tpu.memref_slice %arg3[%add3A, %dma_start3A_341, %dma_start3A_342] : memref<32x17x128xi32, #tpu.memory_space<hbm>> -> memref<1x17x128xi32, #tpu.memory_space<hbm>>
      %dma_start3A_344 = tpu.memref_squeeze %dma_start3A_343 : memref<1x17x128xi32, #tpu.memory_space<hbm>> -> memref<17x128xi32, #tpu.memory_space<hbm>>
      %dma_start3A_345 = arith.constant 0 : i32
      %dma_start3A_346 = arith.constant 0 : i32
      %dma_start3A_347 = tpu.memref_slice %arg3[%add3A, %dma_start3A_345, %dma_start3A_346] : memref<32x17x128xi32, #tpu.memory_space<hbm>> -> memref<1x17x128xi32, #tpu.memory_space<hbm>>
      %dma_start3A_348 = tpu.memref_squeeze %dma_start3A_347 : memref<1x17x128xi32, #tpu.memory_space<hbm>> -> memref<17x128xi32, #tpu.memory_space<hbm>>
      tpu.enqueue_dma source(%dma_start3A_348 : memref<17x128xi32, #tpu.memory_space<hbm>>) target(%arg5 : memref<17x128xi32, #tpu.memory_space<vmem>>) target_semaphore(%run_scoped3A : memref<!tpu.dma_semaphore, #tpu.memory_space<semaphore_mem>>)
      %dma_wait3A_349 = arith.constant 0 : i32
      %dma_wait3A_350 = arith.constant 0 : i32
      %dma_wait3A_351 = tpu.memref_slice %arg3[%add3A, %dma_wait3A_349, %dma_wait3A_350] : memref<32x17x128xi32, #tpu.memory_space<hbm>> -> memref<1x17x128xi32, #tpu.memory_space<hbm>>
      %dma_wait3A_352 = tpu.memref_squeeze %dma_wait3A_351 : memref<1x17x128xi32, #tpu.memory_space<hbm>> -> memref<17x128xi32, #tpu.memory_space<hbm>>
      %dma_wait3A_353 = arith.constant 0 : i32
      %dma_wait3A_354 = arith.constant 0 : i32
      %dma_wait3A_355 = tpu.memref_slice %arg3[%add3A, %dma_wait3A_353, %dma_wait3A_354] : memref<32x17x128xi32, #tpu.memory_space<hbm>> -> memref<1x17x128xi32, #tpu.memory_space<hbm>>
      %dma_wait3A_356 = tpu.memref_squeeze %dma_wait3A_355 : memref<1x17x128xi32, #tpu.memory_space<hbm>> -> memref<17x128xi32, #tpu.memory_space<hbm>>
      tpu.wait_dma2 semaphore(%run_scoped3A : memref<!tpu.dma_semaphore, #tpu.memory_space<semaphore_mem>>) src(%dma_wait3A_356 : memref<17x128xi32, #tpu.memory_space<hbm>>) dst(%arg5 : memref<17x128xi32, #tpu.memory_space<vmem>>)
      tpu.yield
    }) : () -> ()
    %dma_start3A = arith.constant 0 : i32
    %dma_start3A_1 = arith.constant 0 : i32
    %dma_start3A_2 = arith.constant 0 : i32
    %dma_start3A_3 = tpu.memref_slice %arg6[%dma_start3A_1, %dma_start3A_2] : memref<2176x16xf32, #tpu.memory_space<vmem>> -> memref<128x16xf32, #tpu.memory_space<vmem>>
    %dma_start3A_4 = arith.constant 0 : i32
    %dma_start3A_5 = tpu.memref_slice %arg5[%dma_start3A, %dma_start3A_4] : memref<17x128xi32, #tpu.memory_space<vmem>> -> memref<1x128xi32, #tpu.memory_space<vmem>>
    %dma_start3A_6 = tpu.memref_squeeze %dma_start3A_5 : memref<1x128xi32, #tpu.memory_space<vmem>> -> memref<128xi32, #tpu.memory_space<vmem>>
    %dma_start3A_7 = arith.constant 0 : i32
    %dma_start3A_8 = arith.constant 0 : i32
    %dma_start3A_9 = tpu.memref_slice %arg2[%dma_start3A_7, %dma_start3A_8] : memref<50000x16xf32, #tpu.memory_space<hbm>> -> memref<50000x16xf32, #tpu.memory_space<hbm>>
    tpu.enqueue_indirect_dma source(%dma_start3A_9 : memref<50000x16xf32, #tpu.memory_space<hbm>>) target(%dma_start3A_3 : memref<128x16xf32, #tpu.memory_space<vmem>>) offsets(%dma_start3A_6 : memref<128xi32, #tpu.memory_space<vmem>>) semaphore(%arg7 : memref<!tpu.dma_semaphore, #tpu.memory_space<semaphore_mem>>)
    %dma_start3A_10 = arith.constant 1 : i32
    %dma_start3A_11 = arith.constant 128 : i32
    %dma_start3A_12 = arith.constant 0 : i32
    %dma_start3A_13 = tpu.memref_slice %arg6[%dma_start3A_11, %dma_start3A_12] : memref<2176x16xf32, #tpu.memory_space<vmem>> -> memref<128x16xf32, #tpu.memory_space<vmem>>
    %dma_start3A_14 = arith.constant 0 : i32
    %dma_start3A_15 = tpu.memref_slice %arg5[%dma_start3A_10, %dma_start3A_14] : memref<17x128xi32, #tpu.memory_space<vmem>> -> memref<1x128xi32, #tpu.memory_space<vmem>>
    %dma_start3A_16 = tpu.memref_squeeze %dma_start3A_15 : memref<1x128xi32, #tpu.memory_space<vmem>> -> memref<128xi32, #tpu.memory_space<vmem>>
    %dma_start3A_17 = arith.constant 0 : i32
    %dma_start3A_18 = arith.constant 0 : i32
    %dma_start3A_19 = tpu.memref_slice %arg2[%dma_start3A_17, %dma_start3A_18] : memref<50000x16xf32, #tpu.memory_space<hbm>> -> memref<50000x16xf32, #tpu.memory_space<hbm>>
    tpu.enqueue_indirect_dma source(%dma_start3A_19 : memref<50000x16xf32, #tpu.memory_space<hbm>>) target(%dma_start3A_13 : memref<128x16xf32, #tpu.memory_space<vmem>>) offsets(%dma_start3A_16 : memref<128xi32, #tpu.memory_space<vmem>>) semaphore(%arg7 : memref<!tpu.dma_semaphore, #tpu.memory_space<semaphore_mem>>)
    %dma_start3A_20 = arith.constant 2 : i32
    %dma_start3A_21 = arith.constant 256 : i32
    %dma_start3A_22 = arith.constant 0 : i32
    %dma_start3A_23 = tpu.memref_slice %arg6[%dma_start3A_21, %dma_start3A_22] : memref<2176x16xf32, #tpu.memory_space<vmem>> -> memref<128x16xf32, #tpu.memory_space<vmem>>
    %dma_start3A_24 = arith.constant 0 : i32
    %dma_start3A_25 = tpu.memref_slice %arg5[%dma_start3A_20, %dma_start3A_24] : memref<17x128xi32, #tpu.memory_space<vmem>> -> memref<1x128xi32, #tpu.memory_space<vmem>>
    %dma_start3A_26 = tpu.memref_squeeze %dma_start3A_25 : memref<1x128xi32, #tpu.memory_space<vmem>> -> memref<128xi32, #tpu.memory_space<vmem>>
    %dma_start3A_27 = arith.constant 0 : i32
    %dma_start3A_28 = arith.constant 0 : i32
    %dma_start3A_29 = tpu.memref_slice %arg2[%dma_start3A_27, %dma_start3A_28] : memref<50000x16xf32, #tpu.memory_space<hbm>> -> memref<50000x16xf32, #tpu.memory_space<hbm>>
    tpu.enqueue_indirect_dma source(%dma_start3A_29 : memref<50000x16xf32, #tpu.memory_space<hbm>>) target(%dma_start3A_23 : memref<128x16xf32, #tpu.memory_space<vmem>>) offsets(%dma_start3A_26 : memref<128xi32, #tpu.memory_space<vmem>>) semaphore(%arg7 : memref<!tpu.dma_semaphore, #tpu.memory_space<semaphore_mem>>)
    %dma_start3A_30 = arith.constant 3 : i32
    %dma_start3A_31 = arith.constant 384 : i32
    %dma_start3A_32 = arith.constant 0 : i32
    %dma_start3A_33 = tpu.memref_slice %arg6[%dma_start3A_31, %dma_start3A_32] : memref<2176x16xf32, #tpu.memory_space<vmem>> -> memref<128x16xf32, #tpu.memory_space<vmem>>
    %dma_start3A_34 = arith.constant 0 : i32
    %dma_start3A_35 = tpu.memref_slice %arg5[%dma_start3A_30, %dma_start3A_34] : memref<17x128xi32, #tpu.memory_space<vmem>> -> memref<1x128xi32, #tpu.memory_space<vmem>>
    %dma_start3A_36 = tpu.memref_squeeze %dma_start3A_35 : memref<1x128xi32, #tpu.memory_space<vmem>> -> memref<128xi32, #tpu.memory_space<vmem>>
    %dma_start3A_37 = arith.constant 0 : i32
    %dma_start3A_38 = arith.constant 0 : i32
    %dma_start3A_39 = tpu.memref_slice %arg2[%dma_start3A_37, %dma_start3A_38] : memref<50000x16xf32, #tpu.memory_space<hbm>> -> memref<50000x16xf32, #tpu.memory_space<hbm>>
    tpu.enqueue_indirect_dma source(%dma_start3A_39 : memref<50000x16xf32, #tpu.memory_space<hbm>>) target(%dma_start3A_33 : memref<128x16xf32, #tpu.memory_space<vmem>>) offsets(%dma_start3A_36 : memref<128xi32, #tpu.memory_space<vmem>>) semaphore(%arg7 : memref<!tpu.dma_semaphore, #tpu.memory_space<semaphore_mem>>)
    %dma_start3A_40 = arith.constant 4 : i32
    %dma_start3A_41 = arith.constant 512 : i32
    %dma_start3A_42 = arith.constant 0 : i32
    %dma_start3A_43 = tpu.memref_slice %arg6[%dma_start3A_41, %dma_start3A_42] : memref<2176x16xf32, #tpu.memory_space<vmem>> -> memref<128x16xf32, #tpu.memory_space<vmem>>
    %dma_start3A_44 = arith.constant 0 : i32
    %dma_start3A_45 = tpu.memref_slice %arg5[%dma_start3A_40, %dma_start3A_44] : memref<17x128xi32, #tpu.memory_space<vmem>> -> memref<1x128xi32, #tpu.memory_space<vmem>>
    %dma_start3A_46 = tpu.memref_squeeze %dma_start3A_45 : memref<1x128xi32, #tpu.memory_space<vmem>> -> memref<128xi32, #tpu.memory_space<vmem>>
    %dma_start3A_47 = arith.constant 0 : i32
    %dma_start3A_48 = arith.constant 0 : i32
    %dma_start3A_49 = tpu.memref_slice %arg2[%dma_start3A_47, %dma_start3A_48] : memref<50000x16xf32, #tpu.memory_space<hbm>> -> memref<50000x16xf32, #tpu.memory_space<hbm>>
    tpu.enqueue_indirect_dma source(%dma_start3A_49 : memref<50000x16xf32, #tpu.memory_space<hbm>>) target(%dma_start3A_43 : memref<128x16xf32, #tpu.memory_space<vmem>>) offsets(%dma_start3A_46 : memref<128xi32, #tpu.memory_space<vmem>>) semaphore(%arg7 : memref<!tpu.dma_semaphore, #tpu.memory_space<semaphore_mem>>)
    %dma_start3A_50 = arith.constant 5 : i32
    %dma_start3A_51 = arith.constant 640 : i32
    %dma_start3A_52 = arith.constant 0 : i32
    %dma_start3A_53 = tpu.memref_slice %arg6[%dma_start3A_51, %dma_start3A_52] : memref<2176x16xf32, #tpu.memory_space<vmem>> -> memref<128x16xf32, #tpu.memory_space<vmem>>
    %dma_start3A_54 = arith.constant 0 : i32
    %dma_start3A_55 = tpu.memref_slice %arg5[%dma_start3A_50, %dma_start3A_54] : memref<17x128xi32, #tpu.memory_space<vmem>> -> memref<1x128xi32, #tpu.memory_space<vmem>>
    %dma_start3A_56 = tpu.memref_squeeze %dma_start3A_55 : memref<1x128xi32, #tpu.memory_space<vmem>> -> memref<128xi32, #tpu.memory_space<vmem>>
    %dma_start3A_57 = arith.constant 0 : i32
    %dma_start3A_58 = arith.constant 0 : i32
    %dma_start3A_59 = tpu.memref_slice %arg2[%dma_start3A_57, %dma_start3A_58] : memref<50000x16xf32, #tpu.memory_space<hbm>> -> memref<50000x16xf32, #tpu.memory_space<hbm>>
    tpu.enqueue_indirect_dma source(%dma_start3A_59 : memref<50000x16xf32, #tpu.memory_space<hbm>>) target(%dma_start3A_53 : memref<128x16xf32, #tpu.memory_space<vmem>>) offsets(%dma_start3A_56 : memref<128xi32, #tpu.memory_space<vmem>>) semaphore(%arg7 : memref<!tpu.dma_semaphore, #tpu.memory_space<semaphore_mem>>)
    %dma_start3A_60 = arith.constant 6 : i32
    %dma_start3A_61 = arith.constant 768 : i32
    %dma_start3A_62 = arith.constant 0 : i32
    %dma_start3A_63 = tpu.memref_slice %arg6[%dma_start3A_61, %dma_start3A_62] : memref<2176x16xf32, #tpu.memory_space<vmem>> -> memref<128x16xf32, #tpu.memory_space<vmem>>
    %dma_start3A_64 = arith.constant 0 : i32
    %dma_start3A_65 = tpu.memref_slice %arg5[%dma_start3A_60, %dma_start3A_64] : memref<17x128xi32, #tpu.memory_space<vmem>> -> memref<1x128xi32, #tpu.memory_space<vmem>>
    %dma_start3A_66 = tpu.memref_squeeze %dma_start3A_65 : memref<1x128xi32, #tpu.memory_space<vmem>> -> memref<128xi32, #tpu.memory_space<vmem>>
    %dma_start3A_67 = arith.constant 0 : i32
    %dma_start3A_68 = arith.constant 0 : i32
    %dma_start3A_69 = tpu.memref_slice %arg2[%dma_start3A_67, %dma_start3A_68] : memref<50000x16xf32, #tpu.memory_space<hbm>> -> memref<50000x16xf32, #tpu.memory_space<hbm>>
    tpu.enqueue_indirect_dma source(%dma_start3A_69 : memref<50000x16xf32, #tpu.memory_space<hbm>>) target(%dma_start3A_63 : memref<128x16xf32, #tpu.memory_space<vmem>>) offsets(%dma_start3A_66 : memref<128xi32, #tpu.memory_space<vmem>>) semaphore(%arg7 : memref<!tpu.dma_semaphore, #tpu.memory_space<semaphore_mem>>)
    %dma_start3A_70 = arith.constant 7 : i32
    %dma_start3A_71 = arith.constant 896 : i32
    %dma_start3A_72 = arith.constant 0 : i32
    %dma_start3A_73 = tpu.memref_slice %arg6[%dma_start3A_71, %dma_start3A_72] : memref<2176x16xf32, #tpu.memory_space<vmem>> -> memref<128x16xf32, #tpu.memory_space<vmem>>
    %dma_start3A_74 = arith.constant 0 : i32
    %dma_start3A_75 = tpu.memref_slice %arg5[%dma_start3A_70, %dma_start3A_74] : memref<17x128xi32, #tpu.memory_space<vmem>> -> memref<1x128xi32, #tpu.memory_space<vmem>>
    %dma_start3A_76 = tpu.memref_squeeze %dma_start3A_75 : memref<1x128xi32, #tpu.memory_space<vmem>> -> memref<128xi32, #tpu.memory_space<vmem>>
    %dma_start3A_77 = arith.constant 0 : i32
    %dma_start3A_78 = arith.constant 0 : i32
    %dma_start3A_79 = tpu.memref_slice %arg2[%dma_start3A_77, %dma_start3A_78] : memref<50000x16xf32, #tpu.memory_space<hbm>> -> memref<50000x16xf32, #tpu.memory_space<hbm>>
    tpu.enqueue_indirect_dma source(%dma_start3A_79 : memref<50000x16xf32, #tpu.memory_space<hbm>>) target(%dma_start3A_73 : memref<128x16xf32, #tpu.memory_space<vmem>>) offsets(%dma_start3A_76 : memref<128xi32, #tpu.memory_space<vmem>>) semaphore(%arg7 : memref<!tpu.dma_semaphore, #tpu.memory_space<semaphore_mem>>)
    %dma_start3A_80 = arith.constant 8 : i32
    %dma_start3A_81 = arith.constant 1024 : i32
    %dma_start3A_82 = arith.constant 0 : i32
    %dma_start3A_83 = tpu.memref_slice %arg6[%dma_start3A_81, %dma_start3A_82] : memref<2176x16xf32, #tpu.memory_space<vmem>> -> memref<128x16xf32, #tpu.memory_space<vmem>>
    %dma_start3A_84 = arith.constant 0 : i32
    %dma_start3A_85 = tpu.memref_slice %arg5[%dma_start3A_80, %dma_start3A_84] : memref<17x128xi32, #tpu.memory_space<vmem>> -> memref<1x128xi32, #tpu.memory_space<vmem>>
    %dma_start3A_86 = tpu.memref_squeeze %dma_start3A_85 : memref<1x128xi32, #tpu.memory_space<vmem>> -> memref<128xi32, #tpu.memory_space<vmem>>
    %dma_start3A_87 = arith.constant 0 : i32
    %dma_start3A_88 = arith.constant 0 : i32
    %dma_start3A_89 = tpu.memref_slice %arg2[%dma_start3A_87, %dma_start3A_88] : memref<50000x16xf32, #tpu.memory_space<hbm>> -> memref<50000x16xf32, #tpu.memory_space<hbm>>
    tpu.enqueue_indirect_dma source(%dma_start3A_89 : memref<50000x16xf32, #tpu.memory_space<hbm>>) target(%dma_start3A_83 : memref<128x16xf32, #tpu.memory_space<vmem>>) offsets(%dma_start3A_86 : memref<128xi32, #tpu.memory_space<vmem>>) semaphore(%arg7 : memref<!tpu.dma_semaphore, #tpu.memory_space<semaphore_mem>>)
    %dma_start3A_90 = arith.constant 9 : i32
    %dma_start3A_91 = arith.constant 1152 : i32
    %dma_start3A_92 = arith.constant 0 : i32
    %dma_start3A_93 = tpu.memref_slice %arg6[%dma_start3A_91, %dma_start3A_92] : memref<2176x16xf32, #tpu.memory_space<vmem>> -> memref<128x16xf32, #tpu.memory_space<vmem>>
    %dma_start3A_94 = arith.constant 0 : i32
    %dma_start3A_95 = tpu.memref_slice %arg5[%dma_start3A_90, %dma_start3A_94] : memref<17x128xi32, #tpu.memory_space<vmem>> -> memref<1x128xi32, #tpu.memory_space<vmem>>
    %dma_start3A_96 = tpu.memref_squeeze %dma_start3A_95 : memref<1x128xi32, #tpu.memory_space<vmem>> -> memref<128xi32, #tpu.memory_space<vmem>>
    %dma_start3A_97 = arith.constant 0 : i32
    %dma_start3A_98 = arith.constant 0 : i32
    %dma_start3A_99 = tpu.memref_slice %arg2[%dma_start3A_97, %dma_start3A_98] : memref<50000x16xf32, #tpu.memory_space<hbm>> -> memref<50000x16xf32, #tpu.memory_space<hbm>>
    tpu.enqueue_indirect_dma source(%dma_start3A_99 : memref<50000x16xf32, #tpu.memory_space<hbm>>) target(%dma_start3A_93 : memref<128x16xf32, #tpu.memory_space<vmem>>) offsets(%dma_start3A_96 : memref<128xi32, #tpu.memory_space<vmem>>) semaphore(%arg7 : memref<!tpu.dma_semaphore, #tpu.memory_space<semaphore_mem>>)
    %dma_start3A_100 = arith.constant 10 : i32
    %dma_start3A_101 = arith.constant 1280 : i32
    %dma_start3A_102 = arith.constant 0 : i32
    %dma_start3A_103 = tpu.memref_slice %arg6[%dma_start3A_101, %dma_start3A_102] : memref<2176x16xf32, #tpu.memory_space<vmem>> -> memref<128x16xf32, #tpu.memory_space<vmem>>
    %dma_start3A_104 = arith.constant 0 : i32
    %dma_start3A_105 = tpu.memref_slice %arg5[%dma_start3A_100, %dma_start3A_104] : memref<17x128xi32, #tpu.memory_space<vmem>> -> memref<1x128xi32, #tpu.memory_space<vmem>>
    %dma_start3A_106 = tpu.memref_squeeze %dma_start3A_105 : memref<1x128xi32, #tpu.memory_space<vmem>> -> memref<128xi32, #tpu.memory_space<vmem>>
    %dma_start3A_107 = arith.constant 0 : i32
    %dma_start3A_108 = arith.constant 0 : i32
    %dma_start3A_109 = tpu.memref_slice %arg2[%dma_start3A_107, %dma_start3A_108] : memref<50000x16xf32, #tpu.memory_space<hbm>> -> memref<50000x16xf32, #tpu.memory_space<hbm>>
    tpu.enqueue_indirect_dma source(%dma_start3A_109 : memref<50000x16xf32, #tpu.memory_space<hbm>>) target(%dma_start3A_103 : memref<128x16xf32, #tpu.memory_space<vmem>>) offsets(%dma_start3A_106 : memref<128xi32, #tpu.memory_space<vmem>>) semaphore(%arg7 : memref<!tpu.dma_semaphore, #tpu.memory_space<semaphore_mem>>)
    %dma_start3A_110 = arith.constant 11 : i32
    %dma_start3A_111 = arith.constant 1408 : i32
    %dma_start3A_112 = arith.constant 0 : i32
    %dma_start3A_113 = tpu.memref_slice %arg6[%dma_start3A_111, %dma_start3A_112] : memref<2176x16xf32, #tpu.memory_space<vmem>> -> memref<128x16xf32, #tpu.memory_space<vmem>>
    %dma_start3A_114 = arith.constant 0 : i32
    %dma_start3A_115 = tpu.memref_slice %arg5[%dma_start3A_110, %dma_start3A_114] : memref<17x128xi32, #tpu.memory_space<vmem>> -> memref<1x128xi32, #tpu.memory_space<vmem>>
    %dma_start3A_116 = tpu.memref_squeeze %dma_start3A_115 : memref<1x128xi32, #tpu.memory_space<vmem>> -> memref<128xi32, #tpu.memory_space<vmem>>
    %dma_start3A_117 = arith.constant 0 : i32
    %dma_start3A_118 = arith.constant 0 : i32
    %dma_start3A_119 = tpu.memref_slice %arg2[%dma_start3A_117, %dma_start3A_118] : memref<50000x16xf32, #tpu.memory_space<hbm>> -> memref<50000x16xf32, #tpu.memory_space<hbm>>
    tpu.enqueue_indirect_dma source(%dma_start3A_119 : memref<50000x16xf32, #tpu.memory_space<hbm>>) target(%dma_start3A_113 : memref<128x16xf32, #tpu.memory_space<vmem>>) offsets(%dma_start3A_116 : memref<128xi32, #tpu.memory_space<vmem>>) semaphore(%arg7 : memref<!tpu.dma_semaphore, #tpu.memory_space<semaphore_mem>>)
    %dma_start3A_120 = arith.constant 12 : i32
    %dma_start3A_121 = arith.constant 1536 : i32
    %dma_start3A_122 = arith.constant 0 : i32
    %dma_start3A_123 = tpu.memref_slice %arg6[%dma_start3A_121, %dma_start3A_122] : memref<2176x16xf32, #tpu.memory_space<vmem>> -> memref<128x16xf32, #tpu.memory_space<vmem>>
    %dma_start3A_124 = arith.constant 0 : i32
    %dma_start3A_125 = tpu.memref_slice %arg5[%dma_start3A_120, %dma_start3A_124] : memref<17x128xi32, #tpu.memory_space<vmem>> -> memref<1x128xi32, #tpu.memory_space<vmem>>
    %dma_start3A_126 = tpu.memref_squeeze %dma_start3A_125 : memref<1x128xi32, #tpu.memory_space<vmem>> -> memref<128xi32, #tpu.memory_space<vmem>>
    %dma_start3A_127 = arith.constant 0 : i32
    %dma_start3A_128 = arith.constant 0 : i32
    %dma_start3A_129 = tpu.memref_slice %arg2[%dma_start3A_127, %dma_start3A_128] : memref<50000x16xf32, #tpu.memory_space<hbm>> -> memref<50000x16xf32, #tpu.memory_space<hbm>>
    tpu.enqueue_indirect_dma source(%dma_start3A_129 : memref<50000x16xf32, #tpu.memory_space<hbm>>) target(%dma_start3A_123 : memref<128x16xf32, #tpu.memory_space<vmem>>) offsets(%dma_start3A_126 : memref<128xi32, #tpu.memory_space<vmem>>) semaphore(%arg7 : memref<!tpu.dma_semaphore, #tpu.memory_space<semaphore_mem>>)
    %dma_start3A_130 = arith.constant 13 : i32
    %dma_start3A_131 = arith.constant 1664 : i32
    %dma_start3A_132 = arith.constant 0 : i32
    %dma_start3A_133 = tpu.memref_slice %arg6[%dma_start3A_131, %dma_start3A_132] : memref<2176x16xf32, #tpu.memory_space<vmem>> -> memref<128x16xf32, #tpu.memory_space<vmem>>
    %dma_start3A_134 = arith.constant 0 : i32
    %dma_start3A_135 = tpu.memref_slice %arg5[%dma_start3A_130, %dma_start3A_134] : memref<17x128xi32, #tpu.memory_space<vmem>> -> memref<1x128xi32, #tpu.memory_space<vmem>>
    %dma_start3A_136 = tpu.memref_squeeze %dma_start3A_135 : memref<1x128xi32, #tpu.memory_space<vmem>> -> memref<128xi32, #tpu.memory_space<vmem>>
    %dma_start3A_137 = arith.constant 0 : i32
    %dma_start3A_138 = arith.constant 0 : i32
    %dma_start3A_139 = tpu.memref_slice %arg2[%dma_start3A_137, %dma_start3A_138] : memref<50000x16xf32, #tpu.memory_space<hbm>> -> memref<50000x16xf32, #tpu.memory_space<hbm>>
    tpu.enqueue_indirect_dma source(%dma_start3A_139 : memref<50000x16xf32, #tpu.memory_space<hbm>>) target(%dma_start3A_133 : memref<128x16xf32, #tpu.memory_space<vmem>>) offsets(%dma_start3A_136 : memref<128xi32, #tpu.memory_space<vmem>>) semaphore(%arg7 : memref<!tpu.dma_semaphore, #tpu.memory_space<semaphore_mem>>)
    %dma_start3A_140 = arith.constant 14 : i32
    %dma_start3A_141 = arith.constant 1792 : i32
    %dma_start3A_142 = arith.constant 0 : i32
    %dma_start3A_143 = tpu.memref_slice %arg6[%dma_start3A_141, %dma_start3A_142] : memref<2176x16xf32, #tpu.memory_space<vmem>> -> memref<128x16xf32, #tpu.memory_space<vmem>>
    %dma_start3A_144 = arith.constant 0 : i32
    %dma_start3A_145 = tpu.memref_slice %arg5[%dma_start3A_140, %dma_start3A_144] : memref<17x128xi32, #tpu.memory_space<vmem>> -> memref<1x128xi32, #tpu.memory_space<vmem>>
    %dma_start3A_146 = tpu.memref_squeeze %dma_start3A_145 : memref<1x128xi32, #tpu.memory_space<vmem>> -> memref<128xi32, #tpu.memory_space<vmem>>
    %dma_start3A_147 = arith.constant 0 : i32
    %dma_start3A_148 = arith.constant 0 : i32
    %dma_start3A_149 = tpu.memref_slice %arg2[%dma_start3A_147, %dma_start3A_148] : memref<50000x16xf32, #tpu.memory_space<hbm>> -> memref<50000x16xf32, #tpu.memory_space<hbm>>
    tpu.enqueue_indirect_dma source(%dma_start3A_149 : memref<50000x16xf32, #tpu.memory_space<hbm>>) target(%dma_start3A_143 : memref<128x16xf32, #tpu.memory_space<vmem>>) offsets(%dma_start3A_146 : memref<128xi32, #tpu.memory_space<vmem>>) semaphore(%arg7 : memref<!tpu.dma_semaphore, #tpu.memory_space<semaphore_mem>>)
    %dma_start3A_150 = arith.constant 15 : i32
    %dma_start3A_151 = arith.constant 1920 : i32
    %dma_start3A_152 = arith.constant 0 : i32
    %dma_start3A_153 = tpu.memref_slice %arg6[%dma_start3A_151, %dma_start3A_152] : memref<2176x16xf32, #tpu.memory_space<vmem>> -> memref<128x16xf32, #tpu.memory_space<vmem>>
    %dma_start3A_154 = arith.constant 0 : i32
    %dma_start3A_155 = tpu.memref_slice %arg5[%dma_start3A_150, %dma_start3A_154] : memref<17x128xi32, #tpu.memory_space<vmem>> -> memref<1x128xi32, #tpu.memory_space<vmem>>
    %dma_start3A_156 = tpu.memref_squeeze %dma_start3A_155 : memref<1x128xi32, #tpu.memory_space<vmem>> -> memref<128xi32, #tpu.memory_space<vmem>>
    %dma_start3A_157 = arith.constant 0 : i32
    %dma_start3A_158 = arith.constant 0 : i32
    %dma_start3A_159 = tpu.memref_slice %arg2[%dma_start3A_157, %dma_start3A_158] : memref<50000x16xf32, #tpu.memory_space<hbm>> -> memref<50000x16xf32, #tpu.memory_space<hbm>>
    tpu.enqueue_indirect_dma source(%dma_start3A_159 : memref<50000x16xf32, #tpu.memory_space<hbm>>) target(%dma_start3A_153 : memref<128x16xf32, #tpu.memory_space<vmem>>) offsets(%dma_start3A_156 : memref<128xi32, #tpu.memory_space<vmem>>) semaphore(%arg7 : memref<!tpu.dma_semaphore, #tpu.memory_space<semaphore_mem>>)
    %dma_start3A_160 = arith.constant 16 : i32
    %dma_start3A_161 = arith.constant 2048 : i32
    %dma_start3A_162 = arith.constant 0 : i32
    %dma_start3A_163 = tpu.memref_slice %arg6[%dma_start3A_161, %dma_start3A_162] : memref<2176x16xf32, #tpu.memory_space<vmem>> -> memref<128x16xf32, #tpu.memory_space<vmem>>
    %dma_start3A_164 = arith.constant 0 : i32
    %dma_start3A_165 = tpu.memref_slice %arg5[%dma_start3A_160, %dma_start3A_164] : memref<17x128xi32, #tpu.memory_space<vmem>> -> memref<1x128xi32, #tpu.memory_space<vmem>>
    %dma_start3A_166 = tpu.memref_squeeze %dma_start3A_165 : memref<1x128xi32, #tpu.memory_space<vmem>> -> memref<128xi32, #tpu.memory_space<vmem>>
    %dma_start3A_167 = arith.constant 0 : i32
    %dma_start3A_168 = arith.constant 0 : i32
    %dma_start3A_169 = tpu.memref_slice %arg2[%dma_start3A_167, %dma_start3A_168] : memref<50000x16xf32, #tpu.memory_space<hbm>> -> memref<50000x16xf32, #tpu.memory_space<hbm>>
    tpu.enqueue_indirect_dma source(%dma_start3A_169 : memref<50000x16xf32, #tpu.memory_space<hbm>>) target(%dma_start3A_163 : memref<128x16xf32, #tpu.memory_space<vmem>>) offsets(%dma_start3A_166 : memref<128xi32, #tpu.memory_space<vmem>>) semaphore(%arg7 : memref<!tpu.dma_semaphore, #tpu.memory_space<semaphore_mem>>)
    %dma_wait3A = arith.constant 0 : i32
    %dma_wait3A_170 = arith.constant 0 : i32
    %dma_wait3A_171 = arith.constant 0 : i32
    %dma_wait3A_172 = tpu.memref_slice %arg6[%dma_wait3A_170, %dma_wait3A_171] : memref<2176x16xf32, #tpu.memory_space<vmem>> -> memref<128x16xf32, #tpu.memory_space<vmem>>
    %dma_wait3A_173 = arith.constant 0 : i32
    %dma_wait3A_174 = tpu.memref_slice %arg5[%dma_wait3A, %dma_wait3A_173] : memref<17x128xi32, #tpu.memory_space<vmem>> -> memref<1x128xi32, #tpu.memory_space<vmem>>
    %dma_wait3A_175 = tpu.memref_squeeze %dma_wait3A_174 : memref<1x128xi32, #tpu.memory_space<vmem>> -> memref<128xi32, #tpu.memory_space<vmem>>
    %dma_wait3A_176 = arith.constant 0 : i32
    %dma_wait3A_177 = arith.constant 0 : i32
    %dma_wait3A_178 = tpu.memref_slice %arg2[%dma_wait3A_176, %dma_wait3A_177] : memref<50000x16xf32, #tpu.memory_space<hbm>> -> memref<50000x16xf32, #tpu.memory_space<hbm>>
    tpu.wait_indirect_dma semaphore(%arg7 : memref<!tpu.dma_semaphore, #tpu.memory_space<semaphore_mem>>) src(%dma_wait3A_178 : memref<50000x16xf32, #tpu.memory_space<hbm>>) dst(%dma_wait3A_172 : memref<128x16xf32, #tpu.memory_space<vmem>>)
    %dma_wait3A_179 = arith.constant 1 : i32
    %dma_wait3A_180 = arith.constant 128 : i32
    %dma_wait3A_181 = arith.constant 0 : i32
    %dma_wait3A_182 = tpu.memref_slice %arg6[%dma_wait3A_180, %dma_wait3A_181] : memref<2176x16xf32, #tpu.memory_space<vmem>> -> memref<128x16xf32, #tpu.memory_space<vmem>>
    %dma_wait3A_183 = arith.constant 0 : i32
    %dma_wait3A_184 = tpu.memref_slice %arg5[%dma_wait3A_179, %dma_wait3A_183] : memref<17x128xi32, #tpu.memory_space<vmem>> -> memref<1x128xi32, #tpu.memory_space<vmem>>
    %dma_wait3A_185 = tpu.memref_squeeze %dma_wait3A_184 : memref<1x128xi32, #tpu.memory_space<vmem>> -> memref<128xi32, #tpu.memory_space<vmem>>
    %dma_wait3A_186 = arith.constant 0 : i32
    %dma_wait3A_187 = arith.constant 0 : i32
    %dma_wait3A_188 = tpu.memref_slice %arg2[%dma_wait3A_186, %dma_wait3A_187] : memref<50000x16xf32, #tpu.memory_space<hbm>> -> memref<50000x16xf32, #tpu.memory_space<hbm>>
    tpu.wait_indirect_dma semaphore(%arg7 : memref<!tpu.dma_semaphore, #tpu.memory_space<semaphore_mem>>) src(%dma_wait3A_188 : memref<50000x16xf32, #tpu.memory_space<hbm>>) dst(%dma_wait3A_182 : memref<128x16xf32, #tpu.memory_space<vmem>>)
    %dma_wait3A_189 = arith.constant 2 : i32
    %dma_wait3A_190 = arith.constant 256 : i32
    %dma_wait3A_191 = arith.constant 0 : i32
    %dma_wait3A_192 = tpu.memref_slice %arg6[%dma_wait3A_190, %dma_wait3A_191] : memref<2176x16xf32, #tpu.memory_space<vmem>> -> memref<128x16xf32, #tpu.memory_space<vmem>>
    %dma_wait3A_193 = arith.constant 0 : i32
    %dma_wait3A_194 = tpu.memref_slice %arg5[%dma_wait3A_189, %dma_wait3A_193] : memref<17x128xi32, #tpu.memory_space<vmem>> -> memref<1x128xi32, #tpu.memory_space<vmem>>
    %dma_wait3A_195 = tpu.memref_squeeze %dma_wait3A_194 : memref<1x128xi32, #tpu.memory_space<vmem>> -> memref<128xi32, #tpu.memory_space<vmem>>
    %dma_wait3A_196 = arith.constant 0 : i32
    %dma_wait3A_197 = arith.constant 0 : i32
    %dma_wait3A_198 = tpu.memref_slice %arg2[%dma_wait3A_196, %dma_wait3A_197] : memref<50000x16xf32, #tpu.memory_space<hbm>> -> memref<50000x16xf32, #tpu.memory_space<hbm>>
    tpu.wait_indirect_dma semaphore(%arg7 : memref<!tpu.dma_semaphore, #tpu.memory_space<semaphore_mem>>) src(%dma_wait3A_198 : memref<50000x16xf32, #tpu.memory_space<hbm>>) dst(%dma_wait3A_192 : memref<128x16xf32, #tpu.memory_space<vmem>>)
    %dma_wait3A_199 = arith.constant 3 : i32
    %dma_wait3A_200 = arith.constant 384 : i32
    %dma_wait3A_201 = arith.constant 0 : i32
    %dma_wait3A_202 = tpu.memref_slice %arg6[%dma_wait3A_200, %dma_wait3A_201] : memref<2176x16xf32, #tpu.memory_space<vmem>> -> memref<128x16xf32, #tpu.memory_space<vmem>>
    %dma_wait3A_203 = arith.constant 0 : i32
    %dma_wait3A_204 = tpu.memref_slice %arg5[%dma_wait3A_199, %dma_wait3A_203] : memref<17x128xi32, #tpu.memory_space<vmem>> -> memref<1x128xi32, #tpu.memory_space<vmem>>
    %dma_wait3A_205 = tpu.memref_squeeze %dma_wait3A_204 : memref<1x128xi32, #tpu.memory_space<vmem>> -> memref<128xi32, #tpu.memory_space<vmem>>
    %dma_wait3A_206 = arith.constant 0 : i32
    %dma_wait3A_207 = arith.constant 0 : i32
    %dma_wait3A_208 = tpu.memref_slice %arg2[%dma_wait3A_206, %dma_wait3A_207] : memref<50000x16xf32, #tpu.memory_space<hbm>> -> memref<50000x16xf32, #tpu.memory_space<hbm>>
    tpu.wait_indirect_dma semaphore(%arg7 : memref<!tpu.dma_semaphore, #tpu.memory_space<semaphore_mem>>) src(%dma_wait3A_208 : memref<50000x16xf32, #tpu.memory_space<hbm>>) dst(%dma_wait3A_202 : memref<128x16xf32, #tpu.memory_space<vmem>>)
    %dma_wait3A_209 = arith.constant 4 : i32
    %dma_wait3A_210 = arith.constant 512 : i32
    %dma_wait3A_211 = arith.constant 0 : i32
    %dma_wait3A_212 = tpu.memref_slice %arg6[%dma_wait3A_210, %dma_wait3A_211] : memref<2176x16xf32, #tpu.memory_space<vmem>> -> memref<128x16xf32, #tpu.memory_space<vmem>>
    %dma_wait3A_213 = arith.constant 0 : i32
    %dma_wait3A_214 = tpu.memref_slice %arg5[%dma_wait3A_209, %dma_wait3A_213] : memref<17x128xi32, #tpu.memory_space<vmem>> -> memref<1x128xi32, #tpu.memory_space<vmem>>
    %dma_wait3A_215 = tpu.memref_squeeze %dma_wait3A_214 : memref<1x128xi32, #tpu.memory_space<vmem>> -> memref<128xi32, #tpu.memory_space<vmem>>
    %dma_wait3A_216 = arith.constant 0 : i32
    %dma_wait3A_217 = arith.constant 0 : i32
    %dma_wait3A_218 = tpu.memref_slice %arg2[%dma_wait3A_216, %dma_wait3A_217] : memref<50000x16xf32, #tpu.memory_space<hbm>> -> memref<50000x16xf32, #tpu.memory_space<hbm>>
    tpu.wait_indirect_dma semaphore(%arg7 : memref<!tpu.dma_semaphore, #tpu.memory_space<semaphore_mem>>) src(%dma_wait3A_218 : memref<50000x16xf32, #tpu.memory_space<hbm>>) dst(%dma_wait3A_212 : memref<128x16xf32, #tpu.memory_space<vmem>>)
    %dma_wait3A_219 = arith.constant 5 : i32
    %dma_wait3A_220 = arith.constant 640 : i32
    %dma_wait3A_221 = arith.constant 0 : i32
    %dma_wait3A_222 = tpu.memref_slice %arg6[%dma_wait3A_220, %dma_wait3A_221] : memref<2176x16xf32, #tpu.memory_space<vmem>> -> memref<128x16xf32, #tpu.memory_space<vmem>>
    %dma_wait3A_223 = arith.constant 0 : i32
    %dma_wait3A_224 = tpu.memref_slice %arg5[%dma_wait3A_219, %dma_wait3A_223] : memref<17x128xi32, #tpu.memory_space<vmem>> -> memref<1x128xi32, #tpu.memory_space<vmem>>
    %dma_wait3A_225 = tpu.memref_squeeze %dma_wait3A_224 : memref<1x128xi32, #tpu.memory_space<vmem>> -> memref<128xi32, #tpu.memory_space<vmem>>
    %dma_wait3A_226 = arith.constant 0 : i32
    %dma_wait3A_227 = arith.constant 0 : i32
    %dma_wait3A_228 = tpu.memref_slice %arg2[%dma_wait3A_226, %dma_wait3A_227] : memref<50000x16xf32, #tpu.memory_space<hbm>> -> memref<50000x16xf32, #tpu.memory_space<hbm>>
    tpu.wait_indirect_dma semaphore(%arg7 : memref<!tpu.dma_semaphore, #tpu.memory_space<semaphore_mem>>) src(%dma_wait3A_228 : memref<50000x16xf32, #tpu.memory_space<hbm>>) dst(%dma_wait3A_222 : memref<128x16xf32, #tpu.memory_space<vmem>>)
    %dma_wait3A_229 = arith.constant 6 : i32
    %dma_wait3A_230 = arith.constant 768 : i32
    %dma_wait3A_231 = arith.constant 0 : i32
    %dma_wait3A_232 = tpu.memref_slice %arg6[%dma_wait3A_230, %dma_wait3A_231] : memref<2176x16xf32, #tpu.memory_space<vmem>> -> memref<128x16xf32, #tpu.memory_space<vmem>>
    %dma_wait3A_233 = arith.constant 0 : i32
    %dma_wait3A_234 = tpu.memref_slice %arg5[%dma_wait3A_229, %dma_wait3A_233] : memref<17x128xi32, #tpu.memory_space<vmem>> -> memref<1x128xi32, #tpu.memory_space<vmem>>
    %dma_wait3A_235 = tpu.memref_squeeze %dma_wait3A_234 : memref<1x128xi32, #tpu.memory_space<vmem>> -> memref<128xi32, #tpu.memory_space<vmem>>
    %dma_wait3A_236 = arith.constant 0 : i32
    %dma_wait3A_237 = arith.constant 0 : i32
    %dma_wait3A_238 = tpu.memref_slice %arg2[%dma_wait3A_236, %dma_wait3A_237] : memref<50000x16xf32, #tpu.memory_space<hbm>> -> memref<50000x16xf32, #tpu.memory_space<hbm>>
    tpu.wait_indirect_dma semaphore(%arg7 : memref<!tpu.dma_semaphore, #tpu.memory_space<semaphore_mem>>) src(%dma_wait3A_238 : memref<50000x16xf32, #tpu.memory_space<hbm>>) dst(%dma_wait3A_232 : memref<128x16xf32, #tpu.memory_space<vmem>>)
    %dma_wait3A_239 = arith.constant 7 : i32
    %dma_wait3A_240 = arith.constant 896 : i32
    %dma_wait3A_241 = arith.constant 0 : i32
    %dma_wait3A_242 = tpu.memref_slice %arg6[%dma_wait3A_240, %dma_wait3A_241] : memref<2176x16xf32, #tpu.memory_space<vmem>> -> memref<128x16xf32, #tpu.memory_space<vmem>>
    %dma_wait3A_243 = arith.constant 0 : i32
    %dma_wait3A_244 = tpu.memref_slice %arg5[%dma_wait3A_239, %dma_wait3A_243] : memref<17x128xi32, #tpu.memory_space<vmem>> -> memref<1x128xi32, #tpu.memory_space<vmem>>
    %dma_wait3A_245 = tpu.memref_squeeze %dma_wait3A_244 : memref<1x128xi32, #tpu.memory_space<vmem>> -> memref<128xi32, #tpu.memory_space<vmem>>
    %dma_wait3A_246 = arith.constant 0 : i32
    %dma_wait3A_247 = arith.constant 0 : i32
    %dma_wait3A_248 = tpu.memref_slice %arg2[%dma_wait3A_246, %dma_wait3A_247] : memref<50000x16xf32, #tpu.memory_space<hbm>> -> memref<50000x16xf32, #tpu.memory_space<hbm>>
    tpu.wait_indirect_dma semaphore(%arg7 : memref<!tpu.dma_semaphore, #tpu.memory_space<semaphore_mem>>) src(%dma_wait3A_248 : memref<50000x16xf32, #tpu.memory_space<hbm>>) dst(%dma_wait3A_242 : memref<128x16xf32, #tpu.memory_space<vmem>>)
    %dma_wait3A_249 = arith.constant 8 : i32
    %dma_wait3A_250 = arith.constant 1024 : i32
    %dma_wait3A_251 = arith.constant 0 : i32
    %dma_wait3A_252 = tpu.memref_slice %arg6[%dma_wait3A_250, %dma_wait3A_251] : memref<2176x16xf32, #tpu.memory_space<vmem>> -> memref<128x16xf32, #tpu.memory_space<vmem>>
    %dma_wait3A_253 = arith.constant 0 : i32
    %dma_wait3A_254 = tpu.memref_slice %arg5[%dma_wait3A_249, %dma_wait3A_253] : memref<17x128xi32, #tpu.memory_space<vmem>> -> memref<1x128xi32, #tpu.memory_space<vmem>>
    %dma_wait3A_255 = tpu.memref_squeeze %dma_wait3A_254 : memref<1x128xi32, #tpu.memory_space<vmem>> -> memref<128xi32, #tpu.memory_space<vmem>>
    %dma_wait3A_256 = arith.constant 0 : i32
    %dma_wait3A_257 = arith.constant 0 : i32
    %dma_wait3A_258 = tpu.memref_slice %arg2[%dma_wait3A_256, %dma_wait3A_257] : memref<50000x16xf32, #tpu.memory_space<hbm>> -> memref<50000x16xf32, #tpu.memory_space<hbm>>
    tpu.wait_indirect_dma semaphore(%arg7 : memref<!tpu.dma_semaphore, #tpu.memory_space<semaphore_mem>>) src(%dma_wait3A_258 : memref<50000x16xf32, #tpu.memory_space<hbm>>) dst(%dma_wait3A_252 : memref<128x16xf32, #tpu.memory_space<vmem>>)
    %dma_wait3A_259 = arith.constant 9 : i32
    %dma_wait3A_260 = arith.constant 1152 : i32
    %dma_wait3A_261 = arith.constant 0 : i32
    %dma_wait3A_262 = tpu.memref_slice %arg6[%dma_wait3A_260, %dma_wait3A_261] : memref<2176x16xf32, #tpu.memory_space<vmem>> -> memref<128x16xf32, #tpu.memory_space<vmem>>
    %dma_wait3A_263 = arith.constant 0 : i32
    %dma_wait3A_264 = tpu.memref_slice %arg5[%dma_wait3A_259, %dma_wait3A_263] : memref<17x128xi32, #tpu.memory_space<vmem>> -> memref<1x128xi32, #tpu.memory_space<vmem>>
    %dma_wait3A_265 = tpu.memref_squeeze %dma_wait3A_264 : memref<1x128xi32, #tpu.memory_space<vmem>> -> memref<128xi32, #tpu.memory_space<vmem>>
    %dma_wait3A_266 = arith.constant 0 : i32
    %dma_wait3A_267 = arith.constant 0 : i32
    %dma_wait3A_268 = tpu.memref_slice %arg2[%dma_wait3A_266, %dma_wait3A_267] : memref<50000x16xf32, #tpu.memory_space<hbm>> -> memref<50000x16xf32, #tpu.memory_space<hbm>>
    tpu.wait_indirect_dma semaphore(%arg7 : memref<!tpu.dma_semaphore, #tpu.memory_space<semaphore_mem>>) src(%dma_wait3A_268 : memref<50000x16xf32, #tpu.memory_space<hbm>>) dst(%dma_wait3A_262 : memref<128x16xf32, #tpu.memory_space<vmem>>)
    %dma_wait3A_269 = arith.constant 10 : i32
    %dma_wait3A_270 = arith.constant 1280 : i32
    %dma_wait3A_271 = arith.constant 0 : i32
    %dma_wait3A_272 = tpu.memref_slice %arg6[%dma_wait3A_270, %dma_wait3A_271] : memref<2176x16xf32, #tpu.memory_space<vmem>> -> memref<128x16xf32, #tpu.memory_space<vmem>>
    %dma_wait3A_273 = arith.constant 0 : i32
    %dma_wait3A_274 = tpu.memref_slice %arg5[%dma_wait3A_269, %dma_wait3A_273] : memref<17x128xi32, #tpu.memory_space<vmem>> -> memref<1x128xi32, #tpu.memory_space<vmem>>
    %dma_wait3A_275 = tpu.memref_squeeze %dma_wait3A_274 : memref<1x128xi32, #tpu.memory_space<vmem>> -> memref<128xi32, #tpu.memory_space<vmem>>
    %dma_wait3A_276 = arith.constant 0 : i32
    %dma_wait3A_277 = arith.constant 0 : i32
    %dma_wait3A_278 = tpu.memref_slice %arg2[%dma_wait3A_276, %dma_wait3A_277] : memref<50000x16xf32, #tpu.memory_space<hbm>> -> memref<50000x16xf32, #tpu.memory_space<hbm>>
    tpu.wait_indirect_dma semaphore(%arg7 : memref<!tpu.dma_semaphore, #tpu.memory_space<semaphore_mem>>) src(%dma_wait3A_278 : memref<50000x16xf32, #tpu.memory_space<hbm>>) dst(%dma_wait3A_272 : memref<128x16xf32, #tpu.memory_space<vmem>>)
    %dma_wait3A_279 = arith.constant 11 : i32
    %dma_wait3A_280 = arith.constant 1408 : i32
    %dma_wait3A_281 = arith.constant 0 : i32
    %dma_wait3A_282 = tpu.memref_slice %arg6[%dma_wait3A_280, %dma_wait3A_281] : memref<2176x16xf32, #tpu.memory_space<vmem>> -> memref<128x16xf32, #tpu.memory_space<vmem>>
    %dma_wait3A_283 = arith.constant 0 : i32
    %dma_wait3A_284 = tpu.memref_slice %arg5[%dma_wait3A_279, %dma_wait3A_283] : memref<17x128xi32, #tpu.memory_space<vmem>> -> memref<1x128xi32, #tpu.memory_space<vmem>>
    %dma_wait3A_285 = tpu.memref_squeeze %dma_wait3A_284 : memref<1x128xi32, #tpu.memory_space<vmem>> -> memref<128xi32, #tpu.memory_space<vmem>>
    %dma_wait3A_286 = arith.constant 0 : i32
    %dma_wait3A_287 = arith.constant 0 : i32
    %dma_wait3A_288 = tpu.memref_slice %arg2[%dma_wait3A_286, %dma_wait3A_287] : memref<50000x16xf32, #tpu.memory_space<hbm>> -> memref<50000x16xf32, #tpu.memory_space<hbm>>
    tpu.wait_indirect_dma semaphore(%arg7 : memref<!tpu.dma_semaphore, #tpu.memory_space<semaphore_mem>>) src(%dma_wait3A_288 : memref<50000x16xf32, #tpu.memory_space<hbm>>) dst(%dma_wait3A_282 : memref<128x16xf32, #tpu.memory_space<vmem>>)
    %dma_wait3A_289 = arith.constant 12 : i32
    %dma_wait3A_290 = arith.constant 1536 : i32
    %dma_wait3A_291 = arith.constant 0 : i32
    %dma_wait3A_292 = tpu.memref_slice %arg6[%dma_wait3A_290, %dma_wait3A_291] : memref<2176x16xf32, #tpu.memory_space<vmem>> -> memref<128x16xf32, #tpu.memory_space<vmem>>
    %dma_wait3A_293 = arith.constant 0 : i32
    %dma_wait3A_294 = tpu.memref_slice %arg5[%dma_wait3A_289, %dma_wait3A_293] : memref<17x128xi32, #tpu.memory_space<vmem>> -> memref<1x128xi32, #tpu.memory_space<vmem>>
    %dma_wait3A_295 = tpu.memref_squeeze %dma_wait3A_294 : memref<1x128xi32, #tpu.memory_space<vmem>> -> memref<128xi32, #tpu.memory_space<vmem>>
    %dma_wait3A_296 = arith.constant 0 : i32
    %dma_wait3A_297 = arith.constant 0 : i32
    %dma_wait3A_298 = tpu.memref_slice %arg2[%dma_wait3A_296, %dma_wait3A_297] : memref<50000x16xf32, #tpu.memory_space<hbm>> -> memref<50000x16xf32, #tpu.memory_space<hbm>>
    tpu.wait_indirect_dma semaphore(%arg7 : memref<!tpu.dma_semaphore, #tpu.memory_space<semaphore_mem>>) src(%dma_wait3A_298 : memref<50000x16xf32, #tpu.memory_space<hbm>>) dst(%dma_wait3A_292 : memref<128x16xf32, #tpu.memory_space<vmem>>)
    %dma_wait3A_299 = arith.constant 13 : i32
    %dma_wait3A_300 = arith.constant 1664 : i32
    %dma_wait3A_301 = arith.constant 0 : i32
    %dma_wait3A_302 = tpu.memref_slice %arg6[%dma_wait3A_300, %dma_wait3A_301] : memref<2176x16xf32, #tpu.memory_space<vmem>> -> memref<128x16xf32, #tpu.memory_space<vmem>>
    %dma_wait3A_303 = arith.constant 0 : i32
    %dma_wait3A_304 = tpu.memref_slice %arg5[%dma_wait3A_299, %dma_wait3A_303] : memref<17x128xi32, #tpu.memory_space<vmem>> -> memref<1x128xi32, #tpu.memory_space<vmem>>
    %dma_wait3A_305 = tpu.memref_squeeze %dma_wait3A_304 : memref<1x128xi32, #tpu.memory_space<vmem>> -> memref<128xi32, #tpu.memory_space<vmem>>
    %dma_wait3A_306 = arith.constant 0 : i32
    %dma_wait3A_307 = arith.constant 0 : i32
    %dma_wait3A_308 = tpu.memref_slice %arg2[%dma_wait3A_306, %dma_wait3A_307] : memref<50000x16xf32, #tpu.memory_space<hbm>> -> memref<50000x16xf32, #tpu.memory_space<hbm>>
    tpu.wait_indirect_dma semaphore(%arg7 : memref<!tpu.dma_semaphore, #tpu.memory_space<semaphore_mem>>) src(%dma_wait3A_308 : memref<50000x16xf32, #tpu.memory_space<hbm>>) dst(%dma_wait3A_302 : memref<128x16xf32, #tpu.memory_space<vmem>>)
    %dma_wait3A_309 = arith.constant 14 : i32
    %dma_wait3A_310 = arith.constant 1792 : i32
    %dma_wait3A_311 = arith.constant 0 : i32
    %dma_wait3A_312 = tpu.memref_slice %arg6[%dma_wait3A_310, %dma_wait3A_311] : memref<2176x16xf32, #tpu.memory_space<vmem>> -> memref<128x16xf32, #tpu.memory_space<vmem>>
    %dma_wait3A_313 = arith.constant 0 : i32
    %dma_wait3A_314 = tpu.memref_slice %arg5[%dma_wait3A_309, %dma_wait3A_313] : memref<17x128xi32, #tpu.memory_space<vmem>> -> memref<1x128xi32, #tpu.memory_space<vmem>>
    %dma_wait3A_315 = tpu.memref_squeeze %dma_wait3A_314 : memref<1x128xi32, #tpu.memory_space<vmem>> -> memref<128xi32, #tpu.memory_space<vmem>>
    %dma_wait3A_316 = arith.constant 0 : i32
    %dma_wait3A_317 = arith.constant 0 : i32
    %dma_wait3A_318 = tpu.memref_slice %arg2[%dma_wait3A_316, %dma_wait3A_317] : memref<50000x16xf32, #tpu.memory_space<hbm>> -> memref<50000x16xf32, #tpu.memory_space<hbm>>
    tpu.wait_indirect_dma semaphore(%arg7 : memref<!tpu.dma_semaphore, #tpu.memory_space<semaphore_mem>>) src(%dma_wait3A_318 : memref<50000x16xf32, #tpu.memory_space<hbm>>) dst(%dma_wait3A_312 : memref<128x16xf32, #tpu.memory_space<vmem>>)
    %dma_wait3A_319 = arith.constant 15 : i32
    %dma_wait3A_320 = arith.constant 1920 : i32
    %dma_wait3A_321 = arith.constant 0 : i32
    %dma_wait3A_322 = tpu.memref_slice %arg6[%dma_wait3A_320, %dma_wait3A_321] : memref<2176x16xf32, #tpu.memory_space<vmem>> -> memref<128x16xf32, #tpu.memory_space<vmem>>
    %dma_wait3A_323 = arith.constant 0 : i32
    %dma_wait3A_324 = tpu.memref_slice %arg5[%dma_wait3A_319, %dma_wait3A_323] : memref<17x128xi32, #tpu.memory_space<vmem>> -> memref<1x128xi32, #tpu.memory_space<vmem>>
    %dma_wait3A_325 = tpu.memref_squeeze %dma_wait3A_324 : memref<1x128xi32, #tpu.memory_space<vmem>> -> memref<128xi32, #tpu.memory_space<vmem>>
    %dma_wait3A_326 = arith.constant 0 : i32
    %dma_wait3A_327 = arith.constant 0 : i32
    %dma_wait3A_328 = tpu.memref_slice %arg2[%dma_wait3A_326, %dma_wait3A_327] : memref<50000x16xf32, #tpu.memory_space<hbm>> -> memref<50000x16xf32, #tpu.memory_space<hbm>>
    tpu.wait_indirect_dma semaphore(%arg7 : memref<!tpu.dma_semaphore, #tpu.memory_space<semaphore_mem>>) src(%dma_wait3A_328 : memref<50000x16xf32, #tpu.memory_space<hbm>>) dst(%dma_wait3A_322 : memref<128x16xf32, #tpu.memory_space<vmem>>)
    %dma_wait3A_329 = arith.constant 16 : i32
    %dma_wait3A_330 = arith.constant 2048 : i32
    %dma_wait3A_331 = arith.constant 0 : i32
    %dma_wait3A_332 = tpu.memref_slice %arg6[%dma_wait3A_330, %dma_wait3A_331] : memref<2176x16xf32, #tpu.memory_space<vmem>> -> memref<128x16xf32, #tpu.memory_space<vmem>>
    %dma_wait3A_333 = arith.constant 0 : i32
    %dma_wait3A_334 = tpu.memref_slice %arg5[%dma_wait3A_329, %dma_wait3A_333] : memref<17x128xi32, #tpu.memory_space<vmem>> -> memref<1x128xi32, #tpu.memory_space<vmem>>
    %dma_wait3A_335 = tpu.memref_squeeze %dma_wait3A_334 : memref<1x128xi32, #tpu.memory_space<vmem>> -> memref<128xi32, #tpu.memory_space<vmem>>
    %dma_wait3A_336 = arith.constant 0 : i32
    %dma_wait3A_337 = arith.constant 0 : i32
    %dma_wait3A_338 = tpu.memref_slice %arg2[%dma_wait3A_336, %dma_wait3A_337] : memref<50000x16xf32, #tpu.memory_space<hbm>> -> memref<50000x16xf32, #tpu.memory_space<hbm>>
    tpu.wait_indirect_dma semaphore(%arg7 : memref<!tpu.dma_semaphore, #tpu.memory_space<semaphore_mem>>) src(%dma_wait3A_338 : memref<50000x16xf32, #tpu.memory_space<hbm>>) dst(%dma_wait3A_332 : memref<128x16xf32, #tpu.memory_space<vmem>>)
    %mul3A_339 = arith.constant 2176 : i32
    %mul3A_340 = arith.muli %add3A, %mul3A_339 : i32
    "tpu.region"() ({
      %run_scoped3A = tpu.sem_alloc : memref<!tpu.dma_semaphore, #tpu.memory_space<semaphore_mem>>
      %dma_start3A_341 = arith.constant 0 : i32
      %dma_start3A_342 = tpu.memref_slice %arg4[%mul3A_340, %dma_start3A_341] : memref<69632x16xf32, #tpu.memory_space<hbm>> -> memref<2176x16xf32, #tpu.memory_space<hbm>>
      %dma_start3A_343 = arith.constant 0 : i32
      %dma_start3A_344 = tpu.memref_slice %arg4[%mul3A_340, %dma_start3A_343] : memref<69632x16xf32, #tpu.memory_space<hbm>> -> memref<2176x16xf32, #tpu.memory_space<hbm>>
      tpu.enqueue_dma source(%arg6 : memref<2176x16xf32, #tpu.memory_space<vmem>>) target(%dma_start3A_344 : memref<2176x16xf32, #tpu.memory_space<hbm>>) target_semaphore(%run_scoped3A : memref<!tpu.dma_semaphore, #tpu.memory_space<semaphore_mem>>)
      %dma_wait3A_345 = arith.constant 0 : i32
      %dma_wait3A_346 = tpu.memref_slice %arg4[%mul3A_340, %dma_wait3A_345] : memref<69632x16xf32, #tpu.memory_space<hbm>> -> memref<2176x16xf32, #tpu.memory_space<hbm>>
      %dma_wait3A_347 = arith.constant 0 : i32
      %dma_wait3A_348 = tpu.memref_slice %arg4[%mul3A_340, %dma_wait3A_347] : memref<69632x16xf32, #tpu.memory_space<hbm>> -> memref<2176x16xf32, #tpu.memory_space<hbm>>
      tpu.wait_dma2 semaphore(%run_scoped3A : memref<!tpu.dma_semaphore, #tpu.memory_space<semaphore_mem>>) src(%arg6 : memref<2176x16xf32, #tpu.memory_space<vmem>>) dst(%dma_wait3A_348 : memref<2176x16xf32, #tpu.memory_space<hbm>>)
      tpu.yield
    }) : () -> ()
    return
  }
}

module attributes {stable_mosaic.version = 14 : i64} {
  func.func @_tc_body(%arg0: i32, %arg1: memref<1xf32, #tpu.memory_space<smem>>, %arg2: memref<4352x16xf32, #tpu.memory_space<vmem>>, %arg3: memref<256x16xf32, #tpu.memory_space<vmem>>, %arg4: memref<100x16xf32, #tpu.memory_space<vmem>>, %arg5: memref<51x240x256xf32, #tpu.memory_space<vmem>>) attributes {dimension_semantics = [#tpu.dimension_semantics<parallel>], iteration_bounds = array<i64: 16>, scalar_prefetch = 0 : i64, scratch_operands = 0 : i64, tpu.core_type = #tpu.core_type<tc>, window_params = [{transform_indices = @transform_0, window_bounds = array<i64: 1>}, {transform_indices = @transform_1, window_bounds = array<i64: 4352, 16>}, {transform_indices = @transform_2, window_bounds = array<i64: 256, 16>}, {pipeline_mode = #tpu.pipeline_mode<synchronous>, transform_indices = @transform_3, window_bounds = array<i64: 100, 16>}, {transform_indices = @transform_4, window_bounds = array<i64: 51, 240, 256>}]} {
    %get3A = arith.constant 0 : index
    %get3A_0 = memref.load %arg1[%get3A] : memref<1xf32, #tpu.memory_space<smem>>
    %get3A_1 = arith.constant 0 : index
    %get3A_2 = arith.constant 0 : index
    %get3A_3 = vector.load %arg2[%get3A_1, %get3A_2] : memref<4352x16xf32, #tpu.memory_space<vmem>>, vector<4352x16xf32>
    %slice3A = vector.extract_strided_slice %get3A_3 {offsets = [256, 0], sizes = [4096, 16], strides = [1, 1]} : vector<4352x16xf32> to vector<4096x16xf32>
    %reshape3A = vector.shape_cast %slice3A : vector<4096x16xf32> to vector<16x256x16xf32>
    %slice3A_4 = vector.extract_strided_slice %get3A_3 {offsets = [0, 0], sizes = [256, 16], strides = [1, 1]} : vector<4352x16xf32> to vector<256x16xf32>
    %transpose3A = tpu.transpose %slice3A_4, [1, 0] : vector<256x16xf32> -> vector<16x256xf32>
    %get3A_5 = arith.constant 0 : index
    %get3A_6 = arith.constant 0 : index
    %get3A_7 = vector.load %arg3[%get3A_5, %get3A_6] : memref<256x16xf32, #tpu.memory_space<vmem>>, vector<256x16xf32>
    %transpose3A_8 = tpu.transpose %get3A_7, [1, 0] : vector<256x16xf32> -> vector<16x256xf32>
    %get3A_9 = arith.constant 0 : index
    %get3A_10 = arith.constant 0 : index
    %get3A_11 = vector.load %arg4[%get3A_9, %get3A_10] : memref<100x16xf32, #tpu.memory_space<vmem>>, vector<100x16xf32>
    %transpose3A_12 = tpu.transpose %get3A_11, [1, 0] : vector<100x16xf32> -> vector<16x100xf32>
    %slice3A_13 = vector.extract_strided_slice %reshape3A {offsets = [0, 0, 0], sizes = [1, 256, 16], strides = [1, 1, 1]} : vector<16x256x16xf32> to vector<1x256x16xf32>
    %squeeze3A = vector.shape_cast %slice3A_13 : vector<1x256x16xf32> to vector<256x16xf32>
    %transpose3A_14 = tpu.transpose %squeeze3A, [1, 0] : vector<256x16xf32> -> vector<16x256xf32>
    %slice3A_15 = vector.extract_strided_slice %reshape3A {offsets = [1, 0, 0], sizes = [1, 256, 16], strides = [1, 1, 1]} : vector<16x256x16xf32> to vector<1x256x16xf32>
    %squeeze3A_16 = vector.shape_cast %slice3A_15 : vector<1x256x16xf32> to vector<256x16xf32>
    %transpose3A_17 = tpu.transpose %squeeze3A_16, [1, 0] : vector<256x16xf32> -> vector<16x256xf32>
    %slice3A_18 = vector.extract_strided_slice %reshape3A {offsets = [2, 0, 0], sizes = [1, 256, 16], strides = [1, 1, 1]} : vector<16x256x16xf32> to vector<1x256x16xf32>
    %squeeze3A_19 = vector.shape_cast %slice3A_18 : vector<1x256x16xf32> to vector<256x16xf32>
    %transpose3A_20 = tpu.transpose %squeeze3A_19, [1, 0] : vector<256x16xf32> -> vector<16x256xf32>
    %slice3A_21 = vector.extract_strided_slice %reshape3A {offsets = [3, 0, 0], sizes = [1, 256, 16], strides = [1, 1, 1]} : vector<16x256x16xf32> to vector<1x256x16xf32>
    %squeeze3A_22 = vector.shape_cast %slice3A_21 : vector<1x256x16xf32> to vector<256x16xf32>
    %transpose3A_23 = tpu.transpose %squeeze3A_22, [1, 0] : vector<256x16xf32> -> vector<16x256xf32>
    %slice3A_24 = vector.extract_strided_slice %reshape3A {offsets = [4, 0, 0], sizes = [1, 256, 16], strides = [1, 1, 1]} : vector<16x256x16xf32> to vector<1x256x16xf32>
    %squeeze3A_25 = vector.shape_cast %slice3A_24 : vector<1x256x16xf32> to vector<256x16xf32>
    %transpose3A_26 = tpu.transpose %squeeze3A_25, [1, 0] : vector<256x16xf32> -> vector<16x256xf32>
    %slice3A_27 = vector.extract_strided_slice %reshape3A {offsets = [5, 0, 0], sizes = [1, 256, 16], strides = [1, 1, 1]} : vector<16x256x16xf32> to vector<1x256x16xf32>
    %squeeze3A_28 = vector.shape_cast %slice3A_27 : vector<1x256x16xf32> to vector<256x16xf32>
    %transpose3A_29 = tpu.transpose %squeeze3A_28, [1, 0] : vector<256x16xf32> -> vector<16x256xf32>
    %slice3A_30 = vector.extract_strided_slice %reshape3A {offsets = [6, 0, 0], sizes = [1, 256, 16], strides = [1, 1, 1]} : vector<16x256x16xf32> to vector<1x256x16xf32>
    %squeeze3A_31 = vector.shape_cast %slice3A_30 : vector<1x256x16xf32> to vector<256x16xf32>
    %transpose3A_32 = tpu.transpose %squeeze3A_31, [1, 0] : vector<256x16xf32> -> vector<16x256xf32>
    %slice3A_33 = vector.extract_strided_slice %reshape3A {offsets = [7, 0, 0], sizes = [1, 256, 16], strides = [1, 1, 1]} : vector<16x256x16xf32> to vector<1x256x16xf32>
    %squeeze3A_34 = vector.shape_cast %slice3A_33 : vector<1x256x16xf32> to vector<256x16xf32>
    %transpose3A_35 = tpu.transpose %squeeze3A_34, [1, 0] : vector<256x16xf32> -> vector<16x256xf32>
    %slice3A_36 = vector.extract_strided_slice %reshape3A {offsets = [8, 0, 0], sizes = [1, 256, 16], strides = [1, 1, 1]} : vector<16x256x16xf32> to vector<1x256x16xf32>
    %squeeze3A_37 = vector.shape_cast %slice3A_36 : vector<1x256x16xf32> to vector<256x16xf32>
    %transpose3A_38 = tpu.transpose %squeeze3A_37, [1, 0] : vector<256x16xf32> -> vector<16x256xf32>
    %slice3A_39 = vector.extract_strided_slice %reshape3A {offsets = [9, 0, 0], sizes = [1, 256, 16], strides = [1, 1, 1]} : vector<16x256x16xf32> to vector<1x256x16xf32>
    %squeeze3A_40 = vector.shape_cast %slice3A_39 : vector<1x256x16xf32> to vector<256x16xf32>
    %transpose3A_41 = tpu.transpose %squeeze3A_40, [1, 0] : vector<256x16xf32> -> vector<16x256xf32>
    %slice3A_42 = vector.extract_strided_slice %reshape3A {offsets = [10, 0, 0], sizes = [1, 256, 16], strides = [1, 1, 1]} : vector<16x256x16xf32> to vector<1x256x16xf32>
    %squeeze3A_43 = vector.shape_cast %slice3A_42 : vector<1x256x16xf32> to vector<256x16xf32>
    %transpose3A_44 = tpu.transpose %squeeze3A_43, [1, 0] : vector<256x16xf32> -> vector<16x256xf32>
    %slice3A_45 = vector.extract_strided_slice %reshape3A {offsets = [11, 0, 0], sizes = [1, 256, 16], strides = [1, 1, 1]} : vector<16x256x16xf32> to vector<1x256x16xf32>
    %squeeze3A_46 = vector.shape_cast %slice3A_45 : vector<1x256x16xf32> to vector<256x16xf32>
    %transpose3A_47 = tpu.transpose %squeeze3A_46, [1, 0] : vector<256x16xf32> -> vector<16x256xf32>
    %slice3A_48 = vector.extract_strided_slice %reshape3A {offsets = [12, 0, 0], sizes = [1, 256, 16], strides = [1, 1, 1]} : vector<16x256x16xf32> to vector<1x256x16xf32>
    %squeeze3A_49 = vector.shape_cast %slice3A_48 : vector<1x256x16xf32> to vector<256x16xf32>
    %transpose3A_50 = tpu.transpose %squeeze3A_49, [1, 0] : vector<256x16xf32> -> vector<16x256xf32>
    %slice3A_51 = vector.extract_strided_slice %reshape3A {offsets = [13, 0, 0], sizes = [1, 256, 16], strides = [1, 1, 1]} : vector<16x256x16xf32> to vector<1x256x16xf32>
    %squeeze3A_52 = vector.shape_cast %slice3A_51 : vector<1x256x16xf32> to vector<256x16xf32>
    %transpose3A_53 = tpu.transpose %squeeze3A_52, [1, 0] : vector<256x16xf32> -> vector<16x256xf32>
    %slice3A_54 = vector.extract_strided_slice %reshape3A {offsets = [14, 0, 0], sizes = [1, 256, 16], strides = [1, 1, 1]} : vector<16x256x16xf32> to vector<1x256x16xf32>
    %squeeze3A_55 = vector.shape_cast %slice3A_54 : vector<1x256x16xf32> to vector<256x16xf32>
    %transpose3A_56 = tpu.transpose %squeeze3A_55, [1, 0] : vector<256x16xf32> -> vector<16x256xf32>
    %slice3A_57 = vector.extract_strided_slice %reshape3A {offsets = [15, 0, 0], sizes = [1, 256, 16], strides = [1, 1, 1]} : vector<16x256x16xf32> to vector<1x256x16xf32>
    %squeeze3A_58 = vector.shape_cast %slice3A_57 : vector<1x256x16xf32> to vector<256x16xf32>
    %transpose3A_59 = tpu.transpose %squeeze3A_58, [1, 0] : vector<256x16xf32> -> vector<16x256xf32>
    %stack3A = vector.shape_cast %transpose3A_14 : vector<16x256xf32> to vector<1x16x256xf32>
    %stack3A_60 = vector.shape_cast %transpose3A_17 : vector<16x256xf32> to vector<1x16x256xf32>
    %stack3A_61 = vector.shape_cast %transpose3A_20 : vector<16x256xf32> to vector<1x16x256xf32>
    %stack3A_62 = vector.shape_cast %transpose3A_23 : vector<16x256xf32> to vector<1x16x256xf32>
    %stack3A_63 = vector.shape_cast %transpose3A_26 : vector<16x256xf32> to vector<1x16x256xf32>
    %stack3A_64 = vector.shape_cast %transpose3A_29 : vector<16x256xf32> to vector<1x16x256xf32>
    %stack3A_65 = vector.shape_cast %transpose3A_32 : vector<16x256xf32> to vector<1x16x256xf32>
    %stack3A_66 = vector.shape_cast %transpose3A_35 : vector<16x256xf32> to vector<1x16x256xf32>
    %stack3A_67 = vector.shape_cast %transpose3A_38 : vector<16x256xf32> to vector<1x16x256xf32>
    %stack3A_68 = vector.shape_cast %transpose3A_41 : vector<16x256xf32> to vector<1x16x256xf32>
    %stack3A_69 = vector.shape_cast %transpose3A_44 : vector<16x256xf32> to vector<1x16x256xf32>
    %stack3A_70 = vector.shape_cast %transpose3A_47 : vector<16x256xf32> to vector<1x16x256xf32>
    %stack3A_71 = vector.shape_cast %transpose3A_50 : vector<16x256xf32> to vector<1x16x256xf32>
    %stack3A_72 = vector.shape_cast %transpose3A_53 : vector<16x256xf32> to vector<1x16x256xf32>
    %stack3A_73 = vector.shape_cast %transpose3A_56 : vector<16x256xf32> to vector<1x16x256xf32>
    %stack3A_74 = vector.shape_cast %transpose3A_59 : vector<16x256xf32> to vector<1x16x256xf32>
    %stack3A_75 = tpu.concatenate %stack3A, %stack3A_60, %stack3A_61, %stack3A_62, %stack3A_63, %stack3A_64, %stack3A_65, %stack3A_66, %stack3A_67, %stack3A_68, %stack3A_69, %stack3A_70, %stack3A_71, %stack3A_72, %stack3A_73, %stack3A_74 in 0 : vector<1x16x256xf32>, vector<1x16x256xf32>, vector<1x16x256xf32>, vector<1x16x256xf32>, vector<1x16x256xf32>, vector<1x16x256xf32>, vector<1x16x256xf32>, vector<1x16x256xf32>, vector<1x16x256xf32>, vector<1x16x256xf32>, vector<1x16x256xf32>, vector<1x16x256xf32>, vector<1x16x256xf32>, vector<1x16x256xf32>, vector<1x16x256xf32>, vector<1x16x256xf32> -> vector<16x16x256xf32>
    %iota3A = tpu.iota {dimensions = array<i32: 0>} : vector<100x1xi32>
    %convert_element_type3A = arith.sitofp %iota3A : vector<100x1xi32> to vector<100x1xf32>
    %div3A = arith.constant 1.000000e+00 : f32
    %div3A_76 = vector.broadcast %div3A : f32 to vector<16x256xf32>
    %div3A_77 = arith.divf %div3A_76, %transpose3A_8 : vector<16x256xf32>
    %slice3A_78 = vector.extract_strided_slice %stack3A_75 {offsets = [0, 3, 0], sizes = [1, 1, 256], strides = [1, 1, 1]} : vector<16x16x256xf32> to vector<1x1x256xf32>
    %squeeze3A_79 = vector.shape_cast %slice3A_78 : vector<1x1x256xf32> to vector<1x256xf32>
    %eq3A = vector.broadcast %convert_element_type3A : vector<100x1xf32> to vector<100x256xf32>
    %eq3A_80 = vector.broadcast %squeeze3A_79 : vector<1x256xf32> to vector<100x256xf32>
    %eq3A_81 = arith.cmpf oeq, %eq3A, %eq3A_80 : vector<100x256xf32>
    %convert_element_type3A_82 = arith.extui %eq3A_81 : vector<100x256xi1> to vector<100x256xi32>
    %convert_element_type3A_83 = arith.sitofp %convert_element_type3A_82 : vector<100x256xi32> to vector<100x256xf32>
    %dot_general3A = arith.constant dense<0.000000e+00> : vector<16x256xf32>
    %dot_general3A_84 = tpu.matmul %transpose3A_12, %convert_element_type3A_83, %dot_general3A {dimension_numbers = #tpu.dot_dimension_numbers<[1], [0], [0], [1], [0, 0, 1, 1], [], []>, transpose_lhs_hint = false} : vector<16x100xf32>, vector<100x256xf32>, vector<16x256xf32> -> vector<16x256xf32>
    %slice3A_85 = vector.extract_strided_slice %div3A_77 {offsets = [0, 0], sizes = [1, 256], strides = [1, 1]} : vector<16x256xf32> to vector<1x256xf32>
    %mul3A = vector.broadcast %slice3A_85 : vector<1x256xf32> to vector<16x256xf32>
    %mul3A_86 = arith.mulf %dot_general3A_84, %mul3A : vector<16x256xf32>
    %add3A = vector.broadcast %get3A_0 : f32 to vector<16x256xf32>
    %add3A_87 = arith.addf %mul3A_86, %add3A : vector<16x256xf32>
    %slice3A_88 = vector.extract_strided_slice %stack3A_75 {offsets = [1, 3, 0], sizes = [1, 1, 256], strides = [1, 1, 1]} : vector<16x16x256xf32> to vector<1x1x256xf32>
    %squeeze3A_89 = vector.shape_cast %slice3A_88 : vector<1x1x256xf32> to vector<1x256xf32>
    %eq3A_90 = vector.broadcast %convert_element_type3A : vector<100x1xf32> to vector<100x256xf32>
    %eq3A_91 = vector.broadcast %squeeze3A_89 : vector<1x256xf32> to vector<100x256xf32>
    %eq3A_92 = arith.cmpf oeq, %eq3A_90, %eq3A_91 : vector<100x256xf32>
    %convert_element_type3A_93 = arith.extui %eq3A_92 : vector<100x256xi1> to vector<100x256xi32>
    %convert_element_type3A_94 = arith.sitofp %convert_element_type3A_93 : vector<100x256xi32> to vector<100x256xf32>
    %dot_general3A_95 = arith.constant dense<0.000000e+00> : vector<16x256xf32>
    %dot_general3A_96 = tpu.matmul %transpose3A_12, %convert_element_type3A_94, %dot_general3A_95 {dimension_numbers = #tpu.dot_dimension_numbers<[1], [0], [0], [1], [0, 0, 1, 1], [], []>, transpose_lhs_hint = false} : vector<16x100xf32>, vector<100x256xf32>, vector<16x256xf32> -> vector<16x256xf32>
    %slice3A_97 = vector.extract_strided_slice %div3A_77 {offsets = [1, 0], sizes = [1, 256], strides = [1, 1]} : vector<16x256xf32> to vector<1x256xf32>
    %mul3A_98 = vector.broadcast %slice3A_97 : vector<1x256xf32> to vector<16x256xf32>
    %mul3A_99 = arith.mulf %dot_general3A_96, %mul3A_98 : vector<16x256xf32>
    %add3A_100 = vector.broadcast %get3A_0 : f32 to vector<16x256xf32>
    %add3A_101 = arith.addf %mul3A_99, %add3A_100 : vector<16x256xf32>
    %slice3A_102 = vector.extract_strided_slice %stack3A_75 {offsets = [2, 3, 0], sizes = [1, 1, 256], strides = [1, 1, 1]} : vector<16x16x256xf32> to vector<1x1x256xf32>
    %squeeze3A_103 = vector.shape_cast %slice3A_102 : vector<1x1x256xf32> to vector<1x256xf32>
    %eq3A_104 = vector.broadcast %convert_element_type3A : vector<100x1xf32> to vector<100x256xf32>
    %eq3A_105 = vector.broadcast %squeeze3A_103 : vector<1x256xf32> to vector<100x256xf32>
    %eq3A_106 = arith.cmpf oeq, %eq3A_104, %eq3A_105 : vector<100x256xf32>
    %convert_element_type3A_107 = arith.extui %eq3A_106 : vector<100x256xi1> to vector<100x256xi32>
    %convert_element_type3A_108 = arith.sitofp %convert_element_type3A_107 : vector<100x256xi32> to vector<100x256xf32>
    %dot_general3A_109 = arith.constant dense<0.000000e+00> : vector<16x256xf32>
    %dot_general3A_110 = tpu.matmul %transpose3A_12, %convert_element_type3A_108, %dot_general3A_109 {dimension_numbers = #tpu.dot_dimension_numbers<[1], [0], [0], [1], [0, 0, 1, 1], [], []>, transpose_lhs_hint = false} : vector<16x100xf32>, vector<100x256xf32>, vector<16x256xf32> -> vector<16x256xf32>
    %slice3A_111 = vector.extract_strided_slice %div3A_77 {offsets = [2, 0], sizes = [1, 256], strides = [1, 1]} : vector<16x256xf32> to vector<1x256xf32>
    %mul3A_112 = vector.broadcast %slice3A_111 : vector<1x256xf32> to vector<16x256xf32>
    %mul3A_113 = arith.mulf %dot_general3A_110, %mul3A_112 : vector<16x256xf32>
    %add3A_114 = vector.broadcast %get3A_0 : f32 to vector<16x256xf32>
    %add3A_115 = arith.addf %mul3A_113, %add3A_114 : vector<16x256xf32>
    %slice3A_116 = vector.extract_strided_slice %stack3A_75 {offsets = [3, 3, 0], sizes = [1, 1, 256], strides = [1, 1, 1]} : vector<16x16x256xf32> to vector<1x1x256xf32>
    %squeeze3A_117 = vector.shape_cast %slice3A_116 : vector<1x1x256xf32> to vector<1x256xf32>
    %eq3A_118 = vector.broadcast %convert_element_type3A : vector<100x1xf32> to vector<100x256xf32>
    %eq3A_119 = vector.broadcast %squeeze3A_117 : vector<1x256xf32> to vector<100x256xf32>
    %eq3A_120 = arith.cmpf oeq, %eq3A_118, %eq3A_119 : vector<100x256xf32>
    %convert_element_type3A_121 = arith.extui %eq3A_120 : vector<100x256xi1> to vector<100x256xi32>
    %convert_element_type3A_122 = arith.sitofp %convert_element_type3A_121 : vector<100x256xi32> to vector<100x256xf32>
    %dot_general3A_123 = arith.constant dense<0.000000e+00> : vector<16x256xf32>
    %dot_general3A_124 = tpu.matmul %transpose3A_12, %convert_element_type3A_122, %dot_general3A_123 {dimension_numbers = #tpu.dot_dimension_numbers<[1], [0], [0], [1], [0, 0, 1, 1], [], []>, transpose_lhs_hint = false} : vector<16x100xf32>, vector<100x256xf32>, vector<16x256xf32> -> vector<16x256xf32>
    %slice3A_125 = vector.extract_strided_slice %div3A_77 {offsets = [3, 0], sizes = [1, 256], strides = [1, 1]} : vector<16x256xf32> to vector<1x256xf32>
    %mul3A_126 = vector.broadcast %slice3A_125 : vector<1x256xf32> to vector<16x256xf32>
    %mul3A_127 = arith.mulf %dot_general3A_124, %mul3A_126 : vector<16x256xf32>
    %add3A_128 = vector.broadcast %get3A_0 : f32 to vector<16x256xf32>
    %add3A_129 = arith.addf %mul3A_127, %add3A_128 : vector<16x256xf32>
    %slice3A_130 = vector.extract_strided_slice %stack3A_75 {offsets = [4, 3, 0], sizes = [1, 1, 256], strides = [1, 1, 1]} : vector<16x16x256xf32> to vector<1x1x256xf32>
    %squeeze3A_131 = vector.shape_cast %slice3A_130 : vector<1x1x256xf32> to vector<1x256xf32>
    %eq3A_132 = vector.broadcast %convert_element_type3A : vector<100x1xf32> to vector<100x256xf32>
    %eq3A_133 = vector.broadcast %squeeze3A_131 : vector<1x256xf32> to vector<100x256xf32>
    %eq3A_134 = arith.cmpf oeq, %eq3A_132, %eq3A_133 : vector<100x256xf32>
    %convert_element_type3A_135 = arith.extui %eq3A_134 : vector<100x256xi1> to vector<100x256xi32>
    %convert_element_type3A_136 = arith.sitofp %convert_element_type3A_135 : vector<100x256xi32> to vector<100x256xf32>
    %dot_general3A_137 = arith.constant dense<0.000000e+00> : vector<16x256xf32>
    %dot_general3A_138 = tpu.matmul %transpose3A_12, %convert_element_type3A_136, %dot_general3A_137 {dimension_numbers = #tpu.dot_dimension_numbers<[1], [0], [0], [1], [0, 0, 1, 1], [], []>, transpose_lhs_hint = false} : vector<16x100xf32>, vector<100x256xf32>, vector<16x256xf32> -> vector<16x256xf32>
    %slice3A_139 = vector.extract_strided_slice %div3A_77 {offsets = [4, 0], sizes = [1, 256], strides = [1, 1]} : vector<16x256xf32> to vector<1x256xf32>
    %mul3A_140 = vector.broadcast %slice3A_139 : vector<1x256xf32> to vector<16x256xf32>
    %mul3A_141 = arith.mulf %dot_general3A_138, %mul3A_140 : vector<16x256xf32>
    %add3A_142 = vector.broadcast %get3A_0 : f32 to vector<16x256xf32>
    %add3A_143 = arith.addf %mul3A_141, %add3A_142 : vector<16x256xf32>
    %slice3A_144 = vector.extract_strided_slice %stack3A_75 {offsets = [5, 3, 0], sizes = [1, 1, 256], strides = [1, 1, 1]} : vector<16x16x256xf32> to vector<1x1x256xf32>
    %squeeze3A_145 = vector.shape_cast %slice3A_144 : vector<1x1x256xf32> to vector<1x256xf32>
    %eq3A_146 = vector.broadcast %convert_element_type3A : vector<100x1xf32> to vector<100x256xf32>
    %eq3A_147 = vector.broadcast %squeeze3A_145 : vector<1x256xf32> to vector<100x256xf32>
    %eq3A_148 = arith.cmpf oeq, %eq3A_146, %eq3A_147 : vector<100x256xf32>
    %convert_element_type3A_149 = arith.extui %eq3A_148 : vector<100x256xi1> to vector<100x256xi32>
    %convert_element_type3A_150 = arith.sitofp %convert_element_type3A_149 : vector<100x256xi32> to vector<100x256xf32>
    %dot_general3A_151 = arith.constant dense<0.000000e+00> : vector<16x256xf32>
    %dot_general3A_152 = tpu.matmul %transpose3A_12, %convert_element_type3A_150, %dot_general3A_151 {dimension_numbers = #tpu.dot_dimension_numbers<[1], [0], [0], [1], [0, 0, 1, 1], [], []>, transpose_lhs_hint = false} : vector<16x100xf32>, vector<100x256xf32>, vector<16x256xf32> -> vector<16x256xf32>
    %slice3A_153 = vector.extract_strided_slice %div3A_77 {offsets = [5, 0], sizes = [1, 256], strides = [1, 1]} : vector<16x256xf32> to vector<1x256xf32>
    %mul3A_154 = vector.broadcast %slice3A_153 : vector<1x256xf32> to vector<16x256xf32>
    %mul3A_155 = arith.mulf %dot_general3A_152, %mul3A_154 : vector<16x256xf32>
    %add3A_156 = vector.broadcast %get3A_0 : f32 to vector<16x256xf32>
    %add3A_157 = arith.addf %mul3A_155, %add3A_156 : vector<16x256xf32>
    %slice3A_158 = vector.extract_strided_slice %stack3A_75 {offsets = [6, 3, 0], sizes = [1, 1, 256], strides = [1, 1, 1]} : vector<16x16x256xf32> to vector<1x1x256xf32>
    %squeeze3A_159 = vector.shape_cast %slice3A_158 : vector<1x1x256xf32> to vector<1x256xf32>
    %eq3A_160 = vector.broadcast %convert_element_type3A : vector<100x1xf32> to vector<100x256xf32>
    %eq3A_161 = vector.broadcast %squeeze3A_159 : vector<1x256xf32> to vector<100x256xf32>
    %eq3A_162 = arith.cmpf oeq, %eq3A_160, %eq3A_161 : vector<100x256xf32>
    %convert_element_type3A_163 = arith.extui %eq3A_162 : vector<100x256xi1> to vector<100x256xi32>
    %convert_element_type3A_164 = arith.sitofp %convert_element_type3A_163 : vector<100x256xi32> to vector<100x256xf32>
    %dot_general3A_165 = arith.constant dense<0.000000e+00> : vector<16x256xf32>
    %dot_general3A_166 = tpu.matmul %transpose3A_12, %convert_element_type3A_164, %dot_general3A_165 {dimension_numbers = #tpu.dot_dimension_numbers<[1], [0], [0], [1], [0, 0, 1, 1], [], []>, transpose_lhs_hint = false} : vector<16x100xf32>, vector<100x256xf32>, vector<16x256xf32> -> vector<16x256xf32>
    %slice3A_167 = vector.extract_strided_slice %div3A_77 {offsets = [6, 0], sizes = [1, 256], strides = [1, 1]} : vector<16x256xf32> to vector<1x256xf32>
    %mul3A_168 = vector.broadcast %slice3A_167 : vector<1x256xf32> to vector<16x256xf32>
    %mul3A_169 = arith.mulf %dot_general3A_166, %mul3A_168 : vector<16x256xf32>
    %add3A_170 = vector.broadcast %get3A_0 : f32 to vector<16x256xf32>
    %add3A_171 = arith.addf %mul3A_169, %add3A_170 : vector<16x256xf32>
    %slice3A_172 = vector.extract_strided_slice %stack3A_75 {offsets = [7, 3, 0], sizes = [1, 1, 256], strides = [1, 1, 1]} : vector<16x16x256xf32> to vector<1x1x256xf32>
    %squeeze3A_173 = vector.shape_cast %slice3A_172 : vector<1x1x256xf32> to vector<1x256xf32>
    %eq3A_174 = vector.broadcast %convert_element_type3A : vector<100x1xf32> to vector<100x256xf32>
    %eq3A_175 = vector.broadcast %squeeze3A_173 : vector<1x256xf32> to vector<100x256xf32>
    %eq3A_176 = arith.cmpf oeq, %eq3A_174, %eq3A_175 : vector<100x256xf32>
    %convert_element_type3A_177 = arith.extui %eq3A_176 : vector<100x256xi1> to vector<100x256xi32>
    %convert_element_type3A_178 = arith.sitofp %convert_element_type3A_177 : vector<100x256xi32> to vector<100x256xf32>
    %dot_general3A_179 = arith.constant dense<0.000000e+00> : vector<16x256xf32>
    %dot_general3A_180 = tpu.matmul %transpose3A_12, %convert_element_type3A_178, %dot_general3A_179 {dimension_numbers = #tpu.dot_dimension_numbers<[1], [0], [0], [1], [0, 0, 1, 1], [], []>, transpose_lhs_hint = false} : vector<16x100xf32>, vector<100x256xf32>, vector<16x256xf32> -> vector<16x256xf32>
    %slice3A_181 = vector.extract_strided_slice %div3A_77 {offsets = [7, 0], sizes = [1, 256], strides = [1, 1]} : vector<16x256xf32> to vector<1x256xf32>
    %mul3A_182 = vector.broadcast %slice3A_181 : vector<1x256xf32> to vector<16x256xf32>
    %mul3A_183 = arith.mulf %dot_general3A_180, %mul3A_182 : vector<16x256xf32>
    %add3A_184 = vector.broadcast %get3A_0 : f32 to vector<16x256xf32>
    %add3A_185 = arith.addf %mul3A_183, %add3A_184 : vector<16x256xf32>
    %slice3A_186 = vector.extract_strided_slice %stack3A_75 {offsets = [8, 3, 0], sizes = [1, 1, 256], strides = [1, 1, 1]} : vector<16x16x256xf32> to vector<1x1x256xf32>
    %squeeze3A_187 = vector.shape_cast %slice3A_186 : vector<1x1x256xf32> to vector<1x256xf32>
    %eq3A_188 = vector.broadcast %convert_element_type3A : vector<100x1xf32> to vector<100x256xf32>
    %eq3A_189 = vector.broadcast %squeeze3A_187 : vector<1x256xf32> to vector<100x256xf32>
    %eq3A_190 = arith.cmpf oeq, %eq3A_188, %eq3A_189 : vector<100x256xf32>
    %convert_element_type3A_191 = arith.extui %eq3A_190 : vector<100x256xi1> to vector<100x256xi32>
    %convert_element_type3A_192 = arith.sitofp %convert_element_type3A_191 : vector<100x256xi32> to vector<100x256xf32>
    %dot_general3A_193 = arith.constant dense<0.000000e+00> : vector<16x256xf32>
    %dot_general3A_194 = tpu.matmul %transpose3A_12, %convert_element_type3A_192, %dot_general3A_193 {dimension_numbers = #tpu.dot_dimension_numbers<[1], [0], [0], [1], [0, 0, 1, 1], [], []>, transpose_lhs_hint = false} : vector<16x100xf32>, vector<100x256xf32>, vector<16x256xf32> -> vector<16x256xf32>
    %slice3A_195 = vector.extract_strided_slice %div3A_77 {offsets = [8, 0], sizes = [1, 256], strides = [1, 1]} : vector<16x256xf32> to vector<1x256xf32>
    %mul3A_196 = vector.broadcast %slice3A_195 : vector<1x256xf32> to vector<16x256xf32>
    %mul3A_197 = arith.mulf %dot_general3A_194, %mul3A_196 : vector<16x256xf32>
    %add3A_198 = vector.broadcast %get3A_0 : f32 to vector<16x256xf32>
    %add3A_199 = arith.addf %mul3A_197, %add3A_198 : vector<16x256xf32>
    %slice3A_200 = vector.extract_strided_slice %stack3A_75 {offsets = [9, 3, 0], sizes = [1, 1, 256], strides = [1, 1, 1]} : vector<16x16x256xf32> to vector<1x1x256xf32>
    %squeeze3A_201 = vector.shape_cast %slice3A_200 : vector<1x1x256xf32> to vector<1x256xf32>
    %eq3A_202 = vector.broadcast %convert_element_type3A : vector<100x1xf32> to vector<100x256xf32>
    %eq3A_203 = vector.broadcast %squeeze3A_201 : vector<1x256xf32> to vector<100x256xf32>
    %eq3A_204 = arith.cmpf oeq, %eq3A_202, %eq3A_203 : vector<100x256xf32>
    %convert_element_type3A_205 = arith.extui %eq3A_204 : vector<100x256xi1> to vector<100x256xi32>
    %convert_element_type3A_206 = arith.sitofp %convert_element_type3A_205 : vector<100x256xi32> to vector<100x256xf32>
    %dot_general3A_207 = arith.constant dense<0.000000e+00> : vector<16x256xf32>
    %dot_general3A_208 = tpu.matmul %transpose3A_12, %convert_element_type3A_206, %dot_general3A_207 {dimension_numbers = #tpu.dot_dimension_numbers<[1], [0], [0], [1], [0, 0, 1, 1], [], []>, transpose_lhs_hint = false} : vector<16x100xf32>, vector<100x256xf32>, vector<16x256xf32> -> vector<16x256xf32>
    %slice3A_209 = vector.extract_strided_slice %div3A_77 {offsets = [9, 0], sizes = [1, 256], strides = [1, 1]} : vector<16x256xf32> to vector<1x256xf32>
    %mul3A_210 = vector.broadcast %slice3A_209 : vector<1x256xf32> to vector<16x256xf32>
    %mul3A_211 = arith.mulf %dot_general3A_208, %mul3A_210 : vector<16x256xf32>
    %add3A_212 = vector.broadcast %get3A_0 : f32 to vector<16x256xf32>
    %add3A_213 = arith.addf %mul3A_211, %add3A_212 : vector<16x256xf32>
    %slice3A_214 = vector.extract_strided_slice %stack3A_75 {offsets = [10, 3, 0], sizes = [1, 1, 256], strides = [1, 1, 1]} : vector<16x16x256xf32> to vector<1x1x256xf32>
    %squeeze3A_215 = vector.shape_cast %slice3A_214 : vector<1x1x256xf32> to vector<1x256xf32>
    %eq3A_216 = vector.broadcast %convert_element_type3A : vector<100x1xf32> to vector<100x256xf32>
    %eq3A_217 = vector.broadcast %squeeze3A_215 : vector<1x256xf32> to vector<100x256xf32>
    %eq3A_218 = arith.cmpf oeq, %eq3A_216, %eq3A_217 : vector<100x256xf32>
    %convert_element_type3A_219 = arith.extui %eq3A_218 : vector<100x256xi1> to vector<100x256xi32>
    %convert_element_type3A_220 = arith.sitofp %convert_element_type3A_219 : vector<100x256xi32> to vector<100x256xf32>
    %dot_general3A_221 = arith.constant dense<0.000000e+00> : vector<16x256xf32>
    %dot_general3A_222 = tpu.matmul %transpose3A_12, %convert_element_type3A_220, %dot_general3A_221 {dimension_numbers = #tpu.dot_dimension_numbers<[1], [0], [0], [1], [0, 0, 1, 1], [], []>, transpose_lhs_hint = false} : vector<16x100xf32>, vector<100x256xf32>, vector<16x256xf32> -> vector<16x256xf32>
    %slice3A_223 = vector.extract_strided_slice %div3A_77 {offsets = [10, 0], sizes = [1, 256], strides = [1, 1]} : vector<16x256xf32> to vector<1x256xf32>
    %mul3A_224 = vector.broadcast %slice3A_223 : vector<1x256xf32> to vector<16x256xf32>
    %mul3A_225 = arith.mulf %dot_general3A_222, %mul3A_224 : vector<16x256xf32>
    %add3A_226 = vector.broadcast %get3A_0 : f32 to vector<16x256xf32>
    %add3A_227 = arith.addf %mul3A_225, %add3A_226 : vector<16x256xf32>
    %slice3A_228 = vector.extract_strided_slice %stack3A_75 {offsets = [11, 3, 0], sizes = [1, 1, 256], strides = [1, 1, 1]} : vector<16x16x256xf32> to vector<1x1x256xf32>
    %squeeze3A_229 = vector.shape_cast %slice3A_228 : vector<1x1x256xf32> to vector<1x256xf32>
    %eq3A_230 = vector.broadcast %convert_element_type3A : vector<100x1xf32> to vector<100x256xf32>
    %eq3A_231 = vector.broadcast %squeeze3A_229 : vector<1x256xf32> to vector<100x256xf32>
    %eq3A_232 = arith.cmpf oeq, %eq3A_230, %eq3A_231 : vector<100x256xf32>
    %convert_element_type3A_233 = arith.extui %eq3A_232 : vector<100x256xi1> to vector<100x256xi32>
    %convert_element_type3A_234 = arith.sitofp %convert_element_type3A_233 : vector<100x256xi32> to vector<100x256xf32>
    %dot_general3A_235 = arith.constant dense<0.000000e+00> : vector<16x256xf32>
    %dot_general3A_236 = tpu.matmul %transpose3A_12, %convert_element_type3A_234, %dot_general3A_235 {dimension_numbers = #tpu.dot_dimension_numbers<[1], [0], [0], [1], [0, 0, 1, 1], [], []>, transpose_lhs_hint = false} : vector<16x100xf32>, vector<100x256xf32>, vector<16x256xf32> -> vector<16x256xf32>
    %slice3A_237 = vector.extract_strided_slice %div3A_77 {offsets = [11, 0], sizes = [1, 256], strides = [1, 1]} : vector<16x256xf32> to vector<1x256xf32>
    %mul3A_238 = vector.broadcast %slice3A_237 : vector<1x256xf32> to vector<16x256xf32>
    %mul3A_239 = arith.mulf %dot_general3A_236, %mul3A_238 : vector<16x256xf32>
    %add3A_240 = vector.broadcast %get3A_0 : f32 to vector<16x256xf32>
    %add3A_241 = arith.addf %mul3A_239, %add3A_240 : vector<16x256xf32>
    %slice3A_242 = vector.extract_strided_slice %stack3A_75 {offsets = [12, 3, 0], sizes = [1, 1, 256], strides = [1, 1, 1]} : vector<16x16x256xf32> to vector<1x1x256xf32>
    %squeeze3A_243 = vector.shape_cast %slice3A_242 : vector<1x1x256xf32> to vector<1x256xf32>
    %eq3A_244 = vector.broadcast %convert_element_type3A : vector<100x1xf32> to vector<100x256xf32>
    %eq3A_245 = vector.broadcast %squeeze3A_243 : vector<1x256xf32> to vector<100x256xf32>
    %eq3A_246 = arith.cmpf oeq, %eq3A_244, %eq3A_245 : vector<100x256xf32>
    %convert_element_type3A_247 = arith.extui %eq3A_246 : vector<100x256xi1> to vector<100x256xi32>
    %convert_element_type3A_248 = arith.sitofp %convert_element_type3A_247 : vector<100x256xi32> to vector<100x256xf32>
    %dot_general3A_249 = arith.constant dense<0.000000e+00> : vector<16x256xf32>
    %dot_general3A_250 = tpu.matmul %transpose3A_12, %convert_element_type3A_248, %dot_general3A_249 {dimension_numbers = #tpu.dot_dimension_numbers<[1], [0], [0], [1], [0, 0, 1, 1], [], []>, transpose_lhs_hint = false} : vector<16x100xf32>, vector<100x256xf32>, vector<16x256xf32> -> vector<16x256xf32>
    %slice3A_251 = vector.extract_strided_slice %div3A_77 {offsets = [12, 0], sizes = [1, 256], strides = [1, 1]} : vector<16x256xf32> to vector<1x256xf32>
    %mul3A_252 = vector.broadcast %slice3A_251 : vector<1x256xf32> to vector<16x256xf32>
    %mul3A_253 = arith.mulf %dot_general3A_250, %mul3A_252 : vector<16x256xf32>
    %add3A_254 = vector.broadcast %get3A_0 : f32 to vector<16x256xf32>
    %add3A_255 = arith.addf %mul3A_253, %add3A_254 : vector<16x256xf32>
    %slice3A_256 = vector.extract_strided_slice %stack3A_75 {offsets = [13, 3, 0], sizes = [1, 1, 256], strides = [1, 1, 1]} : vector<16x16x256xf32> to vector<1x1x256xf32>
    %squeeze3A_257 = vector.shape_cast %slice3A_256 : vector<1x1x256xf32> to vector<1x256xf32>
    %eq3A_258 = vector.broadcast %convert_element_type3A : vector<100x1xf32> to vector<100x256xf32>
    %eq3A_259 = vector.broadcast %squeeze3A_257 : vector<1x256xf32> to vector<100x256xf32>
    %eq3A_260 = arith.cmpf oeq, %eq3A_258, %eq3A_259 : vector<100x256xf32>
    %convert_element_type3A_261 = arith.extui %eq3A_260 : vector<100x256xi1> to vector<100x256xi32>
    %convert_element_type3A_262 = arith.sitofp %convert_element_type3A_261 : vector<100x256xi32> to vector<100x256xf32>
    %dot_general3A_263 = arith.constant dense<0.000000e+00> : vector<16x256xf32>
    %dot_general3A_264 = tpu.matmul %transpose3A_12, %convert_element_type3A_262, %dot_general3A_263 {dimension_numbers = #tpu.dot_dimension_numbers<[1], [0], [0], [1], [0, 0, 1, 1], [], []>, transpose_lhs_hint = false} : vector<16x100xf32>, vector<100x256xf32>, vector<16x256xf32> -> vector<16x256xf32>
    %slice3A_265 = vector.extract_strided_slice %div3A_77 {offsets = [13, 0], sizes = [1, 256], strides = [1, 1]} : vector<16x256xf32> to vector<1x256xf32>
    %mul3A_266 = vector.broadcast %slice3A_265 : vector<1x256xf32> to vector<16x256xf32>
    %mul3A_267 = arith.mulf %dot_general3A_264, %mul3A_266 : vector<16x256xf32>
    %add3A_268 = vector.broadcast %get3A_0 : f32 to vector<16x256xf32>
    %add3A_269 = arith.addf %mul3A_267, %add3A_268 : vector<16x256xf32>
    %slice3A_270 = vector.extract_strided_slice %stack3A_75 {offsets = [14, 3, 0], sizes = [1, 1, 256], strides = [1, 1, 1]} : vector<16x16x256xf32> to vector<1x1x256xf32>
    %squeeze3A_271 = vector.shape_cast %slice3A_270 : vector<1x1x256xf32> to vector<1x256xf32>
    %eq3A_272 = vector.broadcast %convert_element_type3A : vector<100x1xf32> to vector<100x256xf32>
    %eq3A_273 = vector.broadcast %squeeze3A_271 : vector<1x256xf32> to vector<100x256xf32>
    %eq3A_274 = arith.cmpf oeq, %eq3A_272, %eq3A_273 : vector<100x256xf32>
    %convert_element_type3A_275 = arith.extui %eq3A_274 : vector<100x256xi1> to vector<100x256xi32>
    %convert_element_type3A_276 = arith.sitofp %convert_element_type3A_275 : vector<100x256xi32> to vector<100x256xf32>
    %dot_general3A_277 = arith.constant dense<0.000000e+00> : vector<16x256xf32>
    %dot_general3A_278 = tpu.matmul %transpose3A_12, %convert_element_type3A_276, %dot_general3A_277 {dimension_numbers = #tpu.dot_dimension_numbers<[1], [0], [0], [1], [0, 0, 1, 1], [], []>, transpose_lhs_hint = false} : vector<16x100xf32>, vector<100x256xf32>, vector<16x256xf32> -> vector<16x256xf32>
    %slice3A_279 = vector.extract_strided_slice %div3A_77 {offsets = [14, 0], sizes = [1, 256], strides = [1, 1]} : vector<16x256xf32> to vector<1x256xf32>
    %mul3A_280 = vector.broadcast %slice3A_279 : vector<1x256xf32> to vector<16x256xf32>
    %mul3A_281 = arith.mulf %dot_general3A_278, %mul3A_280 : vector<16x256xf32>
    %add3A_282 = vector.broadcast %get3A_0 : f32 to vector<16x256xf32>
    %add3A_283 = arith.addf %mul3A_281, %add3A_282 : vector<16x256xf32>
    %slice3A_284 = vector.extract_strided_slice %stack3A_75 {offsets = [15, 3, 0], sizes = [1, 1, 256], strides = [1, 1, 1]} : vector<16x16x256xf32> to vector<1x1x256xf32>
    %squeeze3A_285 = vector.shape_cast %slice3A_284 : vector<1x1x256xf32> to vector<1x256xf32>
    %eq3A_286 = vector.broadcast %convert_element_type3A : vector<100x1xf32> to vector<100x256xf32>
    %eq3A_287 = vector.broadcast %squeeze3A_285 : vector<1x256xf32> to vector<100x256xf32>
    %eq3A_288 = arith.cmpf oeq, %eq3A_286, %eq3A_287 : vector<100x256xf32>
    %convert_element_type3A_289 = arith.extui %eq3A_288 : vector<100x256xi1> to vector<100x256xi32>
    %convert_element_type3A_290 = arith.sitofp %convert_element_type3A_289 : vector<100x256xi32> to vector<100x256xf32>
    %dot_general3A_291 = arith.constant dense<0.000000e+00> : vector<16x256xf32>
    %dot_general3A_292 = tpu.matmul %transpose3A_12, %convert_element_type3A_290, %dot_general3A_291 {dimension_numbers = #tpu.dot_dimension_numbers<[1], [0], [0], [1], [0, 0, 1, 1], [], []>, transpose_lhs_hint = false} : vector<16x100xf32>, vector<100x256xf32>, vector<16x256xf32> -> vector<16x256xf32>
    %slice3A_293 = vector.extract_strided_slice %div3A_77 {offsets = [15, 0], sizes = [1, 256], strides = [1, 1]} : vector<16x256xf32> to vector<1x256xf32>
    %mul3A_294 = vector.broadcast %slice3A_293 : vector<1x256xf32> to vector<16x256xf32>
    %mul3A_295 = arith.mulf %dot_general3A_292, %mul3A_294 : vector<16x256xf32>
    %add3A_296 = vector.broadcast %get3A_0 : f32 to vector<16x256xf32>
    %add3A_297 = arith.addf %mul3A_295, %add3A_296 : vector<16x256xf32>
    %stack3A_298 = vector.shape_cast %add3A_87 : vector<16x256xf32> to vector<1x16x256xf32>
    %stack3A_299 = vector.shape_cast %add3A_101 : vector<16x256xf32> to vector<1x16x256xf32>
    %stack3A_300 = vector.shape_cast %add3A_115 : vector<16x256xf32> to vector<1x16x256xf32>
    %stack3A_301 = vector.shape_cast %add3A_129 : vector<16x256xf32> to vector<1x16x256xf32>
    %stack3A_302 = vector.shape_cast %add3A_143 : vector<16x256xf32> to vector<1x16x256xf32>
    %stack3A_303 = vector.shape_cast %add3A_157 : vector<16x256xf32> to vector<1x16x256xf32>
    %stack3A_304 = vector.shape_cast %add3A_171 : vector<16x256xf32> to vector<1x16x256xf32>
    %stack3A_305 = vector.shape_cast %add3A_185 : vector<16x256xf32> to vector<1x16x256xf32>
    %stack3A_306 = vector.shape_cast %add3A_199 : vector<16x256xf32> to vector<1x16x256xf32>
    %stack3A_307 = vector.shape_cast %add3A_213 : vector<16x256xf32> to vector<1x16x256xf32>
    %stack3A_308 = vector.shape_cast %add3A_227 : vector<16x256xf32> to vector<1x16x256xf32>
    %stack3A_309 = vector.shape_cast %add3A_241 : vector<16x256xf32> to vector<1x16x256xf32>
    %stack3A_310 = vector.shape_cast %add3A_255 : vector<16x256xf32> to vector<1x16x256xf32>
    %stack3A_311 = vector.shape_cast %add3A_269 : vector<16x256xf32> to vector<1x16x256xf32>
    %stack3A_312 = vector.shape_cast %add3A_283 : vector<16x256xf32> to vector<1x16x256xf32>
    %stack3A_313 = vector.shape_cast %add3A_297 : vector<16x256xf32> to vector<1x16x256xf32>
    %stack3A_314 = tpu.concatenate %stack3A_298, %stack3A_299, %stack3A_300, %stack3A_301, %stack3A_302, %stack3A_303, %stack3A_304, %stack3A_305, %stack3A_306, %stack3A_307, %stack3A_308, %stack3A_309, %stack3A_310, %stack3A_311, %stack3A_312, %stack3A_313 in 0 : vector<1x16x256xf32>, vector<1x16x256xf32>, vector<1x16x256xf32>, vector<1x16x256xf32>, vector<1x16x256xf32>, vector<1x16x256xf32>, vector<1x16x256xf32>, vector<1x16x256xf32>, vector<1x16x256xf32>, vector<1x16x256xf32>, vector<1x16x256xf32>, vector<1x16x256xf32>, vector<1x16x256xf32>, vector<1x16x256xf32>, vector<1x16x256xf32>, vector<1x16x256xf32> -> vector<16x16x256xf32>
    %slice3A_315 = vector.extract_strided_slice %transpose3A {offsets = [3, 0], sizes = [1, 256], strides = [1, 1]} : vector<16x256xf32> to vector<1x256xf32>
    %eq3A_316 = vector.broadcast %convert_element_type3A : vector<100x1xf32> to vector<100x256xf32>
    %eq3A_317 = vector.broadcast %slice3A_315 : vector<1x256xf32> to vector<100x256xf32>
    %eq3A_318 = arith.cmpf oeq, %eq3A_316, %eq3A_317 : vector<100x256xf32>
    %convert_element_type3A_319 = arith.extui %eq3A_318 : vector<100x256xi1> to vector<100x256xi32>
    %convert_element_type3A_320 = arith.sitofp %convert_element_type3A_319 : vector<100x256xi32> to vector<100x256xf32>
    %dot_general3A_321 = arith.constant dense<0.000000e+00> : vector<16x256xf32>
    %dot_general3A_322 = tpu.matmul %transpose3A_12, %convert_element_type3A_320, %dot_general3A_321 {dimension_numbers = #tpu.dot_dimension_numbers<[1], [0], [0], [1], [0, 0, 1, 1], [], []>, transpose_lhs_hint = false} : vector<16x100xf32>, vector<100x256xf32>, vector<16x256xf32> -> vector<16x256xf32>
    %add3A_323 = vector.broadcast %get3A_0 : f32 to vector<16x256xf32>
    %add3A_324 = arith.addf %dot_general3A_322, %add3A_323 : vector<16x256xf32>
    %slice3A_325 = vector.extract_strided_slice %stack3A_75 {offsets = [0, 0, 0], sizes = [16, 1, 256], strides = [1, 1, 1]} : vector<16x16x256xf32> to vector<16x1x256xf32>
    %squeeze3A_326 = vector.shape_cast %slice3A_325 : vector<16x1x256xf32> to vector<16x256xf32>
    %slice3A_327 = vector.extract_strided_slice %transpose3A {offsets = [0, 0], sizes = [1, 256], strides = [1, 1]} : vector<16x256xf32> to vector<1x256xf32>
    %sub3A = vector.broadcast %slice3A_327 : vector<1x256xf32> to vector<16x256xf32>
    %sub3A_328 = arith.subf %squeeze3A_326, %sub3A : vector<16x256xf32>
    %slice3A_329 = vector.extract_strided_slice %stack3A_75 {offsets = [0, 1, 0], sizes = [16, 1, 256], strides = [1, 1, 1]} : vector<16x16x256xf32> to vector<16x1x256xf32>
    %squeeze3A_330 = vector.shape_cast %slice3A_329 : vector<16x1x256xf32> to vector<16x256xf32>
    %slice3A_331 = vector.extract_strided_slice %transpose3A {offsets = [1, 0], sizes = [1, 256], strides = [1, 1]} : vector<16x256xf32> to vector<1x256xf32>
    %sub3A_332 = vector.broadcast %slice3A_331 : vector<1x256xf32> to vector<16x256xf32>
    %sub3A_333 = arith.subf %squeeze3A_330, %sub3A_332 : vector<16x256xf32>
    %slice3A_334 = vector.extract_strided_slice %stack3A_75 {offsets = [0, 2, 0], sizes = [16, 1, 256], strides = [1, 1, 1]} : vector<16x16x256xf32> to vector<16x1x256xf32>
    %squeeze3A_335 = vector.shape_cast %slice3A_334 : vector<16x1x256xf32> to vector<16x256xf32>
    %slice3A_336 = vector.extract_strided_slice %transpose3A {offsets = [2, 0], sizes = [1, 256], strides = [1, 1]} : vector<16x256xf32> to vector<1x256xf32>
    %sub3A_337 = vector.broadcast %slice3A_336 : vector<1x256xf32> to vector<16x256xf32>
    %sub3A_338 = arith.subf %squeeze3A_335, %sub3A_337 : vector<16x256xf32>
    %mul3A_339 = arith.mulf %sub3A_328, %sub3A_328 : vector<16x256xf32>
    %mul3A_340 = arith.mulf %sub3A_333, %sub3A_333 : vector<16x256xf32>
    %add3A_341 = arith.addf %mul3A_339, %mul3A_340 : vector<16x256xf32>
    %mul3A_342 = arith.mulf %sub3A_338, %sub3A_338 : vector<16x256xf32>
    %add3A_343 = arith.addf %add3A_341, %mul3A_342 : vector<16x256xf32>
    %sqrt3A = math.sqrt %add3A_343 : vector<16x256xf32>
    %max3A = arith.constant 9.99999993E-9 : f32
    %max3A_344 = vector.broadcast %max3A : f32 to vector<16x256xf32>
    %max3A_345 = arith.maximumf %sqrt3A, %max3A_344 : vector<16x256xf32>
    %div3A_346 = arith.constant 1.000000e+00 : f32
    %div3A_347 = vector.broadcast %div3A_346 : f32 to vector<16x256xf32>
    %div3A_348 = arith.divf %div3A_347, %max3A_345 : vector<16x256xf32>
    %mul3A_349 = arith.constant 0.999899983 : f32
    %mul3A_350 = vector.broadcast %mul3A_349 : f32 to vector<16x256xf32>
    %mul3A_351 = arith.mulf %div3A_348, %mul3A_350 : vector<16x256xf32>
    %broadcast_in_dim3A = vector.shape_cast %sub3A_328 : vector<16x256xf32> to vector<16x1x256xf32>
    %broadcast_in_dim3A_352 = vector.shape_cast %broadcast_in_dim3A : vector<16x1x256xf32> to vector<16x1x256xf32>
    %broadcast_in_dim3A_353 = vector.broadcast %broadcast_in_dim3A_352 : vector<16x1x256xf32> to vector<16x16x256xf32>
    %reshape3A_354 = vector.shape_cast %broadcast_in_dim3A_353 : vector<16x16x256xf32> to vector<256x256xf32>
    %broadcast_in_dim3A_355 = vector.shape_cast %sub3A_328 : vector<16x256xf32> to vector<1x16x256xf32>
    %broadcast_in_dim3A_356 = vector.shape_cast %broadcast_in_dim3A_355 : vector<1x16x256xf32> to vector<1x16x256xf32>
    %broadcast_in_dim3A_357 = vector.broadcast %broadcast_in_dim3A_356 : vector<1x16x256xf32> to vector<16x16x256xf32>
    %reshape3A_358 = vector.shape_cast %broadcast_in_dim3A_357 : vector<16x16x256xf32> to vector<256x256xf32>
    %mul3A_359 = arith.mulf %reshape3A_354, %reshape3A_358 : vector<256x256xf32>
    %broadcast_in_dim3A_360 = vector.shape_cast %sub3A_333 : vector<16x256xf32> to vector<16x1x256xf32>
    %broadcast_in_dim3A_361 = vector.shape_cast %broadcast_in_dim3A_360 : vector<16x1x256xf32> to vector<16x1x256xf32>
    %broadcast_in_dim3A_362 = vector.broadcast %broadcast_in_dim3A_361 : vector<16x1x256xf32> to vector<16x16x256xf32>
    %reshape3A_363 = vector.shape_cast %broadcast_in_dim3A_362 : vector<16x16x256xf32> to vector<256x256xf32>
    %broadcast_in_dim3A_364 = vector.shape_cast %sub3A_333 : vector<16x256xf32> to vector<1x16x256xf32>
    %broadcast_in_dim3A_365 = vector.shape_cast %broadcast_in_dim3A_364 : vector<1x16x256xf32> to vector<1x16x256xf32>
    %broadcast_in_dim3A_366 = vector.broadcast %broadcast_in_dim3A_365 : vector<1x16x256xf32> to vector<16x16x256xf32>
    %reshape3A_367 = vector.shape_cast %broadcast_in_dim3A_366 : vector<16x16x256xf32> to vector<256x256xf32>
    %mul3A_368 = arith.mulf %reshape3A_363, %reshape3A_367 : vector<256x256xf32>
    %add3A_369 = arith.addf %mul3A_359, %mul3A_368 : vector<256x256xf32>
    %broadcast_in_dim3A_370 = vector.shape_cast %sub3A_338 : vector<16x256xf32> to vector<16x1x256xf32>
    %broadcast_in_dim3A_371 = vector.shape_cast %broadcast_in_dim3A_370 : vector<16x1x256xf32> to vector<16x1x256xf32>
    %broadcast_in_dim3A_372 = vector.broadcast %broadcast_in_dim3A_371 : vector<16x1x256xf32> to vector<16x16x256xf32>
    %reshape3A_373 = vector.shape_cast %broadcast_in_dim3A_372 : vector<16x16x256xf32> to vector<256x256xf32>
    %broadcast_in_dim3A_374 = vector.shape_cast %sub3A_338 : vector<16x256xf32> to vector<1x16x256xf32>
    %broadcast_in_dim3A_375 = vector.shape_cast %broadcast_in_dim3A_374 : vector<1x16x256xf32> to vector<1x16x256xf32>
    %broadcast_in_dim3A_376 = vector.broadcast %broadcast_in_dim3A_375 : vector<1x16x256xf32> to vector<16x16x256xf32>
    %reshape3A_377 = vector.shape_cast %broadcast_in_dim3A_376 : vector<16x16x256xf32> to vector<256x256xf32>
    %mul3A_378 = arith.mulf %reshape3A_373, %reshape3A_377 : vector<256x256xf32>
    %add3A_379 = arith.addf %add3A_369, %mul3A_378 : vector<256x256xf32>
    %broadcast_in_dim3A_380 = vector.shape_cast %mul3A_351 : vector<16x256xf32> to vector<16x1x256xf32>
    %broadcast_in_dim3A_381 = vector.shape_cast %broadcast_in_dim3A_380 : vector<16x1x256xf32> to vector<16x1x256xf32>
    %broadcast_in_dim3A_382 = vector.broadcast %broadcast_in_dim3A_381 : vector<16x1x256xf32> to vector<16x16x256xf32>
    %reshape3A_383 = vector.shape_cast %broadcast_in_dim3A_382 : vector<16x16x256xf32> to vector<256x256xf32>
    %mul3A_384 = arith.mulf %add3A_379, %reshape3A_383 : vector<256x256xf32>
    %broadcast_in_dim3A_385 = vector.shape_cast %div3A_348 : vector<16x256xf32> to vector<1x16x256xf32>
    %broadcast_in_dim3A_386 = vector.shape_cast %broadcast_in_dim3A_385 : vector<1x16x256xf32> to vector<1x16x256xf32>
    %broadcast_in_dim3A_387 = vector.broadcast %broadcast_in_dim3A_386 : vector<1x16x256xf32> to vector<16x16x256xf32>
    %reshape3A_388 = vector.shape_cast %broadcast_in_dim3A_387 : vector<16x16x256xf32> to vector<256x256xf32>
    %mul3A_389 = arith.mulf %mul3A_384, %reshape3A_388 : vector<256x256xf32>
    %abs3A = math.absf %mul3A_389 : vector<256x256xf32>
    %mul3A_390 = arith.constant -0.0012624911 : f32
    %mul3A_391 = vector.broadcast %mul3A_390 : f32 to vector<256x256xf32>
    %mul3A_392 = arith.mulf %mul3A_391, %abs3A : vector<256x256xf32>
    %add3A_393 = arith.constant 6.670090e-03 : f32
    %add3A_394 = vector.broadcast %add3A_393 : f32 to vector<256x256xf32>
    %add3A_395 = arith.addf %mul3A_392, %add3A_394 : vector<256x256xf32>
    %mul3A_396 = arith.mulf %add3A_395, %abs3A : vector<256x256xf32>
    %add3A_397 = arith.constant -0.0170881264 : f32
    %add3A_398 = vector.broadcast %add3A_397 : f32 to vector<256x256xf32>
    %add3A_399 = arith.addf %mul3A_396, %add3A_398 : vector<256x256xf32>
    %mul3A_400 = arith.mulf %add3A_399, %abs3A : vector<256x256xf32>
    %add3A_401 = arith.constant 0.0308918804 : f32
    %add3A_402 = vector.broadcast %add3A_401 : f32 to vector<256x256xf32>
    %add3A_403 = arith.addf %mul3A_400, %add3A_402 : vector<256x256xf32>
    %mul3A_404 = arith.mulf %add3A_403, %abs3A : vector<256x256xf32>
    %add3A_405 = arith.constant -0.0501743034 : f32
    %add3A_406 = vector.broadcast %add3A_405 : f32 to vector<256x256xf32>
    %add3A_407 = arith.addf %mul3A_404, %add3A_406 : vector<256x256xf32>
    %mul3A_408 = arith.mulf %add3A_407, %abs3A : vector<256x256xf32>
    %add3A_409 = arith.constant 0.0889789909 : f32
    %add3A_410 = vector.broadcast %add3A_409 : f32 to vector<256x256xf32>
    %add3A_411 = arith.addf %mul3A_408, %add3A_410 : vector<256x256xf32>
    %mul3A_412 = arith.mulf %add3A_411, %abs3A : vector<256x256xf32>
    %add3A_413 = arith.constant -0.214598805 : f32
    %add3A_414 = vector.broadcast %add3A_413 : f32 to vector<256x256xf32>
    %add3A_415 = arith.addf %mul3A_412, %add3A_414 : vector<256x256xf32>
    %mul3A_416 = arith.mulf %add3A_415, %abs3A : vector<256x256xf32>
    %add3A_417 = arith.constant 1.57079625 : f32
    %add3A_418 = vector.broadcast %add3A_417 : f32 to vector<256x256xf32>
    %add3A_419 = arith.addf %mul3A_416, %add3A_418 : vector<256x256xf32>
    %sub3A_420 = arith.constant 1.000000e+00 : f32
    %sub3A_421 = vector.broadcast %sub3A_420 : f32 to vector<256x256xf32>
    %sub3A_422 = arith.subf %sub3A_421, %abs3A : vector<256x256xf32>
    %max3A_423 = arith.constant 0.000000e+00 : f32
    %max3A_424 = vector.broadcast %max3A_423 : f32 to vector<256x256xf32>
    %max3A_425 = arith.maximumf %sub3A_422, %max3A_424 : vector<256x256xf32>
    %sqrt3A_426 = math.sqrt %max3A_425 : vector<256x256xf32>
    %mul3A_427 = arith.mulf %sqrt3A_426, %add3A_419 : vector<256x256xf32>
    %ge3A = arith.constant 0.000000e+00 : f32
    %ge3A_428 = vector.broadcast %ge3A : f32 to vector<256x256xf32>
    %ge3A_429 = arith.cmpf oge, %mul3A_389, %ge3A_428 : vector<256x256xf32>
    %sub3A_430 = arith.constant 3.14159274 : f32
    %sub3A_431 = vector.broadcast %sub3A_430 : f32 to vector<256x256xf32>
    %sub3A_432 = arith.subf %sub3A_431, %mul3A_427 : vector<256x256xf32>
    %select_n3A = arith.select %ge3A_429, %mul3A_427, %sub3A_432 : vector<256x256xi1>, vector<256x256xf32>
    %add3A_433 = vector.broadcast %get3A_0 : f32 to vector<256x256xf32>
    %add3A_434 = arith.addf %select_n3A, %add3A_433 : vector<256x256xf32>
    %add3A_435 = vector.broadcast %get3A_0 : f32 to vector<16x256xf32>
    %add3A_436 = arith.addf %transpose3A_8, %add3A_435 : vector<16x256xf32>
    %broadcast_in_dim3A_437 = vector.shape_cast %add3A_436 : vector<16x256xf32> to vector<16x1x256xf32>
    %broadcast_in_dim3A_438 = vector.shape_cast %broadcast_in_dim3A_437 : vector<16x1x256xf32> to vector<16x1x256xf32>
    %broadcast_in_dim3A_439 = vector.broadcast %broadcast_in_dim3A_438 : vector<16x1x256xf32> to vector<16x16x256xf32>
    %reshape3A_440 = vector.shape_cast %broadcast_in_dim3A_439 : vector<16x16x256xf32> to vector<256x256xf32>
    %slice3A_441 = vector.extract_strided_slice %reshape3A_440 {offsets = [1, 0], sizes = [16, 256], strides = [1, 1]} : vector<256x256xf32> to vector<16x256xf32>
    %slice3A_442 = vector.extract_strided_slice %reshape3A_440 {offsets = [18, 0], sizes = [16, 256], strides = [1, 1]} : vector<256x256xf32> to vector<16x256xf32>
    %slice3A_443 = vector.extract_strided_slice %reshape3A_440 {offsets = [35, 0], sizes = [16, 256], strides = [1, 1]} : vector<256x256xf32> to vector<16x256xf32>
    %slice3A_444 = vector.extract_strided_slice %reshape3A_440 {offsets = [52, 0], sizes = [16, 256], strides = [1, 1]} : vector<256x256xf32> to vector<16x256xf32>
    %slice3A_445 = vector.extract_strided_slice %reshape3A_440 {offsets = [69, 0], sizes = [16, 256], strides = [1, 1]} : vector<256x256xf32> to vector<16x256xf32>
    %slice3A_446 = vector.extract_strided_slice %reshape3A_440 {offsets = [86, 0], sizes = [16, 256], strides = [1, 1]} : vector<256x256xf32> to vector<16x256xf32>
    %slice3A_447 = vector.extract_strided_slice %reshape3A_440 {offsets = [103, 0], sizes = [16, 256], strides = [1, 1]} : vector<256x256xf32> to vector<16x256xf32>
    %slice3A_448 = vector.extract_strided_slice %reshape3A_440 {offsets = [120, 0], sizes = [16, 256], strides = [1, 1]} : vector<256x256xf32> to vector<16x256xf32>
    %slice3A_449 = vector.extract_strided_slice %reshape3A_440 {offsets = [137, 0], sizes = [16, 256], strides = [1, 1]} : vector<256x256xf32> to vector<16x256xf32>
    %slice3A_450 = vector.extract_strided_slice %reshape3A_440 {offsets = [154, 0], sizes = [16, 256], strides = [1, 1]} : vector<256x256xf32> to vector<16x256xf32>
    %slice3A_451 = vector.extract_strided_slice %reshape3A_440 {offsets = [171, 0], sizes = [16, 256], strides = [1, 1]} : vector<256x256xf32> to vector<16x256xf32>
    %slice3A_452 = vector.extract_strided_slice %reshape3A_440 {offsets = [188, 0], sizes = [16, 256], strides = [1, 1]} : vector<256x256xf32> to vector<16x256xf32>
    %slice3A_453 = vector.extract_strided_slice %reshape3A_440 {offsets = [205, 0], sizes = [16, 256], strides = [1, 1]} : vector<256x256xf32> to vector<16x256xf32>
    %slice3A_454 = vector.extract_strided_slice %reshape3A_440 {offsets = [222, 0], sizes = [16, 256], strides = [1, 1]} : vector<256x256xf32> to vector<16x256xf32>
    %slice3A_455 = vector.extract_strided_slice %reshape3A_440 {offsets = [239, 0], sizes = [16, 256], strides = [1, 1]} : vector<256x256xf32> to vector<16x256xf32>
    %concatenate3A = tpu.concatenate %slice3A_441, %slice3A_442, %slice3A_443, %slice3A_444, %slice3A_445, %slice3A_446, %slice3A_447, %slice3A_448, %slice3A_449, %slice3A_450, %slice3A_451, %slice3A_452, %slice3A_453, %slice3A_454, %slice3A_455 in 0 : vector<16x256xf32>, vector<16x256xf32>, vector<16x256xf32>, vector<16x256xf32>, vector<16x256xf32>, vector<16x256xf32>, vector<16x256xf32>, vector<16x256xf32>, vector<16x256xf32>, vector<16x256xf32>, vector<16x256xf32>, vector<16x256xf32>, vector<16x256xf32>, vector<16x256xf32>, vector<16x256xf32> -> vector<240x256xf32>
    %swap3A = arith.constant 0 : index
    %swap3A_456 = arith.constant 0 : index
    %swap3A_457 = arith.constant 0 : index
    %swap3A_458 = vector.load %arg5[%swap3A, %swap3A_456, %swap3A_457] : memref<51x240x256xf32, #tpu.memory_space<vmem>>, vector<1x240x256xf32>
    %swap3A_459 = vector.shape_cast %swap3A_458 : vector<1x240x256xf32> to vector<240x256xf32>
    %swap3A_460 = vector.shape_cast %concatenate3A : vector<240x256xf32> to vector<1x240x256xf32>
    tpu.vector_store %arg5[%swap3A, %swap3A_456, %swap3A_457], %swap3A_460 {strides = array<i32>} : memref<51x240x256xf32, #tpu.memory_space<vmem>>, vector<1x240x256xf32>,
    %broadcast_in_dim3A_461 = vector.shape_cast %add3A_436 : vector<16x256xf32> to vector<1x16x256xf32>
    %broadcast_in_dim3A_462 = vector.shape_cast %broadcast_in_dim3A_461 : vector<1x16x256xf32> to vector<1x16x256xf32>
    %broadcast_in_dim3A_463 = vector.broadcast %broadcast_in_dim3A_462 : vector<1x16x256xf32> to vector<16x16x256xf32>
    %reshape3A_464 = vector.shape_cast %broadcast_in_dim3A_463 : vector<16x16x256xf32> to vector<256x256xf32>
    %slice3A_465 = vector.extract_strided_slice %reshape3A_464 {offsets = [1, 0], sizes = [16, 256], strides = [1, 1]} : vector<256x256xf32> to vector<16x256xf32>
    %slice3A_466 = vector.extract_strided_slice %reshape3A_464 {offsets = [18, 0], sizes = [16, 256], strides = [1, 1]} : vector<256x256xf32> to vector<16x256xf32>
    %slice3A_467 = vector.extract_strided_slice %reshape3A_464 {offsets = [35, 0], sizes = [16, 256], strides = [1, 1]} : vector<256x256xf32> to vector<16x256xf32>
    %slice3A_468 = vector.extract_strided_slice %reshape3A_464 {offsets = [52, 0], sizes = [16, 256], strides = [1, 1]} : vector<256x256xf32> to vector<16x256xf32>
    %slice3A_469 = vector.extract_strided_slice %reshape3A_464 {offsets = [69, 0], sizes = [16, 256], strides = [1, 1]} : vector<256x256xf32> to vector<16x256xf32>
    %slice3A_470 = vector.extract_strided_slice %reshape3A_464 {offsets = [86, 0], sizes = [16, 256], strides = [1, 1]} : vector<256x256xf32> to vector<16x256xf32>
    %slice3A_471 = vector.extract_strided_slice %reshape3A_464 {offsets = [103, 0], sizes = [16, 256], strides = [1, 1]} : vector<256x256xf32> to vector<16x256xf32>
    %slice3A_472 = vector.extract_strided_slice %reshape3A_464 {offsets = [120, 0], sizes = [16, 256], strides = [1, 1]} : vector<256x256xf32> to vector<16x256xf32>
    %slice3A_473 = vector.extract_strided_slice %reshape3A_464 {offsets = [137, 0], sizes = [16, 256], strides = [1, 1]} : vector<256x256xf32> to vector<16x256xf32>
    %slice3A_474 = vector.extract_strided_slice %reshape3A_464 {offsets = [154, 0], sizes = [16, 256], strides = [1, 1]} : vector<256x256xf32> to vector<16x256xf32>
    %slice3A_475 = vector.extract_strided_slice %reshape3A_464 {offsets = [171, 0], sizes = [16, 256], strides = [1, 1]} : vector<256x256xf32> to vector<16x256xf32>
    %slice3A_476 = vector.extract_strided_slice %reshape3A_464 {offsets = [188, 0], sizes = [16, 256], strides = [1, 1]} : vector<256x256xf32> to vector<16x256xf32>
    %slice3A_477 = vector.extract_strided_slice %reshape3A_464 {offsets = [205, 0], sizes = [16, 256], strides = [1, 1]} : vector<256x256xf32> to vector<16x256xf32>
    %slice3A_478 = vector.extract_strided_slice %reshape3A_464 {offsets = [222, 0], sizes = [16, 256], strides = [1, 1]} : vector<256x256xf32> to vector<16x256xf32>
    %slice3A_479 = vector.extract_strided_slice %reshape3A_464 {offsets = [239, 0], sizes = [16, 256], strides = [1, 1]} : vector<256x256xf32> to vector<16x256xf32>
    %concatenate3A_480 = tpu.concatenate %slice3A_465, %slice3A_466, %slice3A_467, %slice3A_468, %slice3A_469, %slice3A_470, %slice3A_471, %slice3A_472, %slice3A_473, %slice3A_474, %slice3A_475, %slice3A_476, %slice3A_477, %slice3A_478, %slice3A_479 in 0 : vector<16x256xf32>, vector<16x256xf32>, vector<16x256xf32>, vector<16x256xf32>, vector<16x256xf32>, vector<16x256xf32>, vector<16x256xf32>, vector<16x256xf32>, vector<16x256xf32>, vector<16x256xf32>, vector<16x256xf32>, vector<16x256xf32>, vector<16x256xf32>, vector<16x256xf32>, vector<16x256xf32> -> vector<240x256xf32>
    %swap3A_481 = arith.constant 1 : index
    %swap3A_482 = arith.constant 0 : index
    %swap3A_483 = arith.constant 0 : index
    %swap3A_484 = vector.load %arg5[%swap3A_481, %swap3A_482, %swap3A_483] : memref<51x240x256xf32, #tpu.memory_space<vmem>>, vector<1x240x256xf32>
    %swap3A_485 = vector.shape_cast %swap3A_484 : vector<1x240x256xf32> to vector<240x256xf32>
    %swap3A_486 = vector.shape_cast %concatenate3A_480 : vector<240x256xf32> to vector<1x240x256xf32>
    tpu.vector_store %arg5[%swap3A_481, %swap3A_482, %swap3A_483], %swap3A_486 {strides = array<i32>} : memref<51x240x256xf32, #tpu.memory_space<vmem>>, vector<1x240x256xf32>,
    %slice3A_487 = vector.extract_strided_slice %add3A_434 {offsets = [1, 0], sizes = [16, 256], strides = [1, 1]} : vector<256x256xf32> to vector<16x256xf32>
    %slice3A_488 = vector.extract_strided_slice %add3A_434 {offsets = [18, 0], sizes = [16, 256], strides = [1, 1]} : vector<256x256xf32> to vector<16x256xf32>
    %slice3A_489 = vector.extract_strided_slice %add3A_434 {offsets = [35, 0], sizes = [16, 256], strides = [1, 1]} : vector<256x256xf32> to vector<16x256xf32>
    %slice3A_490 = vector.extract_strided_slice %add3A_434 {offsets = [52, 0], sizes = [16, 256], strides = [1, 1]} : vector<256x256xf32> to vector<16x256xf32>
    %slice3A_491 = vector.extract_strided_slice %add3A_434 {offsets = [69, 0], sizes = [16, 256], strides = [1, 1]} : vector<256x256xf32> to vector<16x256xf32>
    %slice3A_492 = vector.extract_strided_slice %add3A_434 {offsets = [86, 0], sizes = [16, 256], strides = [1, 1]} : vector<256x256xf32> to vector<16x256xf32>
    %slice3A_493 = vector.extract_strided_slice %add3A_434 {offsets = [103, 0], sizes = [16, 256], strides = [1, 1]} : vector<256x256xf32> to vector<16x256xf32>
    %slice3A_494 = vector.extract_strided_slice %add3A_434 {offsets = [120, 0], sizes = [16, 256], strides = [1, 1]} : vector<256x256xf32> to vector<16x256xf32>
    %slice3A_495 = vector.extract_strided_slice %add3A_434 {offsets = [137, 0], sizes = [16, 256], strides = [1, 1]} : vector<256x256xf32> to vector<16x256xf32>
    %slice3A_496 = vector.extract_strided_slice %add3A_434 {offsets = [154, 0], sizes = [16, 256], strides = [1, 1]} : vector<256x256xf32> to vector<16x256xf32>
    %slice3A_497 = vector.extract_strided_slice %add3A_434 {offsets = [171, 0], sizes = [16, 256], strides = [1, 1]} : vector<256x256xf32> to vector<16x256xf32>
    %slice3A_498 = vector.extract_strided_slice %add3A_434 {offsets = [188, 0], sizes = [16, 256], strides = [1, 1]} : vector<256x256xf32> to vector<16x256xf32>
    %slice3A_499 = vector.extract_strided_slice %add3A_434 {offsets = [205, 0], sizes = [16, 256], strides = [1, 1]} : vector<256x256xf32> to vector<16x256xf32>
    %slice3A_500 = vector.extract_strided_slice %add3A_434 {offsets = [222, 0], sizes = [16, 256], strides = [1, 1]} : vector<256x256xf32> to vector<16x256xf32>
    %slice3A_501 = vector.extract_strided_slice %add3A_434 {offsets = [239, 0], sizes = [16, 256], strides = [1, 1]} : vector<256x256xf32> to vector<16x256xf32>
    %concatenate3A_502 = tpu.concatenate %slice3A_487, %slice3A_488, %slice3A_489, %slice3A_490, %slice3A_491, %slice3A_492, %slice3A_493, %slice3A_494, %slice3A_495, %slice3A_496, %slice3A_497, %slice3A_498, %slice3A_499, %slice3A_500, %slice3A_501 in 0 : vector<16x256xf32>, vector<16x256xf32>, vector<16x256xf32>, vector<16x256xf32>, vector<16x256xf32>, vector<16x256xf32>, vector<16x256xf32>, vector<16x256xf32>, vector<16x256xf32>, vector<16x256xf32>, vector<16x256xf32>, vector<16x256xf32>, vector<16x256xf32>, vector<16x256xf32>, vector<16x256xf32> -> vector<240x256xf32>
    %swap3A_503 = arith.constant 2 : index
    %swap3A_504 = arith.constant 0 : index
    %swap3A_505 = arith.constant 0 : index
    %swap3A_506 = vector.load %arg5[%swap3A_503, %swap3A_504, %swap3A_505] : memref<51x240x256xf32, #tpu.memory_space<vmem>>, vector<1x240x256xf32>
    %swap3A_507 = vector.shape_cast %swap3A_506 : vector<1x240x256xf32> to vector<240x256xf32>
    %swap3A_508 = vector.shape_cast %concatenate3A_502 : vector<240x256xf32> to vector<1x240x256xf32>
    tpu.vector_store %arg5[%swap3A_503, %swap3A_504, %swap3A_505], %swap3A_508 {strides = array<i32>} : memref<51x240x256xf32, #tpu.memory_space<vmem>>, vector<1x240x256xf32>,
    %slice3A_509 = vector.extract_strided_slice %add3A_324 {offsets = [0, 0], sizes = [1, 256], strides = [1, 1]} : vector<16x256xf32> to vector<1x256xf32>
    %broadcast_in_dim3A_510 = vector.shape_cast %slice3A_509 : vector<1x256xf32> to vector<1x256xf32>
    %broadcast_in_dim3A_511 = vector.broadcast %broadcast_in_dim3A_510 : vector<1x256xf32> to vector<240x256xf32>
    %swap3A_512 = arith.constant 3 : index
    %swap3A_513 = arith.constant 0 : index
    %swap3A_514 = arith.constant 0 : index
    %swap3A_515 = vector.load %arg5[%swap3A_512, %swap3A_513, %swap3A_514] : memref<51x240x256xf32, #tpu.memory_space<vmem>>, vector<1x240x256xf32>
    %swap3A_516 = vector.shape_cast %swap3A_515 : vector<1x240x256xf32> to vector<240x256xf32>
    %swap3A_517 = vector.shape_cast %broadcast_in_dim3A_511 : vector<240x256xf32> to vector<1x240x256xf32>
    tpu.vector_store %arg5[%swap3A_512, %swap3A_513, %swap3A_514], %swap3A_517 {strides = array<i32>} : memref<51x240x256xf32, #tpu.memory_space<vmem>>, vector<1x240x256xf32>,
    %slice3A_518 = vector.extract_strided_slice %stack3A_314 {offsets = [0, 0, 0], sizes = [16, 1, 256], strides = [1, 1, 1]} : vector<16x16x256xf32> to vector<16x1x256xf32>
    %squeeze3A_519 = vector.shape_cast %slice3A_518 : vector<16x1x256xf32> to vector<16x256xf32>
    %broadcast_in_dim3A_520 = vector.shape_cast %squeeze3A_519 : vector<16x256xf32> to vector<16x1x256xf32>
    %broadcast_in_dim3A_521 = vector.shape_cast %broadcast_in_dim3A_520 : vector<16x1x256xf32> to vector<16x1x256xf32>
    %broadcast_in_dim3A_522 = vector.broadcast %broadcast_in_dim3A_521 : vector<16x1x256xf32> to vector<16x16x256xf32>
    %reshape3A_523 = vector.shape_cast %broadcast_in_dim3A_522 : vector<16x16x256xf32> to vector<256x256xf32>
    %slice3A_524 = vector.extract_strided_slice %reshape3A_523 {offsets = [1, 0], sizes = [16, 256], strides = [1, 1]} : vector<256x256xf32> to vector<16x256xf32>
    %slice3A_525 = vector.extract_strided_slice %reshape3A_523 {offsets = [18, 0], sizes = [16, 256], strides = [1, 1]} : vector<256x256xf32> to vector<16x256xf32>
    %slice3A_526 = vector.extract_strided_slice %reshape3A_523 {offsets = [35, 0], sizes = [16, 256], strides = [1, 1]} : vector<256x256xf32> to vector<16x256xf32>
    %slice3A_527 = vector.extract_strided_slice %reshape3A_523 {offsets = [52, 0], sizes = [16, 256], strides = [1, 1]} : vector<256x256xf32> to vector<16x256xf32>
    %slice3A_528 = vector.extract_strided_slice %reshape3A_523 {offsets = [69, 0], sizes = [16, 256], strides = [1, 1]} : vector<256x256xf32> to vector<16x256xf32>
    %slice3A_529 = vector.extract_strided_slice %reshape3A_523 {offsets = [86, 0], sizes = [16, 256], strides = [1, 1]} : vector<256x256xf32> to vector<16x256xf32>
    %slice3A_530 = vector.extract_strided_slice %reshape3A_523 {offsets = [103, 0], sizes = [16, 256], strides = [1, 1]} : vector<256x256xf32> to vector<16x256xf32>
    %slice3A_531 = vector.extract_strided_slice %reshape3A_523 {offsets = [120, 0], sizes = [16, 256], strides = [1, 1]} : vector<256x256xf32> to vector<16x256xf32>
    %slice3A_532 = vector.extract_strided_slice %reshape3A_523 {offsets = [137, 0], sizes = [16, 256], strides = [1, 1]} : vector<256x256xf32> to vector<16x256xf32>
    %slice3A_533 = vector.extract_strided_slice %reshape3A_523 {offsets = [154, 0], sizes = [16, 256], strides = [1, 1]} : vector<256x256xf32> to vector<16x256xf32>
    %slice3A_534 = vector.extract_strided_slice %reshape3A_523 {offsets = [171, 0], sizes = [16, 256], strides = [1, 1]} : vector<256x256xf32> to vector<16x256xf32>
    %slice3A_535 = vector.extract_strided_slice %reshape3A_523 {offsets = [188, 0], sizes = [16, 256], strides = [1, 1]} : vector<256x256xf32> to vector<16x256xf32>
    %slice3A_536 = vector.extract_strided_slice %reshape3A_523 {offsets = [205, 0], sizes = [16, 256], strides = [1, 1]} : vector<256x256xf32> to vector<16x256xf32>
    %slice3A_537 = vector.extract_strided_slice %reshape3A_523 {offsets = [222, 0], sizes = [16, 256], strides = [1, 1]} : vector<256x256xf32> to vector<16x256xf32>
    %slice3A_538 = vector.extract_strided_slice %reshape3A_523 {offsets = [239, 0], sizes = [16, 256], strides = [1, 1]} : vector<256x256xf32> to vector<16x256xf32>
    %concatenate3A_539 = tpu.concatenate %slice3A_524, %slice3A_525, %slice3A_526, %slice3A_527, %slice3A_528, %slice3A_529, %slice3A_530, %slice3A_531, %slice3A_532, %slice3A_533, %slice3A_534, %slice3A_535, %slice3A_536, %slice3A_537, %slice3A_538 in 0 : vector<16x256xf32>, vector<16x256xf32>, vector<16x256xf32>, vector<16x256xf32>, vector<16x256xf32>, vector<16x256xf32>, vector<16x256xf32>, vector<16x256xf32>, vector<16x256xf32>, vector<16x256xf32>, vector<16x256xf32>, vector<16x256xf32>, vector<16x256xf32>, vector<16x256xf32>, vector<16x256xf32> -> vector<240x256xf32>
    %swap3A_540 = arith.constant 19 : index
    %swap3A_541 = arith.constant 0 : index
    %swap3A_542 = arith.constant 0 : index
    %swap3A_543 = vector.load %arg5[%swap3A_540, %swap3A_541, %swap3A_542] : memref<51x240x256xf32, #tpu.memory_space<vmem>>, vector<1x240x256xf32>
    %swap3A_544 = vector.shape_cast %swap3A_543 : vector<1x240x256xf32> to vector<240x256xf32>
    %swap3A_545 = vector.shape_cast %concatenate3A_539 : vector<240x256xf32> to vector<1x240x256xf32>
    tpu.vector_store %arg5[%swap3A_540, %swap3A_541, %swap3A_542], %swap3A_545 {strides = array<i32>} : memref<51x240x256xf32, #tpu.memory_space<vmem>>, vector<1x240x256xf32>,
    %slice3A_546 = vector.extract_strided_slice %stack3A_314 {offsets = [0, 0, 0], sizes = [16, 1, 256], strides = [1, 1, 1]} : vector<16x16x256xf32> to vector<16x1x256xf32>
    %squeeze3A_547 = vector.shape_cast %slice3A_546 : vector<16x1x256xf32> to vector<16x256xf32>
    %broadcast_in_dim3A_548 = vector.shape_cast %squeeze3A_547 : vector<16x256xf32> to vector<1x16x256xf32>
    %broadcast_in_dim3A_549 = vector.shape_cast %broadcast_in_dim3A_548 : vector<1x16x256xf32> to vector<1x16x256xf32>
    %broadcast_in_dim3A_550 = vector.broadcast %broadcast_in_dim3A_549 : vector<1x16x256xf32> to vector<16x16x256xf32>
    %reshape3A_551 = vector.shape_cast %broadcast_in_dim3A_550 : vector<16x16x256xf32> to vector<256x256xf32>
    %slice3A_552 = vector.extract_strided_slice %reshape3A_551 {offsets = [1, 0], sizes = [16, 256], strides = [1, 1]} : vector<256x256xf32> to vector<16x256xf32>
    %slice3A_553 = vector.extract_strided_slice %reshape3A_551 {offsets = [18, 0], sizes = [16, 256], strides = [1, 1]} : vector<256x256xf32> to vector<16x256xf32>
    %slice3A_554 = vector.extract_strided_slice %reshape3A_551 {offsets = [35, 0], sizes = [16, 256], strides = [1, 1]} : vector<256x256xf32> to vector<16x256xf32>
    %slice3A_555 = vector.extract_strided_slice %reshape3A_551 {offsets = [52, 0], sizes = [16, 256], strides = [1, 1]} : vector<256x256xf32> to vector<16x256xf32>
    %slice3A_556 = vector.extract_strided_slice %reshape3A_551 {offsets = [69, 0], sizes = [16, 256], strides = [1, 1]} : vector<256x256xf32> to vector<16x256xf32>
    %slice3A_557 = vector.extract_strided_slice %reshape3A_551 {offsets = [86, 0], sizes = [16, 256], strides = [1, 1]} : vector<256x256xf32> to vector<16x256xf32>
    %slice3A_558 = vector.extract_strided_slice %reshape3A_551 {offsets = [103, 0], sizes = [16, 256], strides = [1, 1]} : vector<256x256xf32> to vector<16x256xf32>
    %slice3A_559 = vector.extract_strided_slice %reshape3A_551 {offsets = [120, 0], sizes = [16, 256], strides = [1, 1]} : vector<256x256xf32> to vector<16x256xf32>
    %slice3A_560 = vector.extract_strided_slice %reshape3A_551 {offsets = [137, 0], sizes = [16, 256], strides = [1, 1]} : vector<256x256xf32> to vector<16x256xf32>
    %slice3A_561 = vector.extract_strided_slice %reshape3A_551 {offsets = [154, 0], sizes = [16, 256], strides = [1, 1]} : vector<256x256xf32> to vector<16x256xf32>
    %slice3A_562 = vector.extract_strided_slice %reshape3A_551 {offsets = [171, 0], sizes = [16, 256], strides = [1, 1]} : vector<256x256xf32> to vector<16x256xf32>
    %slice3A_563 = vector.extract_strided_slice %reshape3A_551 {offsets = [188, 0], sizes = [16, 256], strides = [1, 1]} : vector<256x256xf32> to vector<16x256xf32>
    %slice3A_564 = vector.extract_strided_slice %reshape3A_551 {offsets = [205, 0], sizes = [16, 256], strides = [1, 1]} : vector<256x256xf32> to vector<16x256xf32>
    %slice3A_565 = vector.extract_strided_slice %reshape3A_551 {offsets = [222, 0], sizes = [16, 256], strides = [1, 1]} : vector<256x256xf32> to vector<16x256xf32>
    %slice3A_566 = vector.extract_strided_slice %reshape3A_551 {offsets = [239, 0], sizes = [16, 256], strides = [1, 1]} : vector<256x256xf32> to vector<16x256xf32>
    %concatenate3A_567 = tpu.concatenate %slice3A_552, %slice3A_553, %slice3A_554, %slice3A_555, %slice3A_556, %slice3A_557, %slice3A_558, %slice3A_559, %slice3A_560, %slice3A_561, %slice3A_562, %slice3A_563, %slice3A_564, %slice3A_565, %slice3A_566 in 0 : vector<16x256xf32>, vector<16x256xf32>, vector<16x256xf32>, vector<16x256xf32>, vector<16x256xf32>, vector<16x256xf32>, vector<16x256xf32>, vector<16x256xf32>, vector<16x256xf32>, vector<16x256xf32>, vector<16x256xf32>, vector<16x256xf32>, vector<16x256xf32>, vector<16x256xf32>, vector<16x256xf32> -> vector<240x256xf32>
    %swap3A_568 = arith.constant 35 : index
    %swap3A_569 = arith.constant 0 : index
    %swap3A_570 = arith.constant 0 : index
    %swap3A_571 = vector.load %arg5[%swap3A_568, %swap3A_569, %swap3A_570] : memref<51x240x256xf32, #tpu.memory_space<vmem>>, vector<1x240x256xf32>
    %swap3A_572 = vector.shape_cast %swap3A_571 : vector<1x240x256xf32> to vector<240x256xf32>
    %swap3A_573 = vector.shape_cast %concatenate3A_567 : vector<240x256xf32> to vector<1x240x256xf32>
    tpu.vector_store %arg5[%swap3A_568, %swap3A_569, %swap3A_570], %swap3A_573 {strides = array<i32>} : memref<51x240x256xf32, #tpu.memory_space<vmem>>, vector<1x240x256xf32>,
    %slice3A_574 = vector.extract_strided_slice %add3A_324 {offsets = [1, 0], sizes = [1, 256], strides = [1, 1]} : vector<16x256xf32> to vector<1x256xf32>
    %broadcast_in_dim3A_575 = vector.shape_cast %slice3A_574 : vector<1x256xf32> to vector<1x256xf32>
    %broadcast_in_dim3A_576 = vector.broadcast %broadcast_in_dim3A_575 : vector<1x256xf32> to vector<240x256xf32>
    %swap3A_577 = arith.constant 4 : index
    %swap3A_578 = arith.constant 0 : index
    %swap3A_579 = arith.constant 0 : index
    %swap3A_580 = vector.load %arg5[%swap3A_577, %swap3A_578, %swap3A_579] : memref<51x240x256xf32, #tpu.memory_space<vmem>>, vector<1x240x256xf32>
    %swap3A_581 = vector.shape_cast %swap3A_580 : vector<1x240x256xf32> to vector<240x256xf32>
    %swap3A_582 = vector.shape_cast %broadcast_in_dim3A_576 : vector<240x256xf32> to vector<1x240x256xf32>
    tpu.vector_store %arg5[%swap3A_577, %swap3A_578, %swap3A_579], %swap3A_582 {strides = array<i32>} : memref<51x240x256xf32, #tpu.memory_space<vmem>>, vector<1x240x256xf32>,
    %slice3A_583 = vector.extract_strided_slice %stack3A_314 {offsets = [0, 1, 0], sizes = [16, 1, 256], strides = [1, 1, 1]} : vector<16x16x256xf32> to vector<16x1x256xf32>
    %squeeze3A_584 = vector.shape_cast %slice3A_583 : vector<16x1x256xf32> to vector<16x256xf32>
    %broadcast_in_dim3A_585 = vector.shape_cast %squeeze3A_584 : vector<16x256xf32> to vector<16x1x256xf32>
    %broadcast_in_dim3A_586 = vector.shape_cast %broadcast_in_dim3A_585 : vector<16x1x256xf32> to vector<16x1x256xf32>
    %broadcast_in_dim3A_587 = vector.broadcast %broadcast_in_dim3A_586 : vector<16x1x256xf32> to vector<16x16x256xf32>
    %reshape3A_588 = vector.shape_cast %broadcast_in_dim3A_587 : vector<16x16x256xf32> to vector<256x256xf32>
    %slice3A_589 = vector.extract_strided_slice %reshape3A_588 {offsets = [1, 0], sizes = [16, 256], strides = [1, 1]} : vector<256x256xf32> to vector<16x256xf32>
    %slice3A_590 = vector.extract_strided_slice %reshape3A_588 {offsets = [18, 0], sizes = [16, 256], strides = [1, 1]} : vector<256x256xf32> to vector<16x256xf32>
    %slice3A_591 = vector.extract_strided_slice %reshape3A_588 {offsets = [35, 0], sizes = [16, 256], strides = [1, 1]} : vector<256x256xf32> to vector<16x256xf32>
    %slice3A_592 = vector.extract_strided_slice %reshape3A_588 {offsets = [52, 0], sizes = [16, 256], strides = [1, 1]} : vector<256x256xf32> to vector<16x256xf32>
    %slice3A_593 = vector.extract_strided_slice %reshape3A_588 {offsets = [69, 0], sizes = [16, 256], strides = [1, 1]} : vector<256x256xf32> to vector<16x256xf32>
    %slice3A_594 = vector.extract_strided_slice %reshape3A_588 {offsets = [86, 0], sizes = [16, 256], strides = [1, 1]} : vector<256x256xf32> to vector<16x256xf32>
    %slice3A_595 = vector.extract_strided_slice %reshape3A_588 {offsets = [103, 0], sizes = [16, 256], strides = [1, 1]} : vector<256x256xf32> to vector<16x256xf32>
    %slice3A_596 = vector.extract_strided_slice %reshape3A_588 {offsets = [120, 0], sizes = [16, 256], strides = [1, 1]} : vector<256x256xf32> to vector<16x256xf32>
    %slice3A_597 = vector.extract_strided_slice %reshape3A_588 {offsets = [137, 0], sizes = [16, 256], strides = [1, 1]} : vector<256x256xf32> to vector<16x256xf32>
    %slice3A_598 = vector.extract_strided_slice %reshape3A_588 {offsets = [154, 0], sizes = [16, 256], strides = [1, 1]} : vector<256x256xf32> to vector<16x256xf32>
    %slice3A_599 = vector.extract_strided_slice %reshape3A_588 {offsets = [171, 0], sizes = [16, 256], strides = [1, 1]} : vector<256x256xf32> to vector<16x256xf32>
    %slice3A_600 = vector.extract_strided_slice %reshape3A_588 {offsets = [188, 0], sizes = [16, 256], strides = [1, 1]} : vector<256x256xf32> to vector<16x256xf32>
    %slice3A_601 = vector.extract_strided_slice %reshape3A_588 {offsets = [205, 0], sizes = [16, 256], strides = [1, 1]} : vector<256x256xf32> to vector<16x256xf32>
    %slice3A_602 = vector.extract_strided_slice %reshape3A_588 {offsets = [222, 0], sizes = [16, 256], strides = [1, 1]} : vector<256x256xf32> to vector<16x256xf32>
    %slice3A_603 = vector.extract_strided_slice %reshape3A_588 {offsets = [239, 0], sizes = [16, 256], strides = [1, 1]} : vector<256x256xf32> to vector<16x256xf32>
    %concatenate3A_604 = tpu.concatenate %slice3A_589, %slice3A_590, %slice3A_591, %slice3A_592, %slice3A_593, %slice3A_594, %slice3A_595, %slice3A_596, %slice3A_597, %slice3A_598, %slice3A_599, %slice3A_600, %slice3A_601, %slice3A_602, %slice3A_603 in 0 : vector<16x256xf32>, vector<16x256xf32>, vector<16x256xf32>, vector<16x256xf32>, vector<16x256xf32>, vector<16x256xf32>, vector<16x256xf32>, vector<16x256xf32>, vector<16x256xf32>, vector<16x256xf32>, vector<16x256xf32>, vector<16x256xf32>, vector<16x256xf32>, vector<16x256xf32>, vector<16x256xf32> -> vector<240x256xf32>
    %swap3A_605 = arith.constant 20 : index
    %swap3A_606 = arith.constant 0 : index
    %swap3A_607 = arith.constant 0 : index
    %swap3A_608 = vector.load %arg5[%swap3A_605, %swap3A_606, %swap3A_607] : memref<51x240x256xf32, #tpu.memory_space<vmem>>, vector<1x240x256xf32>
    %swap3A_609 = vector.shape_cast %swap3A_608 : vector<1x240x256xf32> to vector<240x256xf32>
    %swap3A_610 = vector.shape_cast %concatenate3A_604 : vector<240x256xf32> to vector<1x240x256xf32>
    tpu.vector_store %arg5[%swap3A_605, %swap3A_606, %swap3A_607], %swap3A_610 {strides = array<i32>} : memref<51x240x256xf32, #tpu.memory_space<vmem>>, vector<1x240x256xf32>,
    %slice3A_611 = vector.extract_strided_slice %stack3A_314 {offsets = [0, 1, 0], sizes = [16, 1, 256], strides = [1, 1, 1]} : vector<16x16x256xf32> to vector<16x1x256xf32>
    %squeeze3A_612 = vector.shape_cast %slice3A_611 : vector<16x1x256xf32> to vector<16x256xf32>
    %broadcast_in_dim3A_613 = vector.shape_cast %squeeze3A_612 : vector<16x256xf32> to vector<1x16x256xf32>
    %broadcast_in_dim3A_614 = vector.shape_cast %broadcast_in_dim3A_613 : vector<1x16x256xf32> to vector<1x16x256xf32>
    %broadcast_in_dim3A_615 = vector.broadcast %broadcast_in_dim3A_614 : vector<1x16x256xf32> to vector<16x16x256xf32>
    %reshape3A_616 = vector.shape_cast %broadcast_in_dim3A_615 : vector<16x16x256xf32> to vector<256x256xf32>
    %slice3A_617 = vector.extract_strided_slice %reshape3A_616 {offsets = [1, 0], sizes = [16, 256], strides = [1, 1]} : vector<256x256xf32> to vector<16x256xf32>
    %slice3A_618 = vector.extract_strided_slice %reshape3A_616 {offsets = [18, 0], sizes = [16, 256], strides = [1, 1]} : vector<256x256xf32> to vector<16x256xf32>
    %slice3A_619 = vector.extract_strided_slice %reshape3A_616 {offsets = [35, 0], sizes = [16, 256], strides = [1, 1]} : vector<256x256xf32> to vector<16x256xf32>
    %slice3A_620 = vector.extract_strided_slice %reshape3A_616 {offsets = [52, 0], sizes = [16, 256], strides = [1, 1]} : vector<256x256xf32> to vector<16x256xf32>
    %slice3A_621 = vector.extract_strided_slice %reshape3A_616 {offsets = [69, 0], sizes = [16, 256], strides = [1, 1]} : vector<256x256xf32> to vector<16x256xf32>
    %slice3A_622 = vector.extract_strided_slice %reshape3A_616 {offsets = [86, 0], sizes = [16, 256], strides = [1, 1]} : vector<256x256xf32> to vector<16x256xf32>
    %slice3A_623 = vector.extract_strided_slice %reshape3A_616 {offsets = [103, 0], sizes = [16, 256], strides = [1, 1]} : vector<256x256xf32> to vector<16x256xf32>
    %slice3A_624 = vector.extract_strided_slice %reshape3A_616 {offsets = [120, 0], sizes = [16, 256], strides = [1, 1]} : vector<256x256xf32> to vector<16x256xf32>
    %slice3A_625 = vector.extract_strided_slice %reshape3A_616 {offsets = [137, 0], sizes = [16, 256], strides = [1, 1]} : vector<256x256xf32> to vector<16x256xf32>
    %slice3A_626 = vector.extract_strided_slice %reshape3A_616 {offsets = [154, 0], sizes = [16, 256], strides = [1, 1]} : vector<256x256xf32> to vector<16x256xf32>
    %slice3A_627 = vector.extract_strided_slice %reshape3A_616 {offsets = [171, 0], sizes = [16, 256], strides = [1, 1]} : vector<256x256xf32> to vector<16x256xf32>
    %slice3A_628 = vector.extract_strided_slice %reshape3A_616 {offsets = [188, 0], sizes = [16, 256], strides = [1, 1]} : vector<256x256xf32> to vector<16x256xf32>
    %slice3A_629 = vector.extract_strided_slice %reshape3A_616 {offsets = [205, 0], sizes = [16, 256], strides = [1, 1]} : vector<256x256xf32> to vector<16x256xf32>
    %slice3A_630 = vector.extract_strided_slice %reshape3A_616 {offsets = [222, 0], sizes = [16, 256], strides = [1, 1]} : vector<256x256xf32> to vector<16x256xf32>
    %slice3A_631 = vector.extract_strided_slice %reshape3A_616 {offsets = [239, 0], sizes = [16, 256], strides = [1, 1]} : vector<256x256xf32> to vector<16x256xf32>
    %concatenate3A_632 = tpu.concatenate %slice3A_617, %slice3A_618, %slice3A_619, %slice3A_620, %slice3A_621, %slice3A_622, %slice3A_623, %slice3A_624, %slice3A_625, %slice3A_626, %slice3A_627, %slice3A_628, %slice3A_629, %slice3A_630, %slice3A_631 in 0 : vector<16x256xf32>, vector<16x256xf32>, vector<16x256xf32>, vector<16x256xf32>, vector<16x256xf32>, vector<16x256xf32>, vector<16x256xf32>, vector<16x256xf32>, vector<16x256xf32>, vector<16x256xf32>, vector<16x256xf32>, vector<16x256xf32>, vector<16x256xf32>, vector<16x256xf32>, vector<16x256xf32> -> vector<240x256xf32>
    %swap3A_633 = arith.constant 36 : index
    %swap3A_634 = arith.constant 0 : index
    %swap3A_635 = arith.constant 0 : index
    %swap3A_636 = vector.load %arg5[%swap3A_633, %swap3A_634, %swap3A_635] : memref<51x240x256xf32, #tpu.memory_space<vmem>>, vector<1x240x256xf32>
    %swap3A_637 = vector.shape_cast %swap3A_636 : vector<1x240x256xf32> to vector<240x256xf32>
    %swap3A_638 = vector.shape_cast %concatenate3A_632 : vector<240x256xf32> to vector<1x240x256xf32>
    tpu.vector_store %arg5[%swap3A_633, %swap3A_634, %swap3A_635], %swap3A_638 {strides = array<i32>} : memref<51x240x256xf32, #tpu.memory_space<vmem>>, vector<1x240x256xf32>,
    %slice3A_639 = vector.extract_strided_slice %add3A_324 {offsets = [2, 0], sizes = [1, 256], strides = [1, 1]} : vector<16x256xf32> to vector<1x256xf32>
    %broadcast_in_dim3A_640 = vector.shape_cast %slice3A_639 : vector<1x256xf32> to vector<1x256xf32>
    %broadcast_in_dim3A_641 = vector.broadcast %broadcast_in_dim3A_640 : vector<1x256xf32> to vector<240x256xf32>
    %swap3A_642 = arith.constant 5 : index
    %swap3A_643 = arith.constant 0 : index
    %swap3A_644 = arith.constant 0 : index
    %swap3A_645 = vector.load %arg5[%swap3A_642, %swap3A_643, %swap3A_644] : memref<51x240x256xf32, #tpu.memory_space<vmem>>, vector<1x240x256xf32>
    %swap3A_646 = vector.shape_cast %swap3A_645 : vector<1x240x256xf32> to vector<240x256xf32>
    %swap3A_647 = vector.shape_cast %broadcast_in_dim3A_641 : vector<240x256xf32> to vector<1x240x256xf32>
    tpu.vector_store %arg5[%swap3A_642, %swap3A_643, %swap3A_644], %swap3A_647 {strides = array<i32>} : memref<51x240x256xf32, #tpu.memory_space<vmem>>, vector<1x240x256xf32>,
    %slice3A_648 = vector.extract_strided_slice %stack3A_314 {offsets = [0, 2, 0], sizes = [16, 1, 256], strides = [1, 1, 1]} : vector<16x16x256xf32> to vector<16x1x256xf32>
    %squeeze3A_649 = vector.shape_cast %slice3A_648 : vector<16x1x256xf32> to vector<16x256xf32>
    %broadcast_in_dim3A_650 = vector.shape_cast %squeeze3A_649 : vector<16x256xf32> to vector<16x1x256xf32>
    %broadcast_in_dim3A_651 = vector.shape_cast %broadcast_in_dim3A_650 : vector<16x1x256xf32> to vector<16x1x256xf32>
    %broadcast_in_dim3A_652 = vector.broadcast %broadcast_in_dim3A_651 : vector<16x1x256xf32> to vector<16x16x256xf32>
    %reshape3A_653 = vector.shape_cast %broadcast_in_dim3A_652 : vector<16x16x256xf32> to vector<256x256xf32>
    %slice3A_654 = vector.extract_strided_slice %reshape3A_653 {offsets = [1, 0], sizes = [16, 256], strides = [1, 1]} : vector<256x256xf32> to vector<16x256xf32>
    %slice3A_655 = vector.extract_strided_slice %reshape3A_653 {offsets = [18, 0], sizes = [16, 256], strides = [1, 1]} : vector<256x256xf32> to vector<16x256xf32>
    %slice3A_656 = vector.extract_strided_slice %reshape3A_653 {offsets = [35, 0], sizes = [16, 256], strides = [1, 1]} : vector<256x256xf32> to vector<16x256xf32>
    %slice3A_657 = vector.extract_strided_slice %reshape3A_653 {offsets = [52, 0], sizes = [16, 256], strides = [1, 1]} : vector<256x256xf32> to vector<16x256xf32>
    %slice3A_658 = vector.extract_strided_slice %reshape3A_653 {offsets = [69, 0], sizes = [16, 256], strides = [1, 1]} : vector<256x256xf32> to vector<16x256xf32>
    %slice3A_659 = vector.extract_strided_slice %reshape3A_653 {offsets = [86, 0], sizes = [16, 256], strides = [1, 1]} : vector<256x256xf32> to vector<16x256xf32>
    %slice3A_660 = vector.extract_strided_slice %reshape3A_653 {offsets = [103, 0], sizes = [16, 256], strides = [1, 1]} : vector<256x256xf32> to vector<16x256xf32>
    %slice3A_661 = vector.extract_strided_slice %reshape3A_653 {offsets = [120, 0], sizes = [16, 256], strides = [1, 1]} : vector<256x256xf32> to vector<16x256xf32>
    %slice3A_662 = vector.extract_strided_slice %reshape3A_653 {offsets = [137, 0], sizes = [16, 256], strides = [1, 1]} : vector<256x256xf32> to vector<16x256xf32>
    %slice3A_663 = vector.extract_strided_slice %reshape3A_653 {offsets = [154, 0], sizes = [16, 256], strides = [1, 1]} : vector<256x256xf32> to vector<16x256xf32>
    %slice3A_664 = vector.extract_strided_slice %reshape3A_653 {offsets = [171, 0], sizes = [16, 256], strides = [1, 1]} : vector<256x256xf32> to vector<16x256xf32>
    %slice3A_665 = vector.extract_strided_slice %reshape3A_653 {offsets = [188, 0], sizes = [16, 256], strides = [1, 1]} : vector<256x256xf32> to vector<16x256xf32>
    %slice3A_666 = vector.extract_strided_slice %reshape3A_653 {offsets = [205, 0], sizes = [16, 256], strides = [1, 1]} : vector<256x256xf32> to vector<16x256xf32>
    %slice3A_667 = vector.extract_strided_slice %reshape3A_653 {offsets = [222, 0], sizes = [16, 256], strides = [1, 1]} : vector<256x256xf32> to vector<16x256xf32>
    %slice3A_668 = vector.extract_strided_slice %reshape3A_653 {offsets = [239, 0], sizes = [16, 256], strides = [1, 1]} : vector<256x256xf32> to vector<16x256xf32>
    %concatenate3A_669 = tpu.concatenate %slice3A_654, %slice3A_655, %slice3A_656, %slice3A_657, %slice3A_658, %slice3A_659, %slice3A_660, %slice3A_661, %slice3A_662, %slice3A_663, %slice3A_664, %slice3A_665, %slice3A_666, %slice3A_667, %slice3A_668 in 0 : vector<16x256xf32>, vector<16x256xf32>, vector<16x256xf32>, vector<16x256xf32>, vector<16x256xf32>, vector<16x256xf32>, vector<16x256xf32>, vector<16x256xf32>, vector<16x256xf32>, vector<16x256xf32>, vector<16x256xf32>, vector<16x256xf32>, vector<16x256xf32>, vector<16x256xf32>, vector<16x256xf32> -> vector<240x256xf32>
    %swap3A_670 = arith.constant 21 : index
    %swap3A_671 = arith.constant 0 : index
    %swap3A_672 = arith.constant 0 : index
    %swap3A_673 = vector.load %arg5[%swap3A_670, %swap3A_671, %swap3A_672] : memref<51x240x256xf32, #tpu.memory_space<vmem>>, vector<1x240x256xf32>
    %swap3A_674 = vector.shape_cast %swap3A_673 : vector<1x240x256xf32> to vector<240x256xf32>
    %swap3A_675 = vector.shape_cast %concatenate3A_669 : vector<240x256xf32> to vector<1x240x256xf32>
    tpu.vector_store %arg5[%swap3A_670, %swap3A_671, %swap3A_672], %swap3A_675 {strides = array<i32>} : memref<51x240x256xf32, #tpu.memory_space<vmem>>, vector<1x240x256xf32>,
    %slice3A_676 = vector.extract_strided_slice %stack3A_314 {offsets = [0, 2, 0], sizes = [16, 1, 256], strides = [1, 1, 1]} : vector<16x16x256xf32> to vector<16x1x256xf32>
    %squeeze3A_677 = vector.shape_cast %slice3A_676 : vector<16x1x256xf32> to vector<16x256xf32>
    %broadcast_in_dim3A_678 = vector.shape_cast %squeeze3A_677 : vector<16x256xf32> to vector<1x16x256xf32>
    %broadcast_in_dim3A_679 = vector.shape_cast %broadcast_in_dim3A_678 : vector<1x16x256xf32> to vector<1x16x256xf32>
    %broadcast_in_dim3A_680 = vector.broadcast %broadcast_in_dim3A_679 : vector<1x16x256xf32> to vector<16x16x256xf32>
    %reshape3A_681 = vector.shape_cast %broadcast_in_dim3A_680 : vector<16x16x256xf32> to vector<256x256xf32>
    %slice3A_682 = vector.extract_strided_slice %reshape3A_681 {offsets = [1, 0], sizes = [16, 256], strides = [1, 1]} : vector<256x256xf32> to vector<16x256xf32>
    %slice3A_683 = vector.extract_strided_slice %reshape3A_681 {offsets = [18, 0], sizes = [16, 256], strides = [1, 1]} : vector<256x256xf32> to vector<16x256xf32>
    %slice3A_684 = vector.extract_strided_slice %reshape3A_681 {offsets = [35, 0], sizes = [16, 256], strides = [1, 1]} : vector<256x256xf32> to vector<16x256xf32>
    %slice3A_685 = vector.extract_strided_slice %reshape3A_681 {offsets = [52, 0], sizes = [16, 256], strides = [1, 1]} : vector<256x256xf32> to vector<16x256xf32>
    %slice3A_686 = vector.extract_strided_slice %reshape3A_681 {offsets = [69, 0], sizes = [16, 256], strides = [1, 1]} : vector<256x256xf32> to vector<16x256xf32>
    %slice3A_687 = vector.extract_strided_slice %reshape3A_681 {offsets = [86, 0], sizes = [16, 256], strides = [1, 1]} : vector<256x256xf32> to vector<16x256xf32>
    %slice3A_688 = vector.extract_strided_slice %reshape3A_681 {offsets = [103, 0], sizes = [16, 256], strides = [1, 1]} : vector<256x256xf32> to vector<16x256xf32>
    %slice3A_689 = vector.extract_strided_slice %reshape3A_681 {offsets = [120, 0], sizes = [16, 256], strides = [1, 1]} : vector<256x256xf32> to vector<16x256xf32>
    %slice3A_690 = vector.extract_strided_slice %reshape3A_681 {offsets = [137, 0], sizes = [16, 256], strides = [1, 1]} : vector<256x256xf32> to vector<16x256xf32>
    %slice3A_691 = vector.extract_strided_slice %reshape3A_681 {offsets = [154, 0], sizes = [16, 256], strides = [1, 1]} : vector<256x256xf32> to vector<16x256xf32>
    %slice3A_692 = vector.extract_strided_slice %reshape3A_681 {offsets = [171, 0], sizes = [16, 256], strides = [1, 1]} : vector<256x256xf32> to vector<16x256xf32>
    %slice3A_693 = vector.extract_strided_slice %reshape3A_681 {offsets = [188, 0], sizes = [16, 256], strides = [1, 1]} : vector<256x256xf32> to vector<16x256xf32>
    %slice3A_694 = vector.extract_strided_slice %reshape3A_681 {offsets = [205, 0], sizes = [16, 256], strides = [1, 1]} : vector<256x256xf32> to vector<16x256xf32>
    %slice3A_695 = vector.extract_strided_slice %reshape3A_681 {offsets = [222, 0], sizes = [16, 256], strides = [1, 1]} : vector<256x256xf32> to vector<16x256xf32>
    %slice3A_696 = vector.extract_strided_slice %reshape3A_681 {offsets = [239, 0], sizes = [16, 256], strides = [1, 1]} : vector<256x256xf32> to vector<16x256xf32>
    %concatenate3A_697 = tpu.concatenate %slice3A_682, %slice3A_683, %slice3A_684, %slice3A_685, %slice3A_686, %slice3A_687, %slice3A_688, %slice3A_689, %slice3A_690, %slice3A_691, %slice3A_692, %slice3A_693, %slice3A_694, %slice3A_695, %slice3A_696 in 0 : vector<16x256xf32>, vector<16x256xf32>, vector<16x256xf32>, vector<16x256xf32>, vector<16x256xf32>, vector<16x256xf32>, vector<16x256xf32>, vector<16x256xf32>, vector<16x256xf32>, vector<16x256xf32>, vector<16x256xf32>, vector<16x256xf32>, vector<16x256xf32>, vector<16x256xf32>, vector<16x256xf32> -> vector<240x256xf32>
    %swap3A_698 = arith.constant 37 : index
    %swap3A_699 = arith.constant 0 : index
    %swap3A_700 = arith.constant 0 : index
    %swap3A_701 = vector.load %arg5[%swap3A_698, %swap3A_699, %swap3A_700] : memref<51x240x256xf32, #tpu.memory_space<vmem>>, vector<1x240x256xf32>
    %swap3A_702 = vector.shape_cast %swap3A_701 : vector<1x240x256xf32> to vector<240x256xf32>
    %swap3A_703 = vector.shape_cast %concatenate3A_697 : vector<240x256xf32> to vector<1x240x256xf32>
    tpu.vector_store %arg5[%swap3A_698, %swap3A_699, %swap3A_700], %swap3A_703 {strides = array<i32>} : memref<51x240x256xf32, #tpu.memory_space<vmem>>, vector<1x240x256xf32>,
    %slice3A_704 = vector.extract_strided_slice %add3A_324 {offsets = [3, 0], sizes = [1, 256], strides = [1, 1]} : vector<16x256xf32> to vector<1x256xf32>
    %broadcast_in_dim3A_705 = vector.shape_cast %slice3A_704 : vector<1x256xf32> to vector<1x256xf32>
    %broadcast_in_dim3A_706 = vector.broadcast %broadcast_in_dim3A_705 : vector<1x256xf32> to vector<240x256xf32>
    %swap3A_707 = arith.constant 6 : index
    %swap3A_708 = arith.constant 0 : index
    %swap3A_709 = arith.constant 0 : index
    %swap3A_710 = vector.load %arg5[%swap3A_707, %swap3A_708, %swap3A_709] : memref<51x240x256xf32, #tpu.memory_space<vmem>>, vector<1x240x256xf32>
    %swap3A_711 = vector.shape_cast %swap3A_710 : vector<1x240x256xf32> to vector<240x256xf32>
    %swap3A_712 = vector.shape_cast %broadcast_in_dim3A_706 : vector<240x256xf32> to vector<1x240x256xf32>
    tpu.vector_store %arg5[%swap3A_707, %swap3A_708, %swap3A_709], %swap3A_712 {strides = array<i32>} : memref<51x240x256xf32, #tpu.memory_space<vmem>>, vector<1x240x256xf32>,
    %slice3A_713 = vector.extract_strided_slice %stack3A_314 {offsets = [0, 3, 0], sizes = [16, 1, 256], strides = [1, 1, 1]} : vector<16x16x256xf32> to vector<16x1x256xf32>
    %squeeze3A_714 = vector.shape_cast %slice3A_713 : vector<16x1x256xf32> to vector<16x256xf32>
    %broadcast_in_dim3A_715 = vector.shape_cast %squeeze3A_714 : vector<16x256xf32> to vector<16x1x256xf32>
    %broadcast_in_dim3A_716 = vector.shape_cast %broadcast_in_dim3A_715 : vector<16x1x256xf32> to vector<16x1x256xf32>
    %broadcast_in_dim3A_717 = vector.broadcast %broadcast_in_dim3A_716 : vector<16x1x256xf32> to vector<16x16x256xf32>
    %reshape3A_718 = vector.shape_cast %broadcast_in_dim3A_717 : vector<16x16x256xf32> to vector<256x256xf32>
    %slice3A_719 = vector.extract_strided_slice %reshape3A_718 {offsets = [1, 0], sizes = [16, 256], strides = [1, 1]} : vector<256x256xf32> to vector<16x256xf32>
    %slice3A_720 = vector.extract_strided_slice %reshape3A_718 {offsets = [18, 0], sizes = [16, 256], strides = [1, 1]} : vector<256x256xf32> to vector<16x256xf32>
    %slice3A_721 = vector.extract_strided_slice %reshape3A_718 {offsets = [35, 0], sizes = [16, 256], strides = [1, 1]} : vector<256x256xf32> to vector<16x256xf32>
    %slice3A_722 = vector.extract_strided_slice %reshape3A_718 {offsets = [52, 0], sizes = [16, 256], strides = [1, 1]} : vector<256x256xf32> to vector<16x256xf32>
    %slice3A_723 = vector.extract_strided_slice %reshape3A_718 {offsets = [69, 0], sizes = [16, 256], strides = [1, 1]} : vector<256x256xf32> to vector<16x256xf32>
    %slice3A_724 = vector.extract_strided_slice %reshape3A_718 {offsets = [86, 0], sizes = [16, 256], strides = [1, 1]} : vector<256x256xf32> to vector<16x256xf32>
    %slice3A_725 = vector.extract_strided_slice %reshape3A_718 {offsets = [103, 0], sizes = [16, 256], strides = [1, 1]} : vector<256x256xf32> to vector<16x256xf32>
    %slice3A_726 = vector.extract_strided_slice %reshape3A_718 {offsets = [120, 0], sizes = [16, 256], strides = [1, 1]} : vector<256x256xf32> to vector<16x256xf32>
    %slice3A_727 = vector.extract_strided_slice %reshape3A_718 {offsets = [137, 0], sizes = [16, 256], strides = [1, 1]} : vector<256x256xf32> to vector<16x256xf32>
    %slice3A_728 = vector.extract_strided_slice %reshape3A_718 {offsets = [154, 0], sizes = [16, 256], strides = [1, 1]} : vector<256x256xf32> to vector<16x256xf32>
    %slice3A_729 = vector.extract_strided_slice %reshape3A_718 {offsets = [171, 0], sizes = [16, 256], strides = [1, 1]} : vector<256x256xf32> to vector<16x256xf32>
    %slice3A_730 = vector.extract_strided_slice %reshape3A_718 {offsets = [188, 0], sizes = [16, 256], strides = [1, 1]} : vector<256x256xf32> to vector<16x256xf32>
    %slice3A_731 = vector.extract_strided_slice %reshape3A_718 {offsets = [205, 0], sizes = [16, 256], strides = [1, 1]} : vector<256x256xf32> to vector<16x256xf32>
    %slice3A_732 = vector.extract_strided_slice %reshape3A_718 {offsets = [222, 0], sizes = [16, 256], strides = [1, 1]} : vector<256x256xf32> to vector<16x256xf32>
    %slice3A_733 = vector.extract_strided_slice %reshape3A_718 {offsets = [239, 0], sizes = [16, 256], strides = [1, 1]} : vector<256x256xf32> to vector<16x256xf32>
    %concatenate3A_734 = tpu.concatenate %slice3A_719, %slice3A_720, %slice3A_721, %slice3A_722, %slice3A_723, %slice3A_724, %slice3A_725, %slice3A_726, %slice3A_727, %slice3A_728, %slice3A_729, %slice3A_730, %slice3A_731, %slice3A_732, %slice3A_733 in 0 : vector<16x256xf32>, vector<16x256xf32>, vector<16x256xf32>, vector<16x256xf32>, vector<16x256xf32>, vector<16x256xf32>, vector<16x256xf32>, vector<16x256xf32>, vector<16x256xf32>, vector<16x256xf32>, vector<16x256xf32>, vector<16x256xf32>, vector<16x256xf32>, vector<16x256xf32>, vector<16x256xf32> -> vector<240x256xf32>
    %swap3A_735 = arith.constant 22 : index
    %swap3A_736 = arith.constant 0 : index
    %swap3A_737 = arith.constant 0 : index
    %swap3A_738 = vector.load %arg5[%swap3A_735, %swap3A_736, %swap3A_737] : memref<51x240x256xf32, #tpu.memory_space<vmem>>, vector<1x240x256xf32>
    %swap3A_739 = vector.shape_cast %swap3A_738 : vector<1x240x256xf32> to vector<240x256xf32>
    %swap3A_740 = vector.shape_cast %concatenate3A_734 : vector<240x256xf32> to vector<1x240x256xf32>
    tpu.vector_store %arg5[%swap3A_735, %swap3A_736, %swap3A_737], %swap3A_740 {strides = array<i32>} : memref<51x240x256xf32, #tpu.memory_space<vmem>>, vector<1x240x256xf32>,
    %slice3A_741 = vector.extract_strided_slice %stack3A_314 {offsets = [0, 3, 0], sizes = [16, 1, 256], strides = [1, 1, 1]} : vector<16x16x256xf32> to vector<16x1x256xf32>
    %squeeze3A_742 = vector.shape_cast %slice3A_741 : vector<16x1x256xf32> to vector<16x256xf32>
    %broadcast_in_dim3A_743 = vector.shape_cast %squeeze3A_742 : vector<16x256xf32> to vector<1x16x256xf32>
    %broadcast_in_dim3A_744 = vector.shape_cast %broadcast_in_dim3A_743 : vector<1x16x256xf32> to vector<1x16x256xf32>
    %broadcast_in_dim3A_745 = vector.broadcast %broadcast_in_dim3A_744 : vector<1x16x256xf32> to vector<16x16x256xf32>
    %reshape3A_746 = vector.shape_cast %broadcast_in_dim3A_745 : vector<16x16x256xf32> to vector<256x256xf32>
    %slice3A_747 = vector.extract_strided_slice %reshape3A_746 {offsets = [1, 0], sizes = [16, 256], strides = [1, 1]} : vector<256x256xf32> to vector<16x256xf32>
    %slice3A_748 = vector.extract_strided_slice %reshape3A_746 {offsets = [18, 0], sizes = [16, 256], strides = [1, 1]} : vector<256x256xf32> to vector<16x256xf32>
    %slice3A_749 = vector.extract_strided_slice %reshape3A_746 {offsets = [35, 0], sizes = [16, 256], strides = [1, 1]} : vector<256x256xf32> to vector<16x256xf32>
    %slice3A_750 = vector.extract_strided_slice %reshape3A_746 {offsets = [52, 0], sizes = [16, 256], strides = [1, 1]} : vector<256x256xf32> to vector<16x256xf32>
    %slice3A_751 = vector.extract_strided_slice %reshape3A_746 {offsets = [69, 0], sizes = [16, 256], strides = [1, 1]} : vector<256x256xf32> to vector<16x256xf32>
    %slice3A_752 = vector.extract_strided_slice %reshape3A_746 {offsets = [86, 0], sizes = [16, 256], strides = [1, 1]} : vector<256x256xf32> to vector<16x256xf32>
    %slice3A_753 = vector.extract_strided_slice %reshape3A_746 {offsets = [103, 0], sizes = [16, 256], strides = [1, 1]} : vector<256x256xf32> to vector<16x256xf32>
    %slice3A_754 = vector.extract_strided_slice %reshape3A_746 {offsets = [120, 0], sizes = [16, 256], strides = [1, 1]} : vector<256x256xf32> to vector<16x256xf32>
    %slice3A_755 = vector.extract_strided_slice %reshape3A_746 {offsets = [137, 0], sizes = [16, 256], strides = [1, 1]} : vector<256x256xf32> to vector<16x256xf32>
    %slice3A_756 = vector.extract_strided_slice %reshape3A_746 {offsets = [154, 0], sizes = [16, 256], strides = [1, 1]} : vector<256x256xf32> to vector<16x256xf32>
    %slice3A_757 = vector.extract_strided_slice %reshape3A_746 {offsets = [171, 0], sizes = [16, 256], strides = [1, 1]} : vector<256x256xf32> to vector<16x256xf32>
    %slice3A_758 = vector.extract_strided_slice %reshape3A_746 {offsets = [188, 0], sizes = [16, 256], strides = [1, 1]} : vector<256x256xf32> to vector<16x256xf32>
    %slice3A_759 = vector.extract_strided_slice %reshape3A_746 {offsets = [205, 0], sizes = [16, 256], strides = [1, 1]} : vector<256x256xf32> to vector<16x256xf32>
    %slice3A_760 = vector.extract_strided_slice %reshape3A_746 {offsets = [222, 0], sizes = [16, 256], strides = [1, 1]} : vector<256x256xf32> to vector<16x256xf32>
    %slice3A_761 = vector.extract_strided_slice %reshape3A_746 {offsets = [239, 0], sizes = [16, 256], strides = [1, 1]} : vector<256x256xf32> to vector<16x256xf32>
    %concatenate3A_762 = tpu.concatenate %slice3A_747, %slice3A_748, %slice3A_749, %slice3A_750, %slice3A_751, %slice3A_752, %slice3A_753, %slice3A_754, %slice3A_755, %slice3A_756, %slice3A_757, %slice3A_758, %slice3A_759, %slice3A_760, %slice3A_761 in 0 : vector<16x256xf32>, vector<16x256xf32>, vector<16x256xf32>, vector<16x256xf32>, vector<16x256xf32>, vector<16x256xf32>, vector<16x256xf32>, vector<16x256xf32>, vector<16x256xf32>, vector<16x256xf32>, vector<16x256xf32>, vector<16x256xf32>, vector<16x256xf32>, vector<16x256xf32>, vector<16x256xf32> -> vector<240x256xf32>
    %swap3A_763 = arith.constant 38 : index
    %swap3A_764 = arith.constant 0 : index
    %swap3A_765 = arith.constant 0 : index
    %swap3A_766 = vector.load %arg5[%swap3A_763, %swap3A_764, %swap3A_765] : memref<51x240x256xf32, #tpu.memory_space<vmem>>, vector<1x240x256xf32>
    %swap3A_767 = vector.shape_cast %swap3A_766 : vector<1x240x256xf32> to vector<240x256xf32>
    %swap3A_768 = vector.shape_cast %concatenate3A_762 : vector<240x256xf32> to vector<1x240x256xf32>
    tpu.vector_store %arg5[%swap3A_763, %swap3A_764, %swap3A_765], %swap3A_768 {strides = array<i32>} : memref<51x240x256xf32, #tpu.memory_space<vmem>>, vector<1x240x256xf32>,
    %slice3A_769 = vector.extract_strided_slice %add3A_324 {offsets = [4, 0], sizes = [1, 256], strides = [1, 1]} : vector<16x256xf32> to vector<1x256xf32>
    %broadcast_in_dim3A_770 = vector.shape_cast %slice3A_769 : vector<1x256xf32> to vector<1x256xf32>
    %broadcast_in_dim3A_771 = vector.broadcast %broadcast_in_dim3A_770 : vector<1x256xf32> to vector<240x256xf32>
    %swap3A_772 = arith.constant 7 : index
    %swap3A_773 = arith.constant 0 : index
    %swap3A_774 = arith.constant 0 : index
    %swap3A_775 = vector.load %arg5[%swap3A_772, %swap3A_773, %swap3A_774] : memref<51x240x256xf32, #tpu.memory_space<vmem>>, vector<1x240x256xf32>
    %swap3A_776 = vector.shape_cast %swap3A_775 : vector<1x240x256xf32> to vector<240x256xf32>
    %swap3A_777 = vector.shape_cast %broadcast_in_dim3A_771 : vector<240x256xf32> to vector<1x240x256xf32>
    tpu.vector_store %arg5[%swap3A_772, %swap3A_773, %swap3A_774], %swap3A_777 {strides = array<i32>} : memref<51x240x256xf32, #tpu.memory_space<vmem>>, vector<1x240x256xf32>,
    %slice3A_778 = vector.extract_strided_slice %stack3A_314 {offsets = [0, 4, 0], sizes = [16, 1, 256], strides = [1, 1, 1]} : vector<16x16x256xf32> to vector<16x1x256xf32>
    %squeeze3A_779 = vector.shape_cast %slice3A_778 : vector<16x1x256xf32> to vector<16x256xf32>
    %broadcast_in_dim3A_780 = vector.shape_cast %squeeze3A_779 : vector<16x256xf32> to vector<16x1x256xf32>
    %broadcast_in_dim3A_781 = vector.shape_cast %broadcast_in_dim3A_780 : vector<16x1x256xf32> to vector<16x1x256xf32>
    %broadcast_in_dim3A_782 = vector.broadcast %broadcast_in_dim3A_781 : vector<16x1x256xf32> to vector<16x16x256xf32>
    %reshape3A_783 = vector.shape_cast %broadcast_in_dim3A_782 : vector<16x16x256xf32> to vector<256x256xf32>
    %slice3A_784 = vector.extract_strided_slice %reshape3A_783 {offsets = [1, 0], sizes = [16, 256], strides = [1, 1]} : vector<256x256xf32> to vector<16x256xf32>
    %slice3A_785 = vector.extract_strided_slice %reshape3A_783 {offsets = [18, 0], sizes = [16, 256], strides = [1, 1]} : vector<256x256xf32> to vector<16x256xf32>
    %slice3A_786 = vector.extract_strided_slice %reshape3A_783 {offsets = [35, 0], sizes = [16, 256], strides = [1, 1]} : vector<256x256xf32> to vector<16x256xf32>
    %slice3A_787 = vector.extract_strided_slice %reshape3A_783 {offsets = [52, 0], sizes = [16, 256], strides = [1, 1]} : vector<256x256xf32> to vector<16x256xf32>
    %slice3A_788 = vector.extract_strided_slice %reshape3A_783 {offsets = [69, 0], sizes = [16, 256], strides = [1, 1]} : vector<256x256xf32> to vector<16x256xf32>
    %slice3A_789 = vector.extract_strided_slice %reshape3A_783 {offsets = [86, 0], sizes = [16, 256], strides = [1, 1]} : vector<256x256xf32> to vector<16x256xf32>
    %slice3A_790 = vector.extract_strided_slice %reshape3A_783 {offsets = [103, 0], sizes = [16, 256], strides = [1, 1]} : vector<256x256xf32> to vector<16x256xf32>
    %slice3A_791 = vector.extract_strided_slice %reshape3A_783 {offsets = [120, 0], sizes = [16, 256], strides = [1, 1]} : vector<256x256xf32> to vector<16x256xf32>
    %slice3A_792 = vector.extract_strided_slice %reshape3A_783 {offsets = [137, 0], sizes = [16, 256], strides = [1, 1]} : vector<256x256xf32> to vector<16x256xf32>
    %slice3A_793 = vector.extract_strided_slice %reshape3A_783 {offsets = [154, 0], sizes = [16, 256], strides = [1, 1]} : vector<256x256xf32> to vector<16x256xf32>
    %slice3A_794 = vector.extract_strided_slice %reshape3A_783 {offsets = [171, 0], sizes = [16, 256], strides = [1, 1]} : vector<256x256xf32> to vector<16x256xf32>
    %slice3A_795 = vector.extract_strided_slice %reshape3A_783 {offsets = [188, 0], sizes = [16, 256], strides = [1, 1]} : vector<256x256xf32> to vector<16x256xf32>
    %slice3A_796 = vector.extract_strided_slice %reshape3A_783 {offsets = [205, 0], sizes = [16, 256], strides = [1, 1]} : vector<256x256xf32> to vector<16x256xf32>
    %slice3A_797 = vector.extract_strided_slice %reshape3A_783 {offsets = [222, 0], sizes = [16, 256], strides = [1, 1]} : vector<256x256xf32> to vector<16x256xf32>
    %slice3A_798 = vector.extract_strided_slice %reshape3A_783 {offsets = [239, 0], sizes = [16, 256], strides = [1, 1]} : vector<256x256xf32> to vector<16x256xf32>
    %concatenate3A_799 = tpu.concatenate %slice3A_784, %slice3A_785, %slice3A_786, %slice3A_787, %slice3A_788, %slice3A_789, %slice3A_790, %slice3A_791, %slice3A_792, %slice3A_793, %slice3A_794, %slice3A_795, %slice3A_796, %slice3A_797, %slice3A_798 in 0 : vector<16x256xf32>, vector<16x256xf32>, vector<16x256xf32>, vector<16x256xf32>, vector<16x256xf32>, vector<16x256xf32>, vector<16x256xf32>, vector<16x256xf32>, vector<16x256xf32>, vector<16x256xf32>, vector<16x256xf32>, vector<16x256xf32>, vector<16x256xf32>, vector<16x256xf32>, vector<16x256xf32> -> vector<240x256xf32>
    %swap3A_800 = arith.constant 23 : index
    %swap3A_801 = arith.constant 0 : index
    %swap3A_802 = arith.constant 0 : index
    %swap3A_803 = vector.load %arg5[%swap3A_800, %swap3A_801, %swap3A_802] : memref<51x240x256xf32, #tpu.memory_space<vmem>>, vector<1x240x256xf32>
    %swap3A_804 = vector.shape_cast %swap3A_803 : vector<1x240x256xf32> to vector<240x256xf32>
    %swap3A_805 = vector.shape_cast %concatenate3A_799 : vector<240x256xf32> to vector<1x240x256xf32>
    tpu.vector_store %arg5[%swap3A_800, %swap3A_801, %swap3A_802], %swap3A_805 {strides = array<i32>} : memref<51x240x256xf32, #tpu.memory_space<vmem>>, vector<1x240x256xf32>,
    %slice3A_806 = vector.extract_strided_slice %stack3A_314 {offsets = [0, 4, 0], sizes = [16, 1, 256], strides = [1, 1, 1]} : vector<16x16x256xf32> to vector<16x1x256xf32>
    %squeeze3A_807 = vector.shape_cast %slice3A_806 : vector<16x1x256xf32> to vector<16x256xf32>
    %broadcast_in_dim3A_808 = vector.shape_cast %squeeze3A_807 : vector<16x256xf32> to vector<1x16x256xf32>
    %broadcast_in_dim3A_809 = vector.shape_cast %broadcast_in_dim3A_808 : vector<1x16x256xf32> to vector<1x16x256xf32>
    %broadcast_in_dim3A_810 = vector.broadcast %broadcast_in_dim3A_809 : vector<1x16x256xf32> to vector<16x16x256xf32>
    %reshape3A_811 = vector.shape_cast %broadcast_in_dim3A_810 : vector<16x16x256xf32> to vector<256x256xf32>
    %slice3A_812 = vector.extract_strided_slice %reshape3A_811 {offsets = [1, 0], sizes = [16, 256], strides = [1, 1]} : vector<256x256xf32> to vector<16x256xf32>
    %slice3A_813 = vector.extract_strided_slice %reshape3A_811 {offsets = [18, 0], sizes = [16, 256], strides = [1, 1]} : vector<256x256xf32> to vector<16x256xf32>
    %slice3A_814 = vector.extract_strided_slice %reshape3A_811 {offsets = [35, 0], sizes = [16, 256], strides = [1, 1]} : vector<256x256xf32> to vector<16x256xf32>
    %slice3A_815 = vector.extract_strided_slice %reshape3A_811 {offsets = [52, 0], sizes = [16, 256], strides = [1, 1]} : vector<256x256xf32> to vector<16x256xf32>
    %slice3A_816 = vector.extract_strided_slice %reshape3A_811 {offsets = [69, 0], sizes = [16, 256], strides = [1, 1]} : vector<256x256xf32> to vector<16x256xf32>
    %slice3A_817 = vector.extract_strided_slice %reshape3A_811 {offsets = [86, 0], sizes = [16, 256], strides = [1, 1]} : vector<256x256xf32> to vector<16x256xf32>
    %slice3A_818 = vector.extract_strided_slice %reshape3A_811 {offsets = [103, 0], sizes = [16, 256], strides = [1, 1]} : vector<256x256xf32> to vector<16x256xf32>
    %slice3A_819 = vector.extract_strided_slice %reshape3A_811 {offsets = [120, 0], sizes = [16, 256], strides = [1, 1]} : vector<256x256xf32> to vector<16x256xf32>
    %slice3A_820 = vector.extract_strided_slice %reshape3A_811 {offsets = [137, 0], sizes = [16, 256], strides = [1, 1]} : vector<256x256xf32> to vector<16x256xf32>
    %slice3A_821 = vector.extract_strided_slice %reshape3A_811 {offsets = [154, 0], sizes = [16, 256], strides = [1, 1]} : vector<256x256xf32> to vector<16x256xf32>
    %slice3A_822 = vector.extract_strided_slice %reshape3A_811 {offsets = [171, 0], sizes = [16, 256], strides = [1, 1]} : vector<256x256xf32> to vector<16x256xf32>
    %slice3A_823 = vector.extract_strided_slice %reshape3A_811 {offsets = [188, 0], sizes = [16, 256], strides = [1, 1]} : vector<256x256xf32> to vector<16x256xf32>
    %slice3A_824 = vector.extract_strided_slice %reshape3A_811 {offsets = [205, 0], sizes = [16, 256], strides = [1, 1]} : vector<256x256xf32> to vector<16x256xf32>
    %slice3A_825 = vector.extract_strided_slice %reshape3A_811 {offsets = [222, 0], sizes = [16, 256], strides = [1, 1]} : vector<256x256xf32> to vector<16x256xf32>
    %slice3A_826 = vector.extract_strided_slice %reshape3A_811 {offsets = [239, 0], sizes = [16, 256], strides = [1, 1]} : vector<256x256xf32> to vector<16x256xf32>
    %concatenate3A_827 = tpu.concatenate %slice3A_812, %slice3A_813, %slice3A_814, %slice3A_815, %slice3A_816, %slice3A_817, %slice3A_818, %slice3A_819, %slice3A_820, %slice3A_821, %slice3A_822, %slice3A_823, %slice3A_824, %slice3A_825, %slice3A_826 in 0 : vector<16x256xf32>, vector<16x256xf32>, vector<16x256xf32>, vector<16x256xf32>, vector<16x256xf32>, vector<16x256xf32>, vector<16x256xf32>, vector<16x256xf32>, vector<16x256xf32>, vector<16x256xf32>, vector<16x256xf32>, vector<16x256xf32>, vector<16x256xf32>, vector<16x256xf32>, vector<16x256xf32> -> vector<240x256xf32>
    %swap3A_828 = arith.constant 39 : index
    %swap3A_829 = arith.constant 0 : index
    %swap3A_830 = arith.constant 0 : index
    %swap3A_831 = vector.load %arg5[%swap3A_828, %swap3A_829, %swap3A_830] : memref<51x240x256xf32, #tpu.memory_space<vmem>>, vector<1x240x256xf32>
    %swap3A_832 = vector.shape_cast %swap3A_831 : vector<1x240x256xf32> to vector<240x256xf32>
    %swap3A_833 = vector.shape_cast %concatenate3A_827 : vector<240x256xf32> to vector<1x240x256xf32>
    tpu.vector_store %arg5[%swap3A_828, %swap3A_829, %swap3A_830], %swap3A_833 {strides = array<i32>} : memref<51x240x256xf32, #tpu.memory_space<vmem>>, vector<1x240x256xf32>,
    %slice3A_834 = vector.extract_strided_slice %add3A_324 {offsets = [5, 0], sizes = [1, 256], strides = [1, 1]} : vector<16x256xf32> to vector<1x256xf32>
    %broadcast_in_dim3A_835 = vector.shape_cast %slice3A_834 : vector<1x256xf32> to vector<1x256xf32>
    %broadcast_in_dim3A_836 = vector.broadcast %broadcast_in_dim3A_835 : vector<1x256xf32> to vector<240x256xf32>
    %swap3A_837 = arith.constant 8 : index
    %swap3A_838 = arith.constant 0 : index
    %swap3A_839 = arith.constant 0 : index
    %swap3A_840 = vector.load %arg5[%swap3A_837, %swap3A_838, %swap3A_839] : memref<51x240x256xf32, #tpu.memory_space<vmem>>, vector<1x240x256xf32>
    %swap3A_841 = vector.shape_cast %swap3A_840 : vector<1x240x256xf32> to vector<240x256xf32>
    %swap3A_842 = vector.shape_cast %broadcast_in_dim3A_836 : vector<240x256xf32> to vector<1x240x256xf32>
    tpu.vector_store %arg5[%swap3A_837, %swap3A_838, %swap3A_839], %swap3A_842 {strides = array<i32>} : memref<51x240x256xf32, #tpu.memory_space<vmem>>, vector<1x240x256xf32>,
    %slice3A_843 = vector.extract_strided_slice %stack3A_314 {offsets = [0, 5, 0], sizes = [16, 1, 256], strides = [1, 1, 1]} : vector<16x16x256xf32> to vector<16x1x256xf32>
    %squeeze3A_844 = vector.shape_cast %slice3A_843 : vector<16x1x256xf32> to vector<16x256xf32>
    %broadcast_in_dim3A_845 = vector.shape_cast %squeeze3A_844 : vector<16x256xf32> to vector<16x1x256xf32>
    %broadcast_in_dim3A_846 = vector.shape_cast %broadcast_in_dim3A_845 : vector<16x1x256xf32> to vector<16x1x256xf32>
    %broadcast_in_dim3A_847 = vector.broadcast %broadcast_in_dim3A_846 : vector<16x1x256xf32> to vector<16x16x256xf32>
    %reshape3A_848 = vector.shape_cast %broadcast_in_dim3A_847 : vector<16x16x256xf32> to vector<256x256xf32>
    %slice3A_849 = vector.extract_strided_slice %reshape3A_848 {offsets = [1, 0], sizes = [16, 256], strides = [1, 1]} : vector<256x256xf32> to vector<16x256xf32>
    %slice3A_850 = vector.extract_strided_slice %reshape3A_848 {offsets = [18, 0], sizes = [16, 256], strides = [1, 1]} : vector<256x256xf32> to vector<16x256xf32>
    %slice3A_851 = vector.extract_strided_slice %reshape3A_848 {offsets = [35, 0], sizes = [16, 256], strides = [1, 1]} : vector<256x256xf32> to vector<16x256xf32>
    %slice3A_852 = vector.extract_strided_slice %reshape3A_848 {offsets = [52, 0], sizes = [16, 256], strides = [1, 1]} : vector<256x256xf32> to vector<16x256xf32>
    %slice3A_853 = vector.extract_strided_slice %reshape3A_848 {offsets = [69, 0], sizes = [16, 256], strides = [1, 1]} : vector<256x256xf32> to vector<16x256xf32>
    %slice3A_854 = vector.extract_strided_slice %reshape3A_848 {offsets = [86, 0], sizes = [16, 256], strides = [1, 1]} : vector<256x256xf32> to vector<16x256xf32>
    %slice3A_855 = vector.extract_strided_slice %reshape3A_848 {offsets = [103, 0], sizes = [16, 256], strides = [1, 1]} : vector<256x256xf32> to vector<16x256xf32>
    %slice3A_856 = vector.extract_strided_slice %reshape3A_848 {offsets = [120, 0], sizes = [16, 256], strides = [1, 1]} : vector<256x256xf32> to vector<16x256xf32>
    %slice3A_857 = vector.extract_strided_slice %reshape3A_848 {offsets = [137, 0], sizes = [16, 256], strides = [1, 1]} : vector<256x256xf32> to vector<16x256xf32>
    %slice3A_858 = vector.extract_strided_slice %reshape3A_848 {offsets = [154, 0], sizes = [16, 256], strides = [1, 1]} : vector<256x256xf32> to vector<16x256xf32>
    %slice3A_859 = vector.extract_strided_slice %reshape3A_848 {offsets = [171, 0], sizes = [16, 256], strides = [1, 1]} : vector<256x256xf32> to vector<16x256xf32>
    %slice3A_860 = vector.extract_strided_slice %reshape3A_848 {offsets = [188, 0], sizes = [16, 256], strides = [1, 1]} : vector<256x256xf32> to vector<16x256xf32>
    %slice3A_861 = vector.extract_strided_slice %reshape3A_848 {offsets = [205, 0], sizes = [16, 256], strides = [1, 1]} : vector<256x256xf32> to vector<16x256xf32>
    %slice3A_862 = vector.extract_strided_slice %reshape3A_848 {offsets = [222, 0], sizes = [16, 256], strides = [1, 1]} : vector<256x256xf32> to vector<16x256xf32>
    %slice3A_863 = vector.extract_strided_slice %reshape3A_848 {offsets = [239, 0], sizes = [16, 256], strides = [1, 1]} : vector<256x256xf32> to vector<16x256xf32>
    %concatenate3A_864 = tpu.concatenate %slice3A_849, %slice3A_850, %slice3A_851, %slice3A_852, %slice3A_853, %slice3A_854, %slice3A_855, %slice3A_856, %slice3A_857, %slice3A_858, %slice3A_859, %slice3A_860, %slice3A_861, %slice3A_862, %slice3A_863 in 0 : vector<16x256xf32>, vector<16x256xf32>, vector<16x256xf32>, vector<16x256xf32>, vector<16x256xf32>, vector<16x256xf32>, vector<16x256xf32>, vector<16x256xf32>, vector<16x256xf32>, vector<16x256xf32>, vector<16x256xf32>, vector<16x256xf32>, vector<16x256xf32>, vector<16x256xf32>, vector<16x256xf32> -> vector<240x256xf32>
    %swap3A_865 = arith.constant 24 : index
    %swap3A_866 = arith.constant 0 : index
    %swap3A_867 = arith.constant 0 : index
    %swap3A_868 = vector.load %arg5[%swap3A_865, %swap3A_866, %swap3A_867] : memref<51x240x256xf32, #tpu.memory_space<vmem>>, vector<1x240x256xf32>
    %swap3A_869 = vector.shape_cast %swap3A_868 : vector<1x240x256xf32> to vector<240x256xf32>
    %swap3A_870 = vector.shape_cast %concatenate3A_864 : vector<240x256xf32> to vector<1x240x256xf32>
    tpu.vector_store %arg5[%swap3A_865, %swap3A_866, %swap3A_867], %swap3A_870 {strides = array<i32>} : memref<51x240x256xf32, #tpu.memory_space<vmem>>, vector<1x240x256xf32>,
    %slice3A_871 = vector.extract_strided_slice %stack3A_314 {offsets = [0, 5, 0], sizes = [16, 1, 256], strides = [1, 1, 1]} : vector<16x16x256xf32> to vector<16x1x256xf32>
    %squeeze3A_872 = vector.shape_cast %slice3A_871 : vector<16x1x256xf32> to vector<16x256xf32>
    %broadcast_in_dim3A_873 = vector.shape_cast %squeeze3A_872 : vector<16x256xf32> to vector<1x16x256xf32>
    %broadcast_in_dim3A_874 = vector.shape_cast %broadcast_in_dim3A_873 : vector<1x16x256xf32> to vector<1x16x256xf32>
    %broadcast_in_dim3A_875 = vector.broadcast %broadcast_in_dim3A_874 : vector<1x16x256xf32> to vector<16x16x256xf32>
    %reshape3A_876 = vector.shape_cast %broadcast_in_dim3A_875 : vector<16x16x256xf32> to vector<256x256xf32>
    %slice3A_877 = vector.extract_strided_slice %reshape3A_876 {offsets = [1, 0], sizes = [16, 256], strides = [1, 1]} : vector<256x256xf32> to vector<16x256xf32>
    %slice3A_878 = vector.extract_strided_slice %reshape3A_876 {offsets = [18, 0], sizes = [16, 256], strides = [1, 1]} : vector<256x256xf32> to vector<16x256xf32>
    %slice3A_879 = vector.extract_strided_slice %reshape3A_876 {offsets = [35, 0], sizes = [16, 256], strides = [1, 1]} : vector<256x256xf32> to vector<16x256xf32>
    %slice3A_880 = vector.extract_strided_slice %reshape3A_876 {offsets = [52, 0], sizes = [16, 256], strides = [1, 1]} : vector<256x256xf32> to vector<16x256xf32>
    %slice3A_881 = vector.extract_strided_slice %reshape3A_876 {offsets = [69, 0], sizes = [16, 256], strides = [1, 1]} : vector<256x256xf32> to vector<16x256xf32>
    %slice3A_882 = vector.extract_strided_slice %reshape3A_876 {offsets = [86, 0], sizes = [16, 256], strides = [1, 1]} : vector<256x256xf32> to vector<16x256xf32>
    %slice3A_883 = vector.extract_strided_slice %reshape3A_876 {offsets = [103, 0], sizes = [16, 256], strides = [1, 1]} : vector<256x256xf32> to vector<16x256xf32>
    %slice3A_884 = vector.extract_strided_slice %reshape3A_876 {offsets = [120, 0], sizes = [16, 256], strides = [1, 1]} : vector<256x256xf32> to vector<16x256xf32>
    %slice3A_885 = vector.extract_strided_slice %reshape3A_876 {offsets = [137, 0], sizes = [16, 256], strides = [1, 1]} : vector<256x256xf32> to vector<16x256xf32>
    %slice3A_886 = vector.extract_strided_slice %reshape3A_876 {offsets = [154, 0], sizes = [16, 256], strides = [1, 1]} : vector<256x256xf32> to vector<16x256xf32>
    %slice3A_887 = vector.extract_strided_slice %reshape3A_876 {offsets = [171, 0], sizes = [16, 256], strides = [1, 1]} : vector<256x256xf32> to vector<16x256xf32>
    %slice3A_888 = vector.extract_strided_slice %reshape3A_876 {offsets = [188, 0], sizes = [16, 256], strides = [1, 1]} : vector<256x256xf32> to vector<16x256xf32>
    %slice3A_889 = vector.extract_strided_slice %reshape3A_876 {offsets = [205, 0], sizes = [16, 256], strides = [1, 1]} : vector<256x256xf32> to vector<16x256xf32>
    %slice3A_890 = vector.extract_strided_slice %reshape3A_876 {offsets = [222, 0], sizes = [16, 256], strides = [1, 1]} : vector<256x256xf32> to vector<16x256xf32>
    %slice3A_891 = vector.extract_strided_slice %reshape3A_876 {offsets = [239, 0], sizes = [16, 256], strides = [1, 1]} : vector<256x256xf32> to vector<16x256xf32>
    %concatenate3A_892 = tpu.concatenate %slice3A_877, %slice3A_878, %slice3A_879, %slice3A_880, %slice3A_881, %slice3A_882, %slice3A_883, %slice3A_884, %slice3A_885, %slice3A_886, %slice3A_887, %slice3A_888, %slice3A_889, %slice3A_890, %slice3A_891 in 0 : vector<16x256xf32>, vector<16x256xf32>, vector<16x256xf32>, vector<16x256xf32>, vector<16x256xf32>, vector<16x256xf32>, vector<16x256xf32>, vector<16x256xf32>, vector<16x256xf32>, vector<16x256xf32>, vector<16x256xf32>, vector<16x256xf32>, vector<16x256xf32>, vector<16x256xf32>, vector<16x256xf32> -> vector<240x256xf32>
    %swap3A_893 = arith.constant 40 : index
    %swap3A_894 = arith.constant 0 : index
    %swap3A_895 = arith.constant 0 : index
    %swap3A_896 = vector.load %arg5[%swap3A_893, %swap3A_894, %swap3A_895] : memref<51x240x256xf32, #tpu.memory_space<vmem>>, vector<1x240x256xf32>
    %swap3A_897 = vector.shape_cast %swap3A_896 : vector<1x240x256xf32> to vector<240x256xf32>
    %swap3A_898 = vector.shape_cast %concatenate3A_892 : vector<240x256xf32> to vector<1x240x256xf32>
    tpu.vector_store %arg5[%swap3A_893, %swap3A_894, %swap3A_895], %swap3A_898 {strides = array<i32>} : memref<51x240x256xf32, #tpu.memory_space<vmem>>, vector<1x240x256xf32>,
    %slice3A_899 = vector.extract_strided_slice %add3A_324 {offsets = [6, 0], sizes = [1, 256], strides = [1, 1]} : vector<16x256xf32> to vector<1x256xf32>
    %broadcast_in_dim3A_900 = vector.shape_cast %slice3A_899 : vector<1x256xf32> to vector<1x256xf32>
    %broadcast_in_dim3A_901 = vector.broadcast %broadcast_in_dim3A_900 : vector<1x256xf32> to vector<240x256xf32>
    %swap3A_902 = arith.constant 9 : index
    %swap3A_903 = arith.constant 0 : index
    %swap3A_904 = arith.constant 0 : index
    %swap3A_905 = vector.load %arg5[%swap3A_902, %swap3A_903, %swap3A_904] : memref<51x240x256xf32, #tpu.memory_space<vmem>>, vector<1x240x256xf32>
    %swap3A_906 = vector.shape_cast %swap3A_905 : vector<1x240x256xf32> to vector<240x256xf32>
    %swap3A_907 = vector.shape_cast %broadcast_in_dim3A_901 : vector<240x256xf32> to vector<1x240x256xf32>
    tpu.vector_store %arg5[%swap3A_902, %swap3A_903, %swap3A_904], %swap3A_907 {strides = array<i32>} : memref<51x240x256xf32, #tpu.memory_space<vmem>>, vector<1x240x256xf32>,
    %slice3A_908 = vector.extract_strided_slice %stack3A_314 {offsets = [0, 6, 0], sizes = [16, 1, 256], strides = [1, 1, 1]} : vector<16x16x256xf32> to vector<16x1x256xf32>
    %squeeze3A_909 = vector.shape_cast %slice3A_908 : vector<16x1x256xf32> to vector<16x256xf32>
    %broadcast_in_dim3A_910 = vector.shape_cast %squeeze3A_909 : vector<16x256xf32> to vector<16x1x256xf32>
    %broadcast_in_dim3A_911 = vector.shape_cast %broadcast_in_dim3A_910 : vector<16x1x256xf32> to vector<16x1x256xf32>
    %broadcast_in_dim3A_912 = vector.broadcast %broadcast_in_dim3A_911 : vector<16x1x256xf32> to vector<16x16x256xf32>
    %reshape3A_913 = vector.shape_cast %broadcast_in_dim3A_912 : vector<16x16x256xf32> to vector<256x256xf32>
    %slice3A_914 = vector.extract_strided_slice %reshape3A_913 {offsets = [1, 0], sizes = [16, 256], strides = [1, 1]} : vector<256x256xf32> to vector<16x256xf32>
    %slice3A_915 = vector.extract_strided_slice %reshape3A_913 {offsets = [18, 0], sizes = [16, 256], strides = [1, 1]} : vector<256x256xf32> to vector<16x256xf32>
    %slice3A_916 = vector.extract_strided_slice %reshape3A_913 {offsets = [35, 0], sizes = [16, 256], strides = [1, 1]} : vector<256x256xf32> to vector<16x256xf32>
    %slice3A_917 = vector.extract_strided_slice %reshape3A_913 {offsets = [52, 0], sizes = [16, 256], strides = [1, 1]} : vector<256x256xf32> to vector<16x256xf32>
    %slice3A_918 = vector.extract_strided_slice %reshape3A_913 {offsets = [69, 0], sizes = [16, 256], strides = [1, 1]} : vector<256x256xf32> to vector<16x256xf32>
    %slice3A_919 = vector.extract_strided_slice %reshape3A_913 {offsets = [86, 0], sizes = [16, 256], strides = [1, 1]} : vector<256x256xf32> to vector<16x256xf32>
    %slice3A_920 = vector.extract_strided_slice %reshape3A_913 {offsets = [103, 0], sizes = [16, 256], strides = [1, 1]} : vector<256x256xf32> to vector<16x256xf32>
    %slice3A_921 = vector.extract_strided_slice %reshape3A_913 {offsets = [120, 0], sizes = [16, 256], strides = [1, 1]} : vector<256x256xf32> to vector<16x256xf32>
    %slice3A_922 = vector.extract_strided_slice %reshape3A_913 {offsets = [137, 0], sizes = [16, 256], strides = [1, 1]} : vector<256x256xf32> to vector<16x256xf32>
    %slice3A_923 = vector.extract_strided_slice %reshape3A_913 {offsets = [154, 0], sizes = [16, 256], strides = [1, 1]} : vector<256x256xf32> to vector<16x256xf32>
    %slice3A_924 = vector.extract_strided_slice %reshape3A_913 {offsets = [171, 0], sizes = [16, 256], strides = [1, 1]} : vector<256x256xf32> to vector<16x256xf32>
    %slice3A_925 = vector.extract_strided_slice %reshape3A_913 {offsets = [188, 0], sizes = [16, 256], strides = [1, 1]} : vector<256x256xf32> to vector<16x256xf32>
    %slice3A_926 = vector.extract_strided_slice %reshape3A_913 {offsets = [205, 0], sizes = [16, 256], strides = [1, 1]} : vector<256x256xf32> to vector<16x256xf32>
    %slice3A_927 = vector.extract_strided_slice %reshape3A_913 {offsets = [222, 0], sizes = [16, 256], strides = [1, 1]} : vector<256x256xf32> to vector<16x256xf32>
    %slice3A_928 = vector.extract_strided_slice %reshape3A_913 {offsets = [239, 0], sizes = [16, 256], strides = [1, 1]} : vector<256x256xf32> to vector<16x256xf32>
    %concatenate3A_929 = tpu.concatenate %slice3A_914, %slice3A_915, %slice3A_916, %slice3A_917, %slice3A_918, %slice3A_919, %slice3A_920, %slice3A_921, %slice3A_922, %slice3A_923, %slice3A_924, %slice3A_925, %slice3A_926, %slice3A_927, %slice3A_928 in 0 : vector<16x256xf32>, vector<16x256xf32>, vector<16x256xf32>, vector<16x256xf32>, vector<16x256xf32>, vector<16x256xf32>, vector<16x256xf32>, vector<16x256xf32>, vector<16x256xf32>, vector<16x256xf32>, vector<16x256xf32>, vector<16x256xf32>, vector<16x256xf32>, vector<16x256xf32>, vector<16x256xf32> -> vector<240x256xf32>
    %swap3A_930 = arith.constant 25 : index
    %swap3A_931 = arith.constant 0 : index
    %swap3A_932 = arith.constant 0 : index
    %swap3A_933 = vector.load %arg5[%swap3A_930, %swap3A_931, %swap3A_932] : memref<51x240x256xf32, #tpu.memory_space<vmem>>, vector<1x240x256xf32>
    %swap3A_934 = vector.shape_cast %swap3A_933 : vector<1x240x256xf32> to vector<240x256xf32>
    %swap3A_935 = vector.shape_cast %concatenate3A_929 : vector<240x256xf32> to vector<1x240x256xf32>
    tpu.vector_store %arg5[%swap3A_930, %swap3A_931, %swap3A_932], %swap3A_935 {strides = array<i32>} : memref<51x240x256xf32, #tpu.memory_space<vmem>>, vector<1x240x256xf32>,
    %slice3A_936 = vector.extract_strided_slice %stack3A_314 {offsets = [0, 6, 0], sizes = [16, 1, 256], strides = [1, 1, 1]} : vector<16x16x256xf32> to vector<16x1x256xf32>
    %squeeze3A_937 = vector.shape_cast %slice3A_936 : vector<16x1x256xf32> to vector<16x256xf32>
    %broadcast_in_dim3A_938 = vector.shape_cast %squeeze3A_937 : vector<16x256xf32> to vector<1x16x256xf32>
    %broadcast_in_dim3A_939 = vector.shape_cast %broadcast_in_dim3A_938 : vector<1x16x256xf32> to vector<1x16x256xf32>
    %broadcast_in_dim3A_940 = vector.broadcast %broadcast_in_dim3A_939 : vector<1x16x256xf32> to vector<16x16x256xf32>
    %reshape3A_941 = vector.shape_cast %broadcast_in_dim3A_940 : vector<16x16x256xf32> to vector<256x256xf32>
    %slice3A_942 = vector.extract_strided_slice %reshape3A_941 {offsets = [1, 0], sizes = [16, 256], strides = [1, 1]} : vector<256x256xf32> to vector<16x256xf32>
    %slice3A_943 = vector.extract_strided_slice %reshape3A_941 {offsets = [18, 0], sizes = [16, 256], strides = [1, 1]} : vector<256x256xf32> to vector<16x256xf32>
    %slice3A_944 = vector.extract_strided_slice %reshape3A_941 {offsets = [35, 0], sizes = [16, 256], strides = [1, 1]} : vector<256x256xf32> to vector<16x256xf32>
    %slice3A_945 = vector.extract_strided_slice %reshape3A_941 {offsets = [52, 0], sizes = [16, 256], strides = [1, 1]} : vector<256x256xf32> to vector<16x256xf32>
    %slice3A_946 = vector.extract_strided_slice %reshape3A_941 {offsets = [69, 0], sizes = [16, 256], strides = [1, 1]} : vector<256x256xf32> to vector<16x256xf32>
    %slice3A_947 = vector.extract_strided_slice %reshape3A_941 {offsets = [86, 0], sizes = [16, 256], strides = [1, 1]} : vector<256x256xf32> to vector<16x256xf32>
    %slice3A_948 = vector.extract_strided_slice %reshape3A_941 {offsets = [103, 0], sizes = [16, 256], strides = [1, 1]} : vector<256x256xf32> to vector<16x256xf32>
    %slice3A_949 = vector.extract_strided_slice %reshape3A_941 {offsets = [120, 0], sizes = [16, 256], strides = [1, 1]} : vector<256x256xf32> to vector<16x256xf32>
    %slice3A_950 = vector.extract_strided_slice %reshape3A_941 {offsets = [137, 0], sizes = [16, 256], strides = [1, 1]} : vector<256x256xf32> to vector<16x256xf32>
    %slice3A_951 = vector.extract_strided_slice %reshape3A_941 {offsets = [154, 0], sizes = [16, 256], strides = [1, 1]} : vector<256x256xf32> to vector<16x256xf32>
    %slice3A_952 = vector.extract_strided_slice %reshape3A_941 {offsets = [171, 0], sizes = [16, 256], strides = [1, 1]} : vector<256x256xf32> to vector<16x256xf32>
    %slice3A_953 = vector.extract_strided_slice %reshape3A_941 {offsets = [188, 0], sizes = [16, 256], strides = [1, 1]} : vector<256x256xf32> to vector<16x256xf32>
    %slice3A_954 = vector.extract_strided_slice %reshape3A_941 {offsets = [205, 0], sizes = [16, 256], strides = [1, 1]} : vector<256x256xf32> to vector<16x256xf32>
    %slice3A_955 = vector.extract_strided_slice %reshape3A_941 {offsets = [222, 0], sizes = [16, 256], strides = [1, 1]} : vector<256x256xf32> to vector<16x256xf32>
    %slice3A_956 = vector.extract_strided_slice %reshape3A_941 {offsets = [239, 0], sizes = [16, 256], strides = [1, 1]} : vector<256x256xf32> to vector<16x256xf32>
    %concatenate3A_957 = tpu.concatenate %slice3A_942, %slice3A_943, %slice3A_944, %slice3A_945, %slice3A_946, %slice3A_947, %slice3A_948, %slice3A_949, %slice3A_950, %slice3A_951, %slice3A_952, %slice3A_953, %slice3A_954, %slice3A_955, %slice3A_956 in 0 : vector<16x256xf32>, vector<16x256xf32>, vector<16x256xf32>, vector<16x256xf32>, vector<16x256xf32>, vector<16x256xf32>, vector<16x256xf32>, vector<16x256xf32>, vector<16x256xf32>, vector<16x256xf32>, vector<16x256xf32>, vector<16x256xf32>, vector<16x256xf32>, vector<16x256xf32>, vector<16x256xf32> -> vector<240x256xf32>
    %swap3A_958 = arith.constant 41 : index
    %swap3A_959 = arith.constant 0 : index
    %swap3A_960 = arith.constant 0 : index
    %swap3A_961 = vector.load %arg5[%swap3A_958, %swap3A_959, %swap3A_960] : memref<51x240x256xf32, #tpu.memory_space<vmem>>, vector<1x240x256xf32>
    %swap3A_962 = vector.shape_cast %swap3A_961 : vector<1x240x256xf32> to vector<240x256xf32>
    %swap3A_963 = vector.shape_cast %concatenate3A_957 : vector<240x256xf32> to vector<1x240x256xf32>
    tpu.vector_store %arg5[%swap3A_958, %swap3A_959, %swap3A_960], %swap3A_963 {strides = array<i32>} : memref<51x240x256xf32, #tpu.memory_space<vmem>>, vector<1x240x256xf32>,
    %slice3A_964 = vector.extract_strided_slice %add3A_324 {offsets = [7, 0], sizes = [1, 256], strides = [1, 1]} : vector<16x256xf32> to vector<1x256xf32>
    %broadcast_in_dim3A_965 = vector.shape_cast %slice3A_964 : vector<1x256xf32> to vector<1x256xf32>
    %broadcast_in_dim3A_966 = vector.broadcast %broadcast_in_dim3A_965 : vector<1x256xf32> to vector<240x256xf32>
    %swap3A_967 = arith.constant 10 : index
    %swap3A_968 = arith.constant 0 : index
    %swap3A_969 = arith.constant 0 : index
    %swap3A_970 = vector.load %arg5[%swap3A_967, %swap3A_968, %swap3A_969] : memref<51x240x256xf32, #tpu.memory_space<vmem>>, vector<1x240x256xf32>
    %swap3A_971 = vector.shape_cast %swap3A_970 : vector<1x240x256xf32> to vector<240x256xf32>
    %swap3A_972 = vector.shape_cast %broadcast_in_dim3A_966 : vector<240x256xf32> to vector<1x240x256xf32>
    tpu.vector_store %arg5[%swap3A_967, %swap3A_968, %swap3A_969], %swap3A_972 {strides = array<i32>} : memref<51x240x256xf32, #tpu.memory_space<vmem>>, vector<1x240x256xf32>,
    %slice3A_973 = vector.extract_strided_slice %stack3A_314 {offsets = [0, 7, 0], sizes = [16, 1, 256], strides = [1, 1, 1]} : vector<16x16x256xf32> to vector<16x1x256xf32>
    %squeeze3A_974 = vector.shape_cast %slice3A_973 : vector<16x1x256xf32> to vector<16x256xf32>
    %broadcast_in_dim3A_975 = vector.shape_cast %squeeze3A_974 : vector<16x256xf32> to vector<16x1x256xf32>
    %broadcast_in_dim3A_976 = vector.shape_cast %broadcast_in_dim3A_975 : vector<16x1x256xf32> to vector<16x1x256xf32>
    %broadcast_in_dim3A_977 = vector.broadcast %broadcast_in_dim3A_976 : vector<16x1x256xf32> to vector<16x16x256xf32>
    %reshape3A_978 = vector.shape_cast %broadcast_in_dim3A_977 : vector<16x16x256xf32> to vector<256x256xf32>
    %slice3A_979 = vector.extract_strided_slice %reshape3A_978 {offsets = [1, 0], sizes = [16, 256], strides = [1, 1]} : vector<256x256xf32> to vector<16x256xf32>
    %slice3A_980 = vector.extract_strided_slice %reshape3A_978 {offsets = [18, 0], sizes = [16, 256], strides = [1, 1]} : vector<256x256xf32> to vector<16x256xf32>
    %slice3A_981 = vector.extract_strided_slice %reshape3A_978 {offsets = [35, 0], sizes = [16, 256], strides = [1, 1]} : vector<256x256xf32> to vector<16x256xf32>
    %slice3A_982 = vector.extract_strided_slice %reshape3A_978 {offsets = [52, 0], sizes = [16, 256], strides = [1, 1]} : vector<256x256xf32> to vector<16x256xf32>
    %slice3A_983 = vector.extract_strided_slice %reshape3A_978 {offsets = [69, 0], sizes = [16, 256], strides = [1, 1]} : vector<256x256xf32> to vector<16x256xf32>
    %slice3A_984 = vector.extract_strided_slice %reshape3A_978 {offsets = [86, 0], sizes = [16, 256], strides = [1, 1]} : vector<256x256xf32> to vector<16x256xf32>
    %slice3A_985 = vector.extract_strided_slice %reshape3A_978 {offsets = [103, 0], sizes = [16, 256], strides = [1, 1]} : vector<256x256xf32> to vector<16x256xf32>
    %slice3A_986 = vector.extract_strided_slice %reshape3A_978 {offsets = [120, 0], sizes = [16, 256], strides = [1, 1]} : vector<256x256xf32> to vector<16x256xf32>
    %slice3A_987 = vector.extract_strided_slice %reshape3A_978 {offsets = [137, 0], sizes = [16, 256], strides = [1, 1]} : vector<256x256xf32> to vector<16x256xf32>
    %slice3A_988 = vector.extract_strided_slice %reshape3A_978 {offsets = [154, 0], sizes = [16, 256], strides = [1, 1]} : vector<256x256xf32> to vector<16x256xf32>
    %slice3A_989 = vector.extract_strided_slice %reshape3A_978 {offsets = [171, 0], sizes = [16, 256], strides = [1, 1]} : vector<256x256xf32> to vector<16x256xf32>
    %slice3A_990 = vector.extract_strided_slice %reshape3A_978 {offsets = [188, 0], sizes = [16, 256], strides = [1, 1]} : vector<256x256xf32> to vector<16x256xf32>
    %slice3A_991 = vector.extract_strided_slice %reshape3A_978 {offsets = [205, 0], sizes = [16, 256], strides = [1, 1]} : vector<256x256xf32> to vector<16x256xf32>
    %slice3A_992 = vector.extract_strided_slice %reshape3A_978 {offsets = [222, 0], sizes = [16, 256], strides = [1, 1]} : vector<256x256xf32> to vector<16x256xf32>
    %slice3A_993 = vector.extract_strided_slice %reshape3A_978 {offsets = [239, 0], sizes = [16, 256], strides = [1, 1]} : vector<256x256xf32> to vector<16x256xf32>
    %concatenate3A_994 = tpu.concatenate %slice3A_979, %slice3A_980, %slice3A_981, %slice3A_982, %slice3A_983, %slice3A_984, %slice3A_985, %slice3A_986, %slice3A_987, %slice3A_988, %slice3A_989, %slice3A_990, %slice3A_991, %slice3A_992, %slice3A_993 in 0 : vector<16x256xf32>, vector<16x256xf32>, vector<16x256xf32>, vector<16x256xf32>, vector<16x256xf32>, vector<16x256xf32>, vector<16x256xf32>, vector<16x256xf32>, vector<16x256xf32>, vector<16x256xf32>, vector<16x256xf32>, vector<16x256xf32>, vector<16x256xf32>, vector<16x256xf32>, vector<16x256xf32> -> vector<240x256xf32>
    %swap3A_995 = arith.constant 26 : index
    %swap3A_996 = arith.constant 0 : index
    %swap3A_997 = arith.constant 0 : index
    %swap3A_998 = vector.load %arg5[%swap3A_995, %swap3A_996, %swap3A_997] : memref<51x240x256xf32, #tpu.memory_space<vmem>>, vector<1x240x256xf32>
    %swap3A_999 = vector.shape_cast %swap3A_998 : vector<1x240x256xf32> to vector<240x256xf32>
    %swap3A_1000 = vector.shape_cast %concatenate3A_994 : vector<240x256xf32> to vector<1x240x256xf32>
    tpu.vector_store %arg5[%swap3A_995, %swap3A_996, %swap3A_997], %swap3A_1000 {strides = array<i32>} : memref<51x240x256xf32, #tpu.memory_space<vmem>>, vector<1x240x256xf32>,
    %slice3A_1001 = vector.extract_strided_slice %stack3A_314 {offsets = [0, 7, 0], sizes = [16, 1, 256], strides = [1, 1, 1]} : vector<16x16x256xf32> to vector<16x1x256xf32>
    %squeeze3A_1002 = vector.shape_cast %slice3A_1001 : vector<16x1x256xf32> to vector<16x256xf32>
    %broadcast_in_dim3A_1003 = vector.shape_cast %squeeze3A_1002 : vector<16x256xf32> to vector<1x16x256xf32>
    %broadcast_in_dim3A_1004 = vector.shape_cast %broadcast_in_dim3A_1003 : vector<1x16x256xf32> to vector<1x16x256xf32>
    %broadcast_in_dim3A_1005 = vector.broadcast %broadcast_in_dim3A_1004 : vector<1x16x256xf32> to vector<16x16x256xf32>
    %reshape3A_1006 = vector.shape_cast %broadcast_in_dim3A_1005 : vector<16x16x256xf32> to vector<256x256xf32>
    %slice3A_1007 = vector.extract_strided_slice %reshape3A_1006 {offsets = [1, 0], sizes = [16, 256], strides = [1, 1]} : vector<256x256xf32> to vector<16x256xf32>
    %slice3A_1008 = vector.extract_strided_slice %reshape3A_1006 {offsets = [18, 0], sizes = [16, 256], strides = [1, 1]} : vector<256x256xf32> to vector<16x256xf32>
    %slice3A_1009 = vector.extract_strided_slice %reshape3A_1006 {offsets = [35, 0], sizes = [16, 256], strides = [1, 1]} : vector<256x256xf32> to vector<16x256xf32>
    %slice3A_1010 = vector.extract_strided_slice %reshape3A_1006 {offsets = [52, 0], sizes = [16, 256], strides = [1, 1]} : vector<256x256xf32> to vector<16x256xf32>
    %slice3A_1011 = vector.extract_strided_slice %reshape3A_1006 {offsets = [69, 0], sizes = [16, 256], strides = [1, 1]} : vector<256x256xf32> to vector<16x256xf32>
    %slice3A_1012 = vector.extract_strided_slice %reshape3A_1006 {offsets = [86, 0], sizes = [16, 256], strides = [1, 1]} : vector<256x256xf32> to vector<16x256xf32>
    %slice3A_1013 = vector.extract_strided_slice %reshape3A_1006 {offsets = [103, 0], sizes = [16, 256], strides = [1, 1]} : vector<256x256xf32> to vector<16x256xf32>
    %slice3A_1014 = vector.extract_strided_slice %reshape3A_1006 {offsets = [120, 0], sizes = [16, 256], strides = [1, 1]} : vector<256x256xf32> to vector<16x256xf32>
    %slice3A_1015 = vector.extract_strided_slice %reshape3A_1006 {offsets = [137, 0], sizes = [16, 256], strides = [1, 1]} : vector<256x256xf32> to vector<16x256xf32>
    %slice3A_1016 = vector.extract_strided_slice %reshape3A_1006 {offsets = [154, 0], sizes = [16, 256], strides = [1, 1]} : vector<256x256xf32> to vector<16x256xf32>
    %slice3A_1017 = vector.extract_strided_slice %reshape3A_1006 {offsets = [171, 0], sizes = [16, 256], strides = [1, 1]} : vector<256x256xf32> to vector<16x256xf32>
    %slice3A_1018 = vector.extract_strided_slice %reshape3A_1006 {offsets = [188, 0], sizes = [16, 256], strides = [1, 1]} : vector<256x256xf32> to vector<16x256xf32>
    %slice3A_1019 = vector.extract_strided_slice %reshape3A_1006 {offsets = [205, 0], sizes = [16, 256], strides = [1, 1]} : vector<256x256xf32> to vector<16x256xf32>
    %slice3A_1020 = vector.extract_strided_slice %reshape3A_1006 {offsets = [222, 0], sizes = [16, 256], strides = [1, 1]} : vector<256x256xf32> to vector<16x256xf32>
    %slice3A_1021 = vector.extract_strided_slice %reshape3A_1006 {offsets = [239, 0], sizes = [16, 256], strides = [1, 1]} : vector<256x256xf32> to vector<16x256xf32>
    %concatenate3A_1022 = tpu.concatenate %slice3A_1007, %slice3A_1008, %slice3A_1009, %slice3A_1010, %slice3A_1011, %slice3A_1012, %slice3A_1013, %slice3A_1014, %slice3A_1015, %slice3A_1016, %slice3A_1017, %slice3A_1018, %slice3A_1019, %slice3A_1020, %slice3A_1021 in 0 : vector<16x256xf32>, vector<16x256xf32>, vector<16x256xf32>, vector<16x256xf32>, vector<16x256xf32>, vector<16x256xf32>, vector<16x256xf32>, vector<16x256xf32>, vector<16x256xf32>, vector<16x256xf32>, vector<16x256xf32>, vector<16x256xf32>, vector<16x256xf32>, vector<16x256xf32>, vector<16x256xf32> -> vector<240x256xf32>
    %swap3A_1023 = arith.constant 42 : index
    %swap3A_1024 = arith.constant 0 : index
    %swap3A_1025 = arith.constant 0 : index
    %swap3A_1026 = vector.load %arg5[%swap3A_1023, %swap3A_1024, %swap3A_1025] : memref<51x240x256xf32, #tpu.memory_space<vmem>>, vector<1x240x256xf32>
    %swap3A_1027 = vector.shape_cast %swap3A_1026 : vector<1x240x256xf32> to vector<240x256xf32>
    %swap3A_1028 = vector.shape_cast %concatenate3A_1022 : vector<240x256xf32> to vector<1x240x256xf32>
    tpu.vector_store %arg5[%swap3A_1023, %swap3A_1024, %swap3A_1025], %swap3A_1028 {strides = array<i32>} : memref<51x240x256xf32, #tpu.memory_space<vmem>>, vector<1x240x256xf32>,
    %slice3A_1029 = vector.extract_strided_slice %add3A_324 {offsets = [8, 0], sizes = [1, 256], strides = [1, 1]} : vector<16x256xf32> to vector<1x256xf32>
    %broadcast_in_dim3A_1030 = vector.shape_cast %slice3A_1029 : vector<1x256xf32> to vector<1x256xf32>
    %broadcast_in_dim3A_1031 = vector.broadcast %broadcast_in_dim3A_1030 : vector<1x256xf32> to vector<240x256xf32>
    %swap3A_1032 = arith.constant 11 : index
    %swap3A_1033 = arith.constant 0 : index
    %swap3A_1034 = arith.constant 0 : index
    %swap3A_1035 = vector.load %arg5[%swap3A_1032, %swap3A_1033, %swap3A_1034] : memref<51x240x256xf32, #tpu.memory_space<vmem>>, vector<1x240x256xf32>
    %swap3A_1036 = vector.shape_cast %swap3A_1035 : vector<1x240x256xf32> to vector<240x256xf32>
    %swap3A_1037 = vector.shape_cast %broadcast_in_dim3A_1031 : vector<240x256xf32> to vector<1x240x256xf32>
    tpu.vector_store %arg5[%swap3A_1032, %swap3A_1033, %swap3A_1034], %swap3A_1037 {strides = array<i32>} : memref<51x240x256xf32, #tpu.memory_space<vmem>>, vector<1x240x256xf32>,
    %slice3A_1038 = vector.extract_strided_slice %stack3A_314 {offsets = [0, 8, 0], sizes = [16, 1, 256], strides = [1, 1, 1]} : vector<16x16x256xf32> to vector<16x1x256xf32>
    %squeeze3A_1039 = vector.shape_cast %slice3A_1038 : vector<16x1x256xf32> to vector<16x256xf32>
    %broadcast_in_dim3A_1040 = vector.shape_cast %squeeze3A_1039 : vector<16x256xf32> to vector<16x1x256xf32>
    %broadcast_in_dim3A_1041 = vector.shape_cast %broadcast_in_dim3A_1040 : vector<16x1x256xf32> to vector<16x1x256xf32>
    %broadcast_in_dim3A_1042 = vector.broadcast %broadcast_in_dim3A_1041 : vector<16x1x256xf32> to vector<16x16x256xf32>
    %reshape3A_1043 = vector.shape_cast %broadcast_in_dim3A_1042 : vector<16x16x256xf32> to vector<256x256xf32>
    %slice3A_1044 = vector.extract_strided_slice %reshape3A_1043 {offsets = [1, 0], sizes = [16, 256], strides = [1, 1]} : vector<256x256xf32> to vector<16x256xf32>
    %slice3A_1045 = vector.extract_strided_slice %reshape3A_1043 {offsets = [18, 0], sizes = [16, 256], strides = [1, 1]} : vector<256x256xf32> to vector<16x256xf32>
    %slice3A_1046 = vector.extract_strided_slice %reshape3A_1043 {offsets = [35, 0], sizes = [16, 256], strides = [1, 1]} : vector<256x256xf32> to vector<16x256xf32>
    %slice3A_1047 = vector.extract_strided_slice %reshape3A_1043 {offsets = [52, 0], sizes = [16, 256], strides = [1, 1]} : vector<256x256xf32> to vector<16x256xf32>
    %slice3A_1048 = vector.extract_strided_slice %reshape3A_1043 {offsets = [69, 0], sizes = [16, 256], strides = [1, 1]} : vector<256x256xf32> to vector<16x256xf32>
    %slice3A_1049 = vector.extract_strided_slice %reshape3A_1043 {offsets = [86, 0], sizes = [16, 256], strides = [1, 1]} : vector<256x256xf32> to vector<16x256xf32>
    %slice3A_1050 = vector.extract_strided_slice %reshape3A_1043 {offsets = [103, 0], sizes = [16, 256], strides = [1, 1]} : vector<256x256xf32> to vector<16x256xf32>
    %slice3A_1051 = vector.extract_strided_slice %reshape3A_1043 {offsets = [120, 0], sizes = [16, 256], strides = [1, 1]} : vector<256x256xf32> to vector<16x256xf32>
    %slice3A_1052 = vector.extract_strided_slice %reshape3A_1043 {offsets = [137, 0], sizes = [16, 256], strides = [1, 1]} : vector<256x256xf32> to vector<16x256xf32>
    %slice3A_1053 = vector.extract_strided_slice %reshape3A_1043 {offsets = [154, 0], sizes = [16, 256], strides = [1, 1]} : vector<256x256xf32> to vector<16x256xf32>
    %slice3A_1054 = vector.extract_strided_slice %reshape3A_1043 {offsets = [171, 0], sizes = [16, 256], strides = [1, 1]} : vector<256x256xf32> to vector<16x256xf32>
    %slice3A_1055 = vector.extract_strided_slice %reshape3A_1043 {offsets = [188, 0], sizes = [16, 256], strides = [1, 1]} : vector<256x256xf32> to vector<16x256xf32>
    %slice3A_1056 = vector.extract_strided_slice %reshape3A_1043 {offsets = [205, 0], sizes = [16, 256], strides = [1, 1]} : vector<256x256xf32> to vector<16x256xf32>
    %slice3A_1057 = vector.extract_strided_slice %reshape3A_1043 {offsets = [222, 0], sizes = [16, 256], strides = [1, 1]} : vector<256x256xf32> to vector<16x256xf32>
    %slice3A_1058 = vector.extract_strided_slice %reshape3A_1043 {offsets = [239, 0], sizes = [16, 256], strides = [1, 1]} : vector<256x256xf32> to vector<16x256xf32>
    %concatenate3A_1059 = tpu.concatenate %slice3A_1044, %slice3A_1045, %slice3A_1046, %slice3A_1047, %slice3A_1048, %slice3A_1049, %slice3A_1050, %slice3A_1051, %slice3A_1052, %slice3A_1053, %slice3A_1054, %slice3A_1055, %slice3A_1056, %slice3A_1057, %slice3A_1058 in 0 : vector<16x256xf32>, vector<16x256xf32>, vector<16x256xf32>, vector<16x256xf32>, vector<16x256xf32>, vector<16x256xf32>, vector<16x256xf32>, vector<16x256xf32>, vector<16x256xf32>, vector<16x256xf32>, vector<16x256xf32>, vector<16x256xf32>, vector<16x256xf32>, vector<16x256xf32>, vector<16x256xf32> -> vector<240x256xf32>
    %swap3A_1060 = arith.constant 27 : index
    %swap3A_1061 = arith.constant 0 : index
    %swap3A_1062 = arith.constant 0 : index
    %swap3A_1063 = vector.load %arg5[%swap3A_1060, %swap3A_1061, %swap3A_1062] : memref<51x240x256xf32, #tpu.memory_space<vmem>>, vector<1x240x256xf32>
    %swap3A_1064 = vector.shape_cast %swap3A_1063 : vector<1x240x256xf32> to vector<240x256xf32>
    %swap3A_1065 = vector.shape_cast %concatenate3A_1059 : vector<240x256xf32> to vector<1x240x256xf32>
    tpu.vector_store %arg5[%swap3A_1060, %swap3A_1061, %swap3A_1062], %swap3A_1065 {strides = array<i32>} : memref<51x240x256xf32, #tpu.memory_space<vmem>>, vector<1x240x256xf32>,
    %slice3A_1066 = vector.extract_strided_slice %stack3A_314 {offsets = [0, 8, 0], sizes = [16, 1, 256], strides = [1, 1, 1]} : vector<16x16x256xf32> to vector<16x1x256xf32>
    %squeeze3A_1067 = vector.shape_cast %slice3A_1066 : vector<16x1x256xf32> to vector<16x256xf32>
    %broadcast_in_dim3A_1068 = vector.shape_cast %squeeze3A_1067 : vector<16x256xf32> to vector<1x16x256xf32>
    %broadcast_in_dim3A_1069 = vector.shape_cast %broadcast_in_dim3A_1068 : vector<1x16x256xf32> to vector<1x16x256xf32>
    %broadcast_in_dim3A_1070 = vector.broadcast %broadcast_in_dim3A_1069 : vector<1x16x256xf32> to vector<16x16x256xf32>
    %reshape3A_1071 = vector.shape_cast %broadcast_in_dim3A_1070 : vector<16x16x256xf32> to vector<256x256xf32>
    %slice3A_1072 = vector.extract_strided_slice %reshape3A_1071 {offsets = [1, 0], sizes = [16, 256], strides = [1, 1]} : vector<256x256xf32> to vector<16x256xf32>
    %slice3A_1073 = vector.extract_strided_slice %reshape3A_1071 {offsets = [18, 0], sizes = [16, 256], strides = [1, 1]} : vector<256x256xf32> to vector<16x256xf32>
    %slice3A_1074 = vector.extract_strided_slice %reshape3A_1071 {offsets = [35, 0], sizes = [16, 256], strides = [1, 1]} : vector<256x256xf32> to vector<16x256xf32>
    %slice3A_1075 = vector.extract_strided_slice %reshape3A_1071 {offsets = [52, 0], sizes = [16, 256], strides = [1, 1]} : vector<256x256xf32> to vector<16x256xf32>
    %slice3A_1076 = vector.extract_strided_slice %reshape3A_1071 {offsets = [69, 0], sizes = [16, 256], strides = [1, 1]} : vector<256x256xf32> to vector<16x256xf32>
    %slice3A_1077 = vector.extract_strided_slice %reshape3A_1071 {offsets = [86, 0], sizes = [16, 256], strides = [1, 1]} : vector<256x256xf32> to vector<16x256xf32>
    %slice3A_1078 = vector.extract_strided_slice %reshape3A_1071 {offsets = [103, 0], sizes = [16, 256], strides = [1, 1]} : vector<256x256xf32> to vector<16x256xf32>
    %slice3A_1079 = vector.extract_strided_slice %reshape3A_1071 {offsets = [120, 0], sizes = [16, 256], strides = [1, 1]} : vector<256x256xf32> to vector<16x256xf32>
    %slice3A_1080 = vector.extract_strided_slice %reshape3A_1071 {offsets = [137, 0], sizes = [16, 256], strides = [1, 1]} : vector<256x256xf32> to vector<16x256xf32>
    %slice3A_1081 = vector.extract_strided_slice %reshape3A_1071 {offsets = [154, 0], sizes = [16, 256], strides = [1, 1]} : vector<256x256xf32> to vector<16x256xf32>
    %slice3A_1082 = vector.extract_strided_slice %reshape3A_1071 {offsets = [171, 0], sizes = [16, 256], strides = [1, 1]} : vector<256x256xf32> to vector<16x256xf32>
    %slice3A_1083 = vector.extract_strided_slice %reshape3A_1071 {offsets = [188, 0], sizes = [16, 256], strides = [1, 1]} : vector<256x256xf32> to vector<16x256xf32>
    %slice3A_1084 = vector.extract_strided_slice %reshape3A_1071 {offsets = [205, 0], sizes = [16, 256], strides = [1, 1]} : vector<256x256xf32> to vector<16x256xf32>
    %slice3A_1085 = vector.extract_strided_slice %reshape3A_1071 {offsets = [222, 0], sizes = [16, 256], strides = [1, 1]} : vector<256x256xf32> to vector<16x256xf32>
    %slice3A_1086 = vector.extract_strided_slice %reshape3A_1071 {offsets = [239, 0], sizes = [16, 256], strides = [1, 1]} : vector<256x256xf32> to vector<16x256xf32>
    %concatenate3A_1087 = tpu.concatenate %slice3A_1072, %slice3A_1073, %slice3A_1074, %slice3A_1075, %slice3A_1076, %slice3A_1077, %slice3A_1078, %slice3A_1079, %slice3A_1080, %slice3A_1081, %slice3A_1082, %slice3A_1083, %slice3A_1084, %slice3A_1085, %slice3A_1086 in 0 : vector<16x256xf32>, vector<16x256xf32>, vector<16x256xf32>, vector<16x256xf32>, vector<16x256xf32>, vector<16x256xf32>, vector<16x256xf32>, vector<16x256xf32>, vector<16x256xf32>, vector<16x256xf32>, vector<16x256xf32>, vector<16x256xf32>, vector<16x256xf32>, vector<16x256xf32>, vector<16x256xf32> -> vector<240x256xf32>
    %swap3A_1088 = arith.constant 43 : index
    %swap3A_1089 = arith.constant 0 : index
    %swap3A_1090 = arith.constant 0 : index
    %swap3A_1091 = vector.load %arg5[%swap3A_1088, %swap3A_1089, %swap3A_1090] : memref<51x240x256xf32, #tpu.memory_space<vmem>>, vector<1x240x256xf32>
    %swap3A_1092 = vector.shape_cast %swap3A_1091 : vector<1x240x256xf32> to vector<240x256xf32>
    %swap3A_1093 = vector.shape_cast %concatenate3A_1087 : vector<240x256xf32> to vector<1x240x256xf32>
    tpu.vector_store %arg5[%swap3A_1088, %swap3A_1089, %swap3A_1090], %swap3A_1093 {strides = array<i32>} : memref<51x240x256xf32, #tpu.memory_space<vmem>>, vector<1x240x256xf32>,
    %slice3A_1094 = vector.extract_strided_slice %add3A_324 {offsets = [9, 0], sizes = [1, 256], strides = [1, 1]} : vector<16x256xf32> to vector<1x256xf32>
    %broadcast_in_dim3A_1095 = vector.shape_cast %slice3A_1094 : vector<1x256xf32> to vector<1x256xf32>
    %broadcast_in_dim3A_1096 = vector.broadcast %broadcast_in_dim3A_1095 : vector<1x256xf32> to vector<240x256xf32>
    %swap3A_1097 = arith.constant 12 : index
    %swap3A_1098 = arith.constant 0 : index
    %swap3A_1099 = arith.constant 0 : index
    %swap3A_1100 = vector.load %arg5[%swap3A_1097, %swap3A_1098, %swap3A_1099] : memref<51x240x256xf32, #tpu.memory_space<vmem>>, vector<1x240x256xf32>
    %swap3A_1101 = vector.shape_cast %swap3A_1100 : vector<1x240x256xf32> to vector<240x256xf32>
    %swap3A_1102 = vector.shape_cast %broadcast_in_dim3A_1096 : vector<240x256xf32> to vector<1x240x256xf32>
    tpu.vector_store %arg5[%swap3A_1097, %swap3A_1098, %swap3A_1099], %swap3A_1102 {strides = array<i32>} : memref<51x240x256xf32, #tpu.memory_space<vmem>>, vector<1x240x256xf32>,
    %slice3A_1103 = vector.extract_strided_slice %stack3A_314 {offsets = [0, 9, 0], sizes = [16, 1, 256], strides = [1, 1, 1]} : vector<16x16x256xf32> to vector<16x1x256xf32>
    %squeeze3A_1104 = vector.shape_cast %slice3A_1103 : vector<16x1x256xf32> to vector<16x256xf32>
    %broadcast_in_dim3A_1105 = vector.shape_cast %squeeze3A_1104 : vector<16x256xf32> to vector<16x1x256xf32>
    %broadcast_in_dim3A_1106 = vector.shape_cast %broadcast_in_dim3A_1105 : vector<16x1x256xf32> to vector<16x1x256xf32>
    %broadcast_in_dim3A_1107 = vector.broadcast %broadcast_in_dim3A_1106 : vector<16x1x256xf32> to vector<16x16x256xf32>
    %reshape3A_1108 = vector.shape_cast %broadcast_in_dim3A_1107 : vector<16x16x256xf32> to vector<256x256xf32>
    %slice3A_1109 = vector.extract_strided_slice %reshape3A_1108 {offsets = [1, 0], sizes = [16, 256], strides = [1, 1]} : vector<256x256xf32> to vector<16x256xf32>
    %slice3A_1110 = vector.extract_strided_slice %reshape3A_1108 {offsets = [18, 0], sizes = [16, 256], strides = [1, 1]} : vector<256x256xf32> to vector<16x256xf32>
    %slice3A_1111 = vector.extract_strided_slice %reshape3A_1108 {offsets = [35, 0], sizes = [16, 256], strides = [1, 1]} : vector<256x256xf32> to vector<16x256xf32>
    %slice3A_1112 = vector.extract_strided_slice %reshape3A_1108 {offsets = [52, 0], sizes = [16, 256], strides = [1, 1]} : vector<256x256xf32> to vector<16x256xf32>
    %slice3A_1113 = vector.extract_strided_slice %reshape3A_1108 {offsets = [69, 0], sizes = [16, 256], strides = [1, 1]} : vector<256x256xf32> to vector<16x256xf32>
    %slice3A_1114 = vector.extract_strided_slice %reshape3A_1108 {offsets = [86, 0], sizes = [16, 256], strides = [1, 1]} : vector<256x256xf32> to vector<16x256xf32>
    %slice3A_1115 = vector.extract_strided_slice %reshape3A_1108 {offsets = [103, 0], sizes = [16, 256], strides = [1, 1]} : vector<256x256xf32> to vector<16x256xf32>
    %slice3A_1116 = vector.extract_strided_slice %reshape3A_1108 {offsets = [120, 0], sizes = [16, 256], strides = [1, 1]} : vector<256x256xf32> to vector<16x256xf32>
    %slice3A_1117 = vector.extract_strided_slice %reshape3A_1108 {offsets = [137, 0], sizes = [16, 256], strides = [1, 1]} : vector<256x256xf32> to vector<16x256xf32>
    %slice3A_1118 = vector.extract_strided_slice %reshape3A_1108 {offsets = [154, 0], sizes = [16, 256], strides = [1, 1]} : vector<256x256xf32> to vector<16x256xf32>
    %slice3A_1119 = vector.extract_strided_slice %reshape3A_1108 {offsets = [171, 0], sizes = [16, 256], strides = [1, 1]} : vector<256x256xf32> to vector<16x256xf32>
    %slice3A_1120 = vector.extract_strided_slice %reshape3A_1108 {offsets = [188, 0], sizes = [16, 256], strides = [1, 1]} : vector<256x256xf32> to vector<16x256xf32>
    %slice3A_1121 = vector.extract_strided_slice %reshape3A_1108 {offsets = [205, 0], sizes = [16, 256], strides = [1, 1]} : vector<256x256xf32> to vector<16x256xf32>
    %slice3A_1122 = vector.extract_strided_slice %reshape3A_1108 {offsets = [222, 0], sizes = [16, 256], strides = [1, 1]} : vector<256x256xf32> to vector<16x256xf32>
    %slice3A_1123 = vector.extract_strided_slice %reshape3A_1108 {offsets = [239, 0], sizes = [16, 256], strides = [1, 1]} : vector<256x256xf32> to vector<16x256xf32>
    %concatenate3A_1124 = tpu.concatenate %slice3A_1109, %slice3A_1110, %slice3A_1111, %slice3A_1112, %slice3A_1113, %slice3A_1114, %slice3A_1115, %slice3A_1116, %slice3A_1117, %slice3A_1118, %slice3A_1119, %slice3A_1120, %slice3A_1121, %slice3A_1122, %slice3A_1123 in 0 : vector<16x256xf32>, vector<16x256xf32>, vector<16x256xf32>, vector<16x256xf32>, vector<16x256xf32>, vector<16x256xf32>, vector<16x256xf32>, vector<16x256xf32>, vector<16x256xf32>, vector<16x256xf32>, vector<16x256xf32>, vector<16x256xf32>, vector<16x256xf32>, vector<16x256xf32>, vector<16x256xf32> -> vector<240x256xf32>
    %swap3A_1125 = arith.constant 28 : index
    %swap3A_1126 = arith.constant 0 : index
    %swap3A_1127 = arith.constant 0 : index
    %swap3A_1128 = vector.load %arg5[%swap3A_1125, %swap3A_1126, %swap3A_1127] : memref<51x240x256xf32, #tpu.memory_space<vmem>>, vector<1x240x256xf32>
    %swap3A_1129 = vector.shape_cast %swap3A_1128 : vector<1x240x256xf32> to vector<240x256xf32>
    %swap3A_1130 = vector.shape_cast %concatenate3A_1124 : vector<240x256xf32> to vector<1x240x256xf32>
    tpu.vector_store %arg5[%swap3A_1125, %swap3A_1126, %swap3A_1127], %swap3A_1130 {strides = array<i32>} : memref<51x240x256xf32, #tpu.memory_space<vmem>>, vector<1x240x256xf32>,
    %slice3A_1131 = vector.extract_strided_slice %stack3A_314 {offsets = [0, 9, 0], sizes = [16, 1, 256], strides = [1, 1, 1]} : vector<16x16x256xf32> to vector<16x1x256xf32>
    %squeeze3A_1132 = vector.shape_cast %slice3A_1131 : vector<16x1x256xf32> to vector<16x256xf32>
    %broadcast_in_dim3A_1133 = vector.shape_cast %squeeze3A_1132 : vector<16x256xf32> to vector<1x16x256xf32>
    %broadcast_in_dim3A_1134 = vector.shape_cast %broadcast_in_dim3A_1133 : vector<1x16x256xf32> to vector<1x16x256xf32>
    %broadcast_in_dim3A_1135 = vector.broadcast %broadcast_in_dim3A_1134 : vector<1x16x256xf32> to vector<16x16x256xf32>
    %reshape3A_1136 = vector.shape_cast %broadcast_in_dim3A_1135 : vector<16x16x256xf32> to vector<256x256xf32>
    %slice3A_1137 = vector.extract_strided_slice %reshape3A_1136 {offsets = [1, 0], sizes = [16, 256], strides = [1, 1]} : vector<256x256xf32> to vector<16x256xf32>
    %slice3A_1138 = vector.extract_strided_slice %reshape3A_1136 {offsets = [18, 0], sizes = [16, 256], strides = [1, 1]} : vector<256x256xf32> to vector<16x256xf32>
    %slice3A_1139 = vector.extract_strided_slice %reshape3A_1136 {offsets = [35, 0], sizes = [16, 256], strides = [1, 1]} : vector<256x256xf32> to vector<16x256xf32>
    %slice3A_1140 = vector.extract_strided_slice %reshape3A_1136 {offsets = [52, 0], sizes = [16, 256], strides = [1, 1]} : vector<256x256xf32> to vector<16x256xf32>
    %slice3A_1141 = vector.extract_strided_slice %reshape3A_1136 {offsets = [69, 0], sizes = [16, 256], strides = [1, 1]} : vector<256x256xf32> to vector<16x256xf32>
    %slice3A_1142 = vector.extract_strided_slice %reshape3A_1136 {offsets = [86, 0], sizes = [16, 256], strides = [1, 1]} : vector<256x256xf32> to vector<16x256xf32>
    %slice3A_1143 = vector.extract_strided_slice %reshape3A_1136 {offsets = [103, 0], sizes = [16, 256], strides = [1, 1]} : vector<256x256xf32> to vector<16x256xf32>
    %slice3A_1144 = vector.extract_strided_slice %reshape3A_1136 {offsets = [120, 0], sizes = [16, 256], strides = [1, 1]} : vector<256x256xf32> to vector<16x256xf32>
    %slice3A_1145 = vector.extract_strided_slice %reshape3A_1136 {offsets = [137, 0], sizes = [16, 256], strides = [1, 1]} : vector<256x256xf32> to vector<16x256xf32>
    %slice3A_1146 = vector.extract_strided_slice %reshape3A_1136 {offsets = [154, 0], sizes = [16, 256], strides = [1, 1]} : vector<256x256xf32> to vector<16x256xf32>
    %slice3A_1147 = vector.extract_strided_slice %reshape3A_1136 {offsets = [171, 0], sizes = [16, 256], strides = [1, 1]} : vector<256x256xf32> to vector<16x256xf32>
    %slice3A_1148 = vector.extract_strided_slice %reshape3A_1136 {offsets = [188, 0], sizes = [16, 256], strides = [1, 1]} : vector<256x256xf32> to vector<16x256xf32>
    %slice3A_1149 = vector.extract_strided_slice %reshape3A_1136 {offsets = [205, 0], sizes = [16, 256], strides = [1, 1]} : vector<256x256xf32> to vector<16x256xf32>
    %slice3A_1150 = vector.extract_strided_slice %reshape3A_1136 {offsets = [222, 0], sizes = [16, 256], strides = [1, 1]} : vector<256x256xf32> to vector<16x256xf32>
    %slice3A_1151 = vector.extract_strided_slice %reshape3A_1136 {offsets = [239, 0], sizes = [16, 256], strides = [1, 1]} : vector<256x256xf32> to vector<16x256xf32>
    %concatenate3A_1152 = tpu.concatenate %slice3A_1137, %slice3A_1138, %slice3A_1139, %slice3A_1140, %slice3A_1141, %slice3A_1142, %slice3A_1143, %slice3A_1144, %slice3A_1145, %slice3A_1146, %slice3A_1147, %slice3A_1148, %slice3A_1149, %slice3A_1150, %slice3A_1151 in 0 : vector<16x256xf32>, vector<16x256xf32>, vector<16x256xf32>, vector<16x256xf32>, vector<16x256xf32>, vector<16x256xf32>, vector<16x256xf32>, vector<16x256xf32>, vector<16x256xf32>, vector<16x256xf32>, vector<16x256xf32>, vector<16x256xf32>, vector<16x256xf32>, vector<16x256xf32>, vector<16x256xf32> -> vector<240x256xf32>
    %swap3A_1153 = arith.constant 44 : index
    %swap3A_1154 = arith.constant 0 : index
    %swap3A_1155 = arith.constant 0 : index
    %swap3A_1156 = vector.load %arg5[%swap3A_1153, %swap3A_1154, %swap3A_1155] : memref<51x240x256xf32, #tpu.memory_space<vmem>>, vector<1x240x256xf32>
    %swap3A_1157 = vector.shape_cast %swap3A_1156 : vector<1x240x256xf32> to vector<240x256xf32>
    %swap3A_1158 = vector.shape_cast %concatenate3A_1152 : vector<240x256xf32> to vector<1x240x256xf32>
    tpu.vector_store %arg5[%swap3A_1153, %swap3A_1154, %swap3A_1155], %swap3A_1158 {strides = array<i32>} : memref<51x240x256xf32, #tpu.memory_space<vmem>>, vector<1x240x256xf32>,
    %slice3A_1159 = vector.extract_strided_slice %add3A_324 {offsets = [10, 0], sizes = [1, 256], strides = [1, 1]} : vector<16x256xf32> to vector<1x256xf32>
    %broadcast_in_dim3A_1160 = vector.shape_cast %slice3A_1159 : vector<1x256xf32> to vector<1x256xf32>
    %broadcast_in_dim3A_1161 = vector.broadcast %broadcast_in_dim3A_1160 : vector<1x256xf32> to vector<240x256xf32>
    %swap3A_1162 = arith.constant 13 : index
    %swap3A_1163 = arith.constant 0 : index
    %swap3A_1164 = arith.constant 0 : index
    %swap3A_1165 = vector.load %arg5[%swap3A_1162, %swap3A_1163, %swap3A_1164] : memref<51x240x256xf32, #tpu.memory_space<vmem>>, vector<1x240x256xf32>
    %swap3A_1166 = vector.shape_cast %swap3A_1165 : vector<1x240x256xf32> to vector<240x256xf32>
    %swap3A_1167 = vector.shape_cast %broadcast_in_dim3A_1161 : vector<240x256xf32> to vector<1x240x256xf32>
    tpu.vector_store %arg5[%swap3A_1162, %swap3A_1163, %swap3A_1164], %swap3A_1167 {strides = array<i32>} : memref<51x240x256xf32, #tpu.memory_space<vmem>>, vector<1x240x256xf32>,
    %slice3A_1168 = vector.extract_strided_slice %stack3A_314 {offsets = [0, 10, 0], sizes = [16, 1, 256], strides = [1, 1, 1]} : vector<16x16x256xf32> to vector<16x1x256xf32>
    %squeeze3A_1169 = vector.shape_cast %slice3A_1168 : vector<16x1x256xf32> to vector<16x256xf32>
    %broadcast_in_dim3A_1170 = vector.shape_cast %squeeze3A_1169 : vector<16x256xf32> to vector<16x1x256xf32>
    %broadcast_in_dim3A_1171 = vector.shape_cast %broadcast_in_dim3A_1170 : vector<16x1x256xf32> to vector<16x1x256xf32>
    %broadcast_in_dim3A_1172 = vector.broadcast %broadcast_in_dim3A_1171 : vector<16x1x256xf32> to vector<16x16x256xf32>
    %reshape3A_1173 = vector.shape_cast %broadcast_in_dim3A_1172 : vector<16x16x256xf32> to vector<256x256xf32>
    %slice3A_1174 = vector.extract_strided_slice %reshape3A_1173 {offsets = [1, 0], sizes = [16, 256], strides = [1, 1]} : vector<256x256xf32> to vector<16x256xf32>
    %slice3A_1175 = vector.extract_strided_slice %reshape3A_1173 {offsets = [18, 0], sizes = [16, 256], strides = [1, 1]} : vector<256x256xf32> to vector<16x256xf32>
    %slice3A_1176 = vector.extract_strided_slice %reshape3A_1173 {offsets = [35, 0], sizes = [16, 256], strides = [1, 1]} : vector<256x256xf32> to vector<16x256xf32>
    %slice3A_1177 = vector.extract_strided_slice %reshape3A_1173 {offsets = [52, 0], sizes = [16, 256], strides = [1, 1]} : vector<256x256xf32> to vector<16x256xf32>
    %slice3A_1178 = vector.extract_strided_slice %reshape3A_1173 {offsets = [69, 0], sizes = [16, 256], strides = [1, 1]} : vector<256x256xf32> to vector<16x256xf32>
    %slice3A_1179 = vector.extract_strided_slice %reshape3A_1173 {offsets = [86, 0], sizes = [16, 256], strides = [1, 1]} : vector<256x256xf32> to vector<16x256xf32>
    %slice3A_1180 = vector.extract_strided_slice %reshape3A_1173 {offsets = [103, 0], sizes = [16, 256], strides = [1, 1]} : vector<256x256xf32> to vector<16x256xf32>
    %slice3A_1181 = vector.extract_strided_slice %reshape3A_1173 {offsets = [120, 0], sizes = [16, 256], strides = [1, 1]} : vector<256x256xf32> to vector<16x256xf32>
    %slice3A_1182 = vector.extract_strided_slice %reshape3A_1173 {offsets = [137, 0], sizes = [16, 256], strides = [1, 1]} : vector<256x256xf32> to vector<16x256xf32>
    %slice3A_1183 = vector.extract_strided_slice %reshape3A_1173 {offsets = [154, 0], sizes = [16, 256], strides = [1, 1]} : vector<256x256xf32> to vector<16x256xf32>
    %slice3A_1184 = vector.extract_strided_slice %reshape3A_1173 {offsets = [171, 0], sizes = [16, 256], strides = [1, 1]} : vector<256x256xf32> to vector<16x256xf32>
    %slice3A_1185 = vector.extract_strided_slice %reshape3A_1173 {offsets = [188, 0], sizes = [16, 256], strides = [1, 1]} : vector<256x256xf32> to vector<16x256xf32>
    %slice3A_1186 = vector.extract_strided_slice %reshape3A_1173 {offsets = [205, 0], sizes = [16, 256], strides = [1, 1]} : vector<256x256xf32> to vector<16x256xf32>
    %slice3A_1187 = vector.extract_strided_slice %reshape3A_1173 {offsets = [222, 0], sizes = [16, 256], strides = [1, 1]} : vector<256x256xf32> to vector<16x256xf32>
    %slice3A_1188 = vector.extract_strided_slice %reshape3A_1173 {offsets = [239, 0], sizes = [16, 256], strides = [1, 1]} : vector<256x256xf32> to vector<16x256xf32>
    %concatenate3A_1189 = tpu.concatenate %slice3A_1174, %slice3A_1175, %slice3A_1176, %slice3A_1177, %slice3A_1178, %slice3A_1179, %slice3A_1180, %slice3A_1181, %slice3A_1182, %slice3A_1183, %slice3A_1184, %slice3A_1185, %slice3A_1186, %slice3A_1187, %slice3A_1188 in 0 : vector<16x256xf32>, vector<16x256xf32>, vector<16x256xf32>, vector<16x256xf32>, vector<16x256xf32>, vector<16x256xf32>, vector<16x256xf32>, vector<16x256xf32>, vector<16x256xf32>, vector<16x256xf32>, vector<16x256xf32>, vector<16x256xf32>, vector<16x256xf32>, vector<16x256xf32>, vector<16x256xf32> -> vector<240x256xf32>
    %swap3A_1190 = arith.constant 29 : index
    %swap3A_1191 = arith.constant 0 : index
    %swap3A_1192 = arith.constant 0 : index
    %swap3A_1193 = vector.load %arg5[%swap3A_1190, %swap3A_1191, %swap3A_1192] : memref<51x240x256xf32, #tpu.memory_space<vmem>>, vector<1x240x256xf32>
    %swap3A_1194 = vector.shape_cast %swap3A_1193 : vector<1x240x256xf32> to vector<240x256xf32>
    %swap3A_1195 = vector.shape_cast %concatenate3A_1189 : vector<240x256xf32> to vector<1x240x256xf32>
    tpu.vector_store %arg5[%swap3A_1190, %swap3A_1191, %swap3A_1192], %swap3A_1195 {strides = array<i32>} : memref<51x240x256xf32, #tpu.memory_space<vmem>>, vector<1x240x256xf32>,
    %slice3A_1196 = vector.extract_strided_slice %stack3A_314 {offsets = [0, 10, 0], sizes = [16, 1, 256], strides = [1, 1, 1]} : vector<16x16x256xf32> to vector<16x1x256xf32>
    %squeeze3A_1197 = vector.shape_cast %slice3A_1196 : vector<16x1x256xf32> to vector<16x256xf32>
    %broadcast_in_dim3A_1198 = vector.shape_cast %squeeze3A_1197 : vector<16x256xf32> to vector<1x16x256xf32>
    %broadcast_in_dim3A_1199 = vector.shape_cast %broadcast_in_dim3A_1198 : vector<1x16x256xf32> to vector<1x16x256xf32>
    %broadcast_in_dim3A_1200 = vector.broadcast %broadcast_in_dim3A_1199 : vector<1x16x256xf32> to vector<16x16x256xf32>
    %reshape3A_1201 = vector.shape_cast %broadcast_in_dim3A_1200 : vector<16x16x256xf32> to vector<256x256xf32>
    %slice3A_1202 = vector.extract_strided_slice %reshape3A_1201 {offsets = [1, 0], sizes = [16, 256], strides = [1, 1]} : vector<256x256xf32> to vector<16x256xf32>
    %slice3A_1203 = vector.extract_strided_slice %reshape3A_1201 {offsets = [18, 0], sizes = [16, 256], strides = [1, 1]} : vector<256x256xf32> to vector<16x256xf32>
    %slice3A_1204 = vector.extract_strided_slice %reshape3A_1201 {offsets = [35, 0], sizes = [16, 256], strides = [1, 1]} : vector<256x256xf32> to vector<16x256xf32>
    %slice3A_1205 = vector.extract_strided_slice %reshape3A_1201 {offsets = [52, 0], sizes = [16, 256], strides = [1, 1]} : vector<256x256xf32> to vector<16x256xf32>
    %slice3A_1206 = vector.extract_strided_slice %reshape3A_1201 {offsets = [69, 0], sizes = [16, 256], strides = [1, 1]} : vector<256x256xf32> to vector<16x256xf32>
    %slice3A_1207 = vector.extract_strided_slice %reshape3A_1201 {offsets = [86, 0], sizes = [16, 256], strides = [1, 1]} : vector<256x256xf32> to vector<16x256xf32>
    %slice3A_1208 = vector.extract_strided_slice %reshape3A_1201 {offsets = [103, 0], sizes = [16, 256], strides = [1, 1]} : vector<256x256xf32> to vector<16x256xf32>
    %slice3A_1209 = vector.extract_strided_slice %reshape3A_1201 {offsets = [120, 0], sizes = [16, 256], strides = [1, 1]} : vector<256x256xf32> to vector<16x256xf32>
    %slice3A_1210 = vector.extract_strided_slice %reshape3A_1201 {offsets = [137, 0], sizes = [16, 256], strides = [1, 1]} : vector<256x256xf32> to vector<16x256xf32>
    %slice3A_1211 = vector.extract_strided_slice %reshape3A_1201 {offsets = [154, 0], sizes = [16, 256], strides = [1, 1]} : vector<256x256xf32> to vector<16x256xf32>
    %slice3A_1212 = vector.extract_strided_slice %reshape3A_1201 {offsets = [171, 0], sizes = [16, 256], strides = [1, 1]} : vector<256x256xf32> to vector<16x256xf32>
    %slice3A_1213 = vector.extract_strided_slice %reshape3A_1201 {offsets = [188, 0], sizes = [16, 256], strides = [1, 1]} : vector<256x256xf32> to vector<16x256xf32>
    %slice3A_1214 = vector.extract_strided_slice %reshape3A_1201 {offsets = [205, 0], sizes = [16, 256], strides = [1, 1]} : vector<256x256xf32> to vector<16x256xf32>
    %slice3A_1215 = vector.extract_strided_slice %reshape3A_1201 {offsets = [222, 0], sizes = [16, 256], strides = [1, 1]} : vector<256x256xf32> to vector<16x256xf32>
    %slice3A_1216 = vector.extract_strided_slice %reshape3A_1201 {offsets = [239, 0], sizes = [16, 256], strides = [1, 1]} : vector<256x256xf32> to vector<16x256xf32>
    %concatenate3A_1217 = tpu.concatenate %slice3A_1202, %slice3A_1203, %slice3A_1204, %slice3A_1205, %slice3A_1206, %slice3A_1207, %slice3A_1208, %slice3A_1209, %slice3A_1210, %slice3A_1211, %slice3A_1212, %slice3A_1213, %slice3A_1214, %slice3A_1215, %slice3A_1216 in 0 : vector<16x256xf32>, vector<16x256xf32>, vector<16x256xf32>, vector<16x256xf32>, vector<16x256xf32>, vector<16x256xf32>, vector<16x256xf32>, vector<16x256xf32>, vector<16x256xf32>, vector<16x256xf32>, vector<16x256xf32>, vector<16x256xf32>, vector<16x256xf32>, vector<16x256xf32>, vector<16x256xf32> -> vector<240x256xf32>
    %swap3A_1218 = arith.constant 45 : index
    %swap3A_1219 = arith.constant 0 : index
    %swap3A_1220 = arith.constant 0 : index
    %swap3A_1221 = vector.load %arg5[%swap3A_1218, %swap3A_1219, %swap3A_1220] : memref<51x240x256xf32, #tpu.memory_space<vmem>>, vector<1x240x256xf32>
    %swap3A_1222 = vector.shape_cast %swap3A_1221 : vector<1x240x256xf32> to vector<240x256xf32>
    %swap3A_1223 = vector.shape_cast %concatenate3A_1217 : vector<240x256xf32> to vector<1x240x256xf32>
    tpu.vector_store %arg5[%swap3A_1218, %swap3A_1219, %swap3A_1220], %swap3A_1223 {strides = array<i32>} : memref<51x240x256xf32, #tpu.memory_space<vmem>>, vector<1x240x256xf32>,
    %slice3A_1224 = vector.extract_strided_slice %add3A_324 {offsets = [11, 0], sizes = [1, 256], strides = [1, 1]} : vector<16x256xf32> to vector<1x256xf32>
    %broadcast_in_dim3A_1225 = vector.shape_cast %slice3A_1224 : vector<1x256xf32> to vector<1x256xf32>
    %broadcast_in_dim3A_1226 = vector.broadcast %broadcast_in_dim3A_1225 : vector<1x256xf32> to vector<240x256xf32>
    %swap3A_1227 = arith.constant 14 : index
    %swap3A_1228 = arith.constant 0 : index
    %swap3A_1229 = arith.constant 0 : index
    %swap3A_1230 = vector.load %arg5[%swap3A_1227, %swap3A_1228, %swap3A_1229] : memref<51x240x256xf32, #tpu.memory_space<vmem>>, vector<1x240x256xf32>
    %swap3A_1231 = vector.shape_cast %swap3A_1230 : vector<1x240x256xf32> to vector<240x256xf32>
    %swap3A_1232 = vector.shape_cast %broadcast_in_dim3A_1226 : vector<240x256xf32> to vector<1x240x256xf32>
    tpu.vector_store %arg5[%swap3A_1227, %swap3A_1228, %swap3A_1229], %swap3A_1232 {strides = array<i32>} : memref<51x240x256xf32, #tpu.memory_space<vmem>>, vector<1x240x256xf32>,
    %slice3A_1233 = vector.extract_strided_slice %stack3A_314 {offsets = [0, 11, 0], sizes = [16, 1, 256], strides = [1, 1, 1]} : vector<16x16x256xf32> to vector<16x1x256xf32>
    %squeeze3A_1234 = vector.shape_cast %slice3A_1233 : vector<16x1x256xf32> to vector<16x256xf32>
    %broadcast_in_dim3A_1235 = vector.shape_cast %squeeze3A_1234 : vector<16x256xf32> to vector<16x1x256xf32>
    %broadcast_in_dim3A_1236 = vector.shape_cast %broadcast_in_dim3A_1235 : vector<16x1x256xf32> to vector<16x1x256xf32>
    %broadcast_in_dim3A_1237 = vector.broadcast %broadcast_in_dim3A_1236 : vector<16x1x256xf32> to vector<16x16x256xf32>
    %reshape3A_1238 = vector.shape_cast %broadcast_in_dim3A_1237 : vector<16x16x256xf32> to vector<256x256xf32>
    %slice3A_1239 = vector.extract_strided_slice %reshape3A_1238 {offsets = [1, 0], sizes = [16, 256], strides = [1, 1]} : vector<256x256xf32> to vector<16x256xf32>
    %slice3A_1240 = vector.extract_strided_slice %reshape3A_1238 {offsets = [18, 0], sizes = [16, 256], strides = [1, 1]} : vector<256x256xf32> to vector<16x256xf32>
    %slice3A_1241 = vector.extract_strided_slice %reshape3A_1238 {offsets = [35, 0], sizes = [16, 256], strides = [1, 1]} : vector<256x256xf32> to vector<16x256xf32>
    %slice3A_1242 = vector.extract_strided_slice %reshape3A_1238 {offsets = [52, 0], sizes = [16, 256], strides = [1, 1]} : vector<256x256xf32> to vector<16x256xf32>
    %slice3A_1243 = vector.extract_strided_slice %reshape3A_1238 {offsets = [69, 0], sizes = [16, 256], strides = [1, 1]} : vector<256x256xf32> to vector<16x256xf32>
    %slice3A_1244 = vector.extract_strided_slice %reshape3A_1238 {offsets = [86, 0], sizes = [16, 256], strides = [1, 1]} : vector<256x256xf32> to vector<16x256xf32>
    %slice3A_1245 = vector.extract_strided_slice %reshape3A_1238 {offsets = [103, 0], sizes = [16, 256], strides = [1, 1]} : vector<256x256xf32> to vector<16x256xf32>
    %slice3A_1246 = vector.extract_strided_slice %reshape3A_1238 {offsets = [120, 0], sizes = [16, 256], strides = [1, 1]} : vector<256x256xf32> to vector<16x256xf32>
    %slice3A_1247 = vector.extract_strided_slice %reshape3A_1238 {offsets = [137, 0], sizes = [16, 256], strides = [1, 1]} : vector<256x256xf32> to vector<16x256xf32>
    %slice3A_1248 = vector.extract_strided_slice %reshape3A_1238 {offsets = [154, 0], sizes = [16, 256], strides = [1, 1]} : vector<256x256xf32> to vector<16x256xf32>
    %slice3A_1249 = vector.extract_strided_slice %reshape3A_1238 {offsets = [171, 0], sizes = [16, 256], strides = [1, 1]} : vector<256x256xf32> to vector<16x256xf32>
    %slice3A_1250 = vector.extract_strided_slice %reshape3A_1238 {offsets = [188, 0], sizes = [16, 256], strides = [1, 1]} : vector<256x256xf32> to vector<16x256xf32>
    %slice3A_1251 = vector.extract_strided_slice %reshape3A_1238 {offsets = [205, 0], sizes = [16, 256], strides = [1, 1]} : vector<256x256xf32> to vector<16x256xf32>
    %slice3A_1252 = vector.extract_strided_slice %reshape3A_1238 {offsets = [222, 0], sizes = [16, 256], strides = [1, 1]} : vector<256x256xf32> to vector<16x256xf32>
    %slice3A_1253 = vector.extract_strided_slice %reshape3A_1238 {offsets = [239, 0], sizes = [16, 256], strides = [1, 1]} : vector<256x256xf32> to vector<16x256xf32>
    %concatenate3A_1254 = tpu.concatenate %slice3A_1239, %slice3A_1240, %slice3A_1241, %slice3A_1242, %slice3A_1243, %slice3A_1244, %slice3A_1245, %slice3A_1246, %slice3A_1247, %slice3A_1248, %slice3A_1249, %slice3A_1250, %slice3A_1251, %slice3A_1252, %slice3A_1253 in 0 : vector<16x256xf32>, vector<16x256xf32>, vector<16x256xf32>, vector<16x256xf32>, vector<16x256xf32>, vector<16x256xf32>, vector<16x256xf32>, vector<16x256xf32>, vector<16x256xf32>, vector<16x256xf32>, vector<16x256xf32>, vector<16x256xf32>, vector<16x256xf32>, vector<16x256xf32>, vector<16x256xf32> -> vector<240x256xf32>
    %swap3A_1255 = arith.constant 30 : index
    %swap3A_1256 = arith.constant 0 : index
    %swap3A_1257 = arith.constant 0 : index
    %swap3A_1258 = vector.load %arg5[%swap3A_1255, %swap3A_1256, %swap3A_1257] : memref<51x240x256xf32, #tpu.memory_space<vmem>>, vector<1x240x256xf32>
    %swap3A_1259 = vector.shape_cast %swap3A_1258 : vector<1x240x256xf32> to vector<240x256xf32>
    %swap3A_1260 = vector.shape_cast %concatenate3A_1254 : vector<240x256xf32> to vector<1x240x256xf32>
    tpu.vector_store %arg5[%swap3A_1255, %swap3A_1256, %swap3A_1257], %swap3A_1260 {strides = array<i32>} : memref<51x240x256xf32, #tpu.memory_space<vmem>>, vector<1x240x256xf32>,
    %slice3A_1261 = vector.extract_strided_slice %stack3A_314 {offsets = [0, 11, 0], sizes = [16, 1, 256], strides = [1, 1, 1]} : vector<16x16x256xf32> to vector<16x1x256xf32>
    %squeeze3A_1262 = vector.shape_cast %slice3A_1261 : vector<16x1x256xf32> to vector<16x256xf32>
    %broadcast_in_dim3A_1263 = vector.shape_cast %squeeze3A_1262 : vector<16x256xf32> to vector<1x16x256xf32>
    %broadcast_in_dim3A_1264 = vector.shape_cast %broadcast_in_dim3A_1263 : vector<1x16x256xf32> to vector<1x16x256xf32>
    %broadcast_in_dim3A_1265 = vector.broadcast %broadcast_in_dim3A_1264 : vector<1x16x256xf32> to vector<16x16x256xf32>
    %reshape3A_1266 = vector.shape_cast %broadcast_in_dim3A_1265 : vector<16x16x256xf32> to vector<256x256xf32>
    %slice3A_1267 = vector.extract_strided_slice %reshape3A_1266 {offsets = [1, 0], sizes = [16, 256], strides = [1, 1]} : vector<256x256xf32> to vector<16x256xf32>
    %slice3A_1268 = vector.extract_strided_slice %reshape3A_1266 {offsets = [18, 0], sizes = [16, 256], strides = [1, 1]} : vector<256x256xf32> to vector<16x256xf32>
    %slice3A_1269 = vector.extract_strided_slice %reshape3A_1266 {offsets = [35, 0], sizes = [16, 256], strides = [1, 1]} : vector<256x256xf32> to vector<16x256xf32>
    %slice3A_1270 = vector.extract_strided_slice %reshape3A_1266 {offsets = [52, 0], sizes = [16, 256], strides = [1, 1]} : vector<256x256xf32> to vector<16x256xf32>
    %slice3A_1271 = vector.extract_strided_slice %reshape3A_1266 {offsets = [69, 0], sizes = [16, 256], strides = [1, 1]} : vector<256x256xf32> to vector<16x256xf32>
    %slice3A_1272 = vector.extract_strided_slice %reshape3A_1266 {offsets = [86, 0], sizes = [16, 256], strides = [1, 1]} : vector<256x256xf32> to vector<16x256xf32>
    %slice3A_1273 = vector.extract_strided_slice %reshape3A_1266 {offsets = [103, 0], sizes = [16, 256], strides = [1, 1]} : vector<256x256xf32> to vector<16x256xf32>
    %slice3A_1274 = vector.extract_strided_slice %reshape3A_1266 {offsets = [120, 0], sizes = [16, 256], strides = [1, 1]} : vector<256x256xf32> to vector<16x256xf32>
    %slice3A_1275 = vector.extract_strided_slice %reshape3A_1266 {offsets = [137, 0], sizes = [16, 256], strides = [1, 1]} : vector<256x256xf32> to vector<16x256xf32>
    %slice3A_1276 = vector.extract_strided_slice %reshape3A_1266 {offsets = [154, 0], sizes = [16, 256], strides = [1, 1]} : vector<256x256xf32> to vector<16x256xf32>
    %slice3A_1277 = vector.extract_strided_slice %reshape3A_1266 {offsets = [171, 0], sizes = [16, 256], strides = [1, 1]} : vector<256x256xf32> to vector<16x256xf32>
    %slice3A_1278 = vector.extract_strided_slice %reshape3A_1266 {offsets = [188, 0], sizes = [16, 256], strides = [1, 1]} : vector<256x256xf32> to vector<16x256xf32>
    %slice3A_1279 = vector.extract_strided_slice %reshape3A_1266 {offsets = [205, 0], sizes = [16, 256], strides = [1, 1]} : vector<256x256xf32> to vector<16x256xf32>
    %slice3A_1280 = vector.extract_strided_slice %reshape3A_1266 {offsets = [222, 0], sizes = [16, 256], strides = [1, 1]} : vector<256x256xf32> to vector<16x256xf32>
    %slice3A_1281 = vector.extract_strided_slice %reshape3A_1266 {offsets = [239, 0], sizes = [16, 256], strides = [1, 1]} : vector<256x256xf32> to vector<16x256xf32>
    %concatenate3A_1282 = tpu.concatenate %slice3A_1267, %slice3A_1268, %slice3A_1269, %slice3A_1270, %slice3A_1271, %slice3A_1272, %slice3A_1273, %slice3A_1274, %slice3A_1275, %slice3A_1276, %slice3A_1277, %slice3A_1278, %slice3A_1279, %slice3A_1280, %slice3A_1281 in 0 : vector<16x256xf32>, vector<16x256xf32>, vector<16x256xf32>, vector<16x256xf32>, vector<16x256xf32>, vector<16x256xf32>, vector<16x256xf32>, vector<16x256xf32>, vector<16x256xf32>, vector<16x256xf32>, vector<16x256xf32>, vector<16x256xf32>, vector<16x256xf32>, vector<16x256xf32>, vector<16x256xf32> -> vector<240x256xf32>
    %swap3A_1283 = arith.constant 46 : index
    %swap3A_1284 = arith.constant 0 : index
    %swap3A_1285 = arith.constant 0 : index
    %swap3A_1286 = vector.load %arg5[%swap3A_1283, %swap3A_1284, %swap3A_1285] : memref<51x240x256xf32, #tpu.memory_space<vmem>>, vector<1x240x256xf32>
    %swap3A_1287 = vector.shape_cast %swap3A_1286 : vector<1x240x256xf32> to vector<240x256xf32>
    %swap3A_1288 = vector.shape_cast %concatenate3A_1282 : vector<240x256xf32> to vector<1x240x256xf32>
    tpu.vector_store %arg5[%swap3A_1283, %swap3A_1284, %swap3A_1285], %swap3A_1288 {strides = array<i32>} : memref<51x240x256xf32, #tpu.memory_space<vmem>>, vector<1x240x256xf32>,
    %slice3A_1289 = vector.extract_strided_slice %add3A_324 {offsets = [12, 0], sizes = [1, 256], strides = [1, 1]} : vector<16x256xf32> to vector<1x256xf32>
    %broadcast_in_dim3A_1290 = vector.shape_cast %slice3A_1289 : vector<1x256xf32> to vector<1x256xf32>
    %broadcast_in_dim3A_1291 = vector.broadcast %broadcast_in_dim3A_1290 : vector<1x256xf32> to vector<240x256xf32>
    %swap3A_1292 = arith.constant 15 : index
    %swap3A_1293 = arith.constant 0 : index
    %swap3A_1294 = arith.constant 0 : index
    %swap3A_1295 = vector.load %arg5[%swap3A_1292, %swap3A_1293, %swap3A_1294] : memref<51x240x256xf32, #tpu.memory_space<vmem>>, vector<1x240x256xf32>
    %swap3A_1296 = vector.shape_cast %swap3A_1295 : vector<1x240x256xf32> to vector<240x256xf32>
    %swap3A_1297 = vector.shape_cast %broadcast_in_dim3A_1291 : vector<240x256xf32> to vector<1x240x256xf32>
    tpu.vector_store %arg5[%swap3A_1292, %swap3A_1293, %swap3A_1294], %swap3A_1297 {strides = array<i32>} : memref<51x240x256xf32, #tpu.memory_space<vmem>>, vector<1x240x256xf32>,
    %slice3A_1298 = vector.extract_strided_slice %stack3A_314 {offsets = [0, 12, 0], sizes = [16, 1, 256], strides = [1, 1, 1]} : vector<16x16x256xf32> to vector<16x1x256xf32>
    %squeeze3A_1299 = vector.shape_cast %slice3A_1298 : vector<16x1x256xf32> to vector<16x256xf32>
    %broadcast_in_dim3A_1300 = vector.shape_cast %squeeze3A_1299 : vector<16x256xf32> to vector<16x1x256xf32>
    %broadcast_in_dim3A_1301 = vector.shape_cast %broadcast_in_dim3A_1300 : vector<16x1x256xf32> to vector<16x1x256xf32>
    %broadcast_in_dim3A_1302 = vector.broadcast %broadcast_in_dim3A_1301 : vector<16x1x256xf32> to vector<16x16x256xf32>
    %reshape3A_1303 = vector.shape_cast %broadcast_in_dim3A_1302 : vector<16x16x256xf32> to vector<256x256xf32>
    %slice3A_1304 = vector.extract_strided_slice %reshape3A_1303 {offsets = [1, 0], sizes = [16, 256], strides = [1, 1]} : vector<256x256xf32> to vector<16x256xf32>
    %slice3A_1305 = vector.extract_strided_slice %reshape3A_1303 {offsets = [18, 0], sizes = [16, 256], strides = [1, 1]} : vector<256x256xf32> to vector<16x256xf32>
    %slice3A_1306 = vector.extract_strided_slice %reshape3A_1303 {offsets = [35, 0], sizes = [16, 256], strides = [1, 1]} : vector<256x256xf32> to vector<16x256xf32>
    %slice3A_1307 = vector.extract_strided_slice %reshape3A_1303 {offsets = [52, 0], sizes = [16, 256], strides = [1, 1]} : vector<256x256xf32> to vector<16x256xf32>
    %slice3A_1308 = vector.extract_strided_slice %reshape3A_1303 {offsets = [69, 0], sizes = [16, 256], strides = [1, 1]} : vector<256x256xf32> to vector<16x256xf32>
    %slice3A_1309 = vector.extract_strided_slice %reshape3A_1303 {offsets = [86, 0], sizes = [16, 256], strides = [1, 1]} : vector<256x256xf32> to vector<16x256xf32>
    %slice3A_1310 = vector.extract_strided_slice %reshape3A_1303 {offsets = [103, 0], sizes = [16, 256], strides = [1, 1]} : vector<256x256xf32> to vector<16x256xf32>
    %slice3A_1311 = vector.extract_strided_slice %reshape3A_1303 {offsets = [120, 0], sizes = [16, 256], strides = [1, 1]} : vector<256x256xf32> to vector<16x256xf32>
    %slice3A_1312 = vector.extract_strided_slice %reshape3A_1303 {offsets = [137, 0], sizes = [16, 256], strides = [1, 1]} : vector<256x256xf32> to vector<16x256xf32>
    %slice3A_1313 = vector.extract_strided_slice %reshape3A_1303 {offsets = [154, 0], sizes = [16, 256], strides = [1, 1]} : vector<256x256xf32> to vector<16x256xf32>
    %slice3A_1314 = vector.extract_strided_slice %reshape3A_1303 {offsets = [171, 0], sizes = [16, 256], strides = [1, 1]} : vector<256x256xf32> to vector<16x256xf32>
    %slice3A_1315 = vector.extract_strided_slice %reshape3A_1303 {offsets = [188, 0], sizes = [16, 256], strides = [1, 1]} : vector<256x256xf32> to vector<16x256xf32>
    %slice3A_1316 = vector.extract_strided_slice %reshape3A_1303 {offsets = [205, 0], sizes = [16, 256], strides = [1, 1]} : vector<256x256xf32> to vector<16x256xf32>
    %slice3A_1317 = vector.extract_strided_slice %reshape3A_1303 {offsets = [222, 0], sizes = [16, 256], strides = [1, 1]} : vector<256x256xf32> to vector<16x256xf32>
    %slice3A_1318 = vector.extract_strided_slice %reshape3A_1303 {offsets = [239, 0], sizes = [16, 256], strides = [1, 1]} : vector<256x256xf32> to vector<16x256xf32>
    %concatenate3A_1319 = tpu.concatenate %slice3A_1304, %slice3A_1305, %slice3A_1306, %slice3A_1307, %slice3A_1308, %slice3A_1309, %slice3A_1310, %slice3A_1311, %slice3A_1312, %slice3A_1313, %slice3A_1314, %slice3A_1315, %slice3A_1316, %slice3A_1317, %slice3A_1318 in 0 : vector<16x256xf32>, vector<16x256xf32>, vector<16x256xf32>, vector<16x256xf32>, vector<16x256xf32>, vector<16x256xf32>, vector<16x256xf32>, vector<16x256xf32>, vector<16x256xf32>, vector<16x256xf32>, vector<16x256xf32>, vector<16x256xf32>, vector<16x256xf32>, vector<16x256xf32>, vector<16x256xf32> -> vector<240x256xf32>
    %swap3A_1320 = arith.constant 31 : index
    %swap3A_1321 = arith.constant 0 : index
    %swap3A_1322 = arith.constant 0 : index
    %swap3A_1323 = vector.load %arg5[%swap3A_1320, %swap3A_1321, %swap3A_1322] : memref<51x240x256xf32, #tpu.memory_space<vmem>>, vector<1x240x256xf32>
    %swap3A_1324 = vector.shape_cast %swap3A_1323 : vector<1x240x256xf32> to vector<240x256xf32>
    %swap3A_1325 = vector.shape_cast %concatenate3A_1319 : vector<240x256xf32> to vector<1x240x256xf32>
    tpu.vector_store %arg5[%swap3A_1320, %swap3A_1321, %swap3A_1322], %swap3A_1325 {strides = array<i32>} : memref<51x240x256xf32, #tpu.memory_space<vmem>>, vector<1x240x256xf32>,
    %slice3A_1326 = vector.extract_strided_slice %stack3A_314 {offsets = [0, 12, 0], sizes = [16, 1, 256], strides = [1, 1, 1]} : vector<16x16x256xf32> to vector<16x1x256xf32>
    %squeeze3A_1327 = vector.shape_cast %slice3A_1326 : vector<16x1x256xf32> to vector<16x256xf32>
    %broadcast_in_dim3A_1328 = vector.shape_cast %squeeze3A_1327 : vector<16x256xf32> to vector<1x16x256xf32>
    %broadcast_in_dim3A_1329 = vector.shape_cast %broadcast_in_dim3A_1328 : vector<1x16x256xf32> to vector<1x16x256xf32>
    %broadcast_in_dim3A_1330 = vector.broadcast %broadcast_in_dim3A_1329 : vector<1x16x256xf32> to vector<16x16x256xf32>
    %reshape3A_1331 = vector.shape_cast %broadcast_in_dim3A_1330 : vector<16x16x256xf32> to vector<256x256xf32>
    %slice3A_1332 = vector.extract_strided_slice %reshape3A_1331 {offsets = [1, 0], sizes = [16, 256], strides = [1, 1]} : vector<256x256xf32> to vector<16x256xf32>
    %slice3A_1333 = vector.extract_strided_slice %reshape3A_1331 {offsets = [18, 0], sizes = [16, 256], strides = [1, 1]} : vector<256x256xf32> to vector<16x256xf32>
    %slice3A_1334 = vector.extract_strided_slice %reshape3A_1331 {offsets = [35, 0], sizes = [16, 256], strides = [1, 1]} : vector<256x256xf32> to vector<16x256xf32>
    %slice3A_1335 = vector.extract_strided_slice %reshape3A_1331 {offsets = [52, 0], sizes = [16, 256], strides = [1, 1]} : vector<256x256xf32> to vector<16x256xf32>
    %slice3A_1336 = vector.extract_strided_slice %reshape3A_1331 {offsets = [69, 0], sizes = [16, 256], strides = [1, 1]} : vector<256x256xf32> to vector<16x256xf32>
    %slice3A_1337 = vector.extract_strided_slice %reshape3A_1331 {offsets = [86, 0], sizes = [16, 256], strides = [1, 1]} : vector<256x256xf32> to vector<16x256xf32>
    %slice3A_1338 = vector.extract_strided_slice %reshape3A_1331 {offsets = [103, 0], sizes = [16, 256], strides = [1, 1]} : vector<256x256xf32> to vector<16x256xf32>
    %slice3A_1339 = vector.extract_strided_slice %reshape3A_1331 {offsets = [120, 0], sizes = [16, 256], strides = [1, 1]} : vector<256x256xf32> to vector<16x256xf32>
    %slice3A_1340 = vector.extract_strided_slice %reshape3A_1331 {offsets = [137, 0], sizes = [16, 256], strides = [1, 1]} : vector<256x256xf32> to vector<16x256xf32>
    %slice3A_1341 = vector.extract_strided_slice %reshape3A_1331 {offsets = [154, 0], sizes = [16, 256], strides = [1, 1]} : vector<256x256xf32> to vector<16x256xf32>
    %slice3A_1342 = vector.extract_strided_slice %reshape3A_1331 {offsets = [171, 0], sizes = [16, 256], strides = [1, 1]} : vector<256x256xf32> to vector<16x256xf32>
    %slice3A_1343 = vector.extract_strided_slice %reshape3A_1331 {offsets = [188, 0], sizes = [16, 256], strides = [1, 1]} : vector<256x256xf32> to vector<16x256xf32>
    %slice3A_1344 = vector.extract_strided_slice %reshape3A_1331 {offsets = [205, 0], sizes = [16, 256], strides = [1, 1]} : vector<256x256xf32> to vector<16x256xf32>
    %slice3A_1345 = vector.extract_strided_slice %reshape3A_1331 {offsets = [222, 0], sizes = [16, 256], strides = [1, 1]} : vector<256x256xf32> to vector<16x256xf32>
    %slice3A_1346 = vector.extract_strided_slice %reshape3A_1331 {offsets = [239, 0], sizes = [16, 256], strides = [1, 1]} : vector<256x256xf32> to vector<16x256xf32>
    %concatenate3A_1347 = tpu.concatenate %slice3A_1332, %slice3A_1333, %slice3A_1334, %slice3A_1335, %slice3A_1336, %slice3A_1337, %slice3A_1338, %slice3A_1339, %slice3A_1340, %slice3A_1341, %slice3A_1342, %slice3A_1343, %slice3A_1344, %slice3A_1345, %slice3A_1346 in 0 : vector<16x256xf32>, vector<16x256xf32>, vector<16x256xf32>, vector<16x256xf32>, vector<16x256xf32>, vector<16x256xf32>, vector<16x256xf32>, vector<16x256xf32>, vector<16x256xf32>, vector<16x256xf32>, vector<16x256xf32>, vector<16x256xf32>, vector<16x256xf32>, vector<16x256xf32>, vector<16x256xf32> -> vector<240x256xf32>
    %swap3A_1348 = arith.constant 47 : index
    %swap3A_1349 = arith.constant 0 : index
    %swap3A_1350 = arith.constant 0 : index
    %swap3A_1351 = vector.load %arg5[%swap3A_1348, %swap3A_1349, %swap3A_1350] : memref<51x240x256xf32, #tpu.memory_space<vmem>>, vector<1x240x256xf32>
    %swap3A_1352 = vector.shape_cast %swap3A_1351 : vector<1x240x256xf32> to vector<240x256xf32>
    %swap3A_1353 = vector.shape_cast %concatenate3A_1347 : vector<240x256xf32> to vector<1x240x256xf32>
    tpu.vector_store %arg5[%swap3A_1348, %swap3A_1349, %swap3A_1350], %swap3A_1353 {strides = array<i32>} : memref<51x240x256xf32, #tpu.memory_space<vmem>>, vector<1x240x256xf32>,
    %slice3A_1354 = vector.extract_strided_slice %add3A_324 {offsets = [13, 0], sizes = [1, 256], strides = [1, 1]} : vector<16x256xf32> to vector<1x256xf32>
    %broadcast_in_dim3A_1355 = vector.shape_cast %slice3A_1354 : vector<1x256xf32> to vector<1x256xf32>
    %broadcast_in_dim3A_1356 = vector.broadcast %broadcast_in_dim3A_1355 : vector<1x256xf32> to vector<240x256xf32>
    %swap3A_1357 = arith.constant 16 : index
    %swap3A_1358 = arith.constant 0 : index
    %swap3A_1359 = arith.constant 0 : index
    %swap3A_1360 = vector.load %arg5[%swap3A_1357, %swap3A_1358, %swap3A_1359] : memref<51x240x256xf32, #tpu.memory_space<vmem>>, vector<1x240x256xf32>
    %swap3A_1361 = vector.shape_cast %swap3A_1360 : vector<1x240x256xf32> to vector<240x256xf32>
    %swap3A_1362 = vector.shape_cast %broadcast_in_dim3A_1356 : vector<240x256xf32> to vector<1x240x256xf32>
    tpu.vector_store %arg5[%swap3A_1357, %swap3A_1358, %swap3A_1359], %swap3A_1362 {strides = array<i32>} : memref<51x240x256xf32, #tpu.memory_space<vmem>>, vector<1x240x256xf32>,
    %slice3A_1363 = vector.extract_strided_slice %stack3A_314 {offsets = [0, 13, 0], sizes = [16, 1, 256], strides = [1, 1, 1]} : vector<16x16x256xf32> to vector<16x1x256xf32>
    %squeeze3A_1364 = vector.shape_cast %slice3A_1363 : vector<16x1x256xf32> to vector<16x256xf32>
    %broadcast_in_dim3A_1365 = vector.shape_cast %squeeze3A_1364 : vector<16x256xf32> to vector<16x1x256xf32>
    %broadcast_in_dim3A_1366 = vector.shape_cast %broadcast_in_dim3A_1365 : vector<16x1x256xf32> to vector<16x1x256xf32>
    %broadcast_in_dim3A_1367 = vector.broadcast %broadcast_in_dim3A_1366 : vector<16x1x256xf32> to vector<16x16x256xf32>
    %reshape3A_1368 = vector.shape_cast %broadcast_in_dim3A_1367 : vector<16x16x256xf32> to vector<256x256xf32>
    %slice3A_1369 = vector.extract_strided_slice %reshape3A_1368 {offsets = [1, 0], sizes = [16, 256], strides = [1, 1]} : vector<256x256xf32> to vector<16x256xf32>
    %slice3A_1370 = vector.extract_strided_slice %reshape3A_1368 {offsets = [18, 0], sizes = [16, 256], strides = [1, 1]} : vector<256x256xf32> to vector<16x256xf32>
    %slice3A_1371 = vector.extract_strided_slice %reshape3A_1368 {offsets = [35, 0], sizes = [16, 256], strides = [1, 1]} : vector<256x256xf32> to vector<16x256xf32>
    %slice3A_1372 = vector.extract_strided_slice %reshape3A_1368 {offsets = [52, 0], sizes = [16, 256], strides = [1, 1]} : vector<256x256xf32> to vector<16x256xf32>
    %slice3A_1373 = vector.extract_strided_slice %reshape3A_1368 {offsets = [69, 0], sizes = [16, 256], strides = [1, 1]} : vector<256x256xf32> to vector<16x256xf32>
    %slice3A_1374 = vector.extract_strided_slice %reshape3A_1368 {offsets = [86, 0], sizes = [16, 256], strides = [1, 1]} : vector<256x256xf32> to vector<16x256xf32>
    %slice3A_1375 = vector.extract_strided_slice %reshape3A_1368 {offsets = [103, 0], sizes = [16, 256], strides = [1, 1]} : vector<256x256xf32> to vector<16x256xf32>
    %slice3A_1376 = vector.extract_strided_slice %reshape3A_1368 {offsets = [120, 0], sizes = [16, 256], strides = [1, 1]} : vector<256x256xf32> to vector<16x256xf32>
    %slice3A_1377 = vector.extract_strided_slice %reshape3A_1368 {offsets = [137, 0], sizes = [16, 256], strides = [1, 1]} : vector<256x256xf32> to vector<16x256xf32>
    %slice3A_1378 = vector.extract_strided_slice %reshape3A_1368 {offsets = [154, 0], sizes = [16, 256], strides = [1, 1]} : vector<256x256xf32> to vector<16x256xf32>
    %slice3A_1379 = vector.extract_strided_slice %reshape3A_1368 {offsets = [171, 0], sizes = [16, 256], strides = [1, 1]} : vector<256x256xf32> to vector<16x256xf32>
    %slice3A_1380 = vector.extract_strided_slice %reshape3A_1368 {offsets = [188, 0], sizes = [16, 256], strides = [1, 1]} : vector<256x256xf32> to vector<16x256xf32>
    %slice3A_1381 = vector.extract_strided_slice %reshape3A_1368 {offsets = [205, 0], sizes = [16, 256], strides = [1, 1]} : vector<256x256xf32> to vector<16x256xf32>
    %slice3A_1382 = vector.extract_strided_slice %reshape3A_1368 {offsets = [222, 0], sizes = [16, 256], strides = [1, 1]} : vector<256x256xf32> to vector<16x256xf32>
    %slice3A_1383 = vector.extract_strided_slice %reshape3A_1368 {offsets = [239, 0], sizes = [16, 256], strides = [1, 1]} : vector<256x256xf32> to vector<16x256xf32>
    %concatenate3A_1384 = tpu.concatenate %slice3A_1369, %slice3A_1370, %slice3A_1371, %slice3A_1372, %slice3A_1373, %slice3A_1374, %slice3A_1375, %slice3A_1376, %slice3A_1377, %slice3A_1378, %slice3A_1379, %slice3A_1380, %slice3A_1381, %slice3A_1382, %slice3A_1383 in 0 : vector<16x256xf32>, vector<16x256xf32>, vector<16x256xf32>, vector<16x256xf32>, vector<16x256xf32>, vector<16x256xf32>, vector<16x256xf32>, vector<16x256xf32>, vector<16x256xf32>, vector<16x256xf32>, vector<16x256xf32>, vector<16x256xf32>, vector<16x256xf32>, vector<16x256xf32>, vector<16x256xf32> -> vector<240x256xf32>
    %swap3A_1385 = arith.constant 32 : index
    %swap3A_1386 = arith.constant 0 : index
    %swap3A_1387 = arith.constant 0 : index
    %swap3A_1388 = vector.load %arg5[%swap3A_1385, %swap3A_1386, %swap3A_1387] : memref<51x240x256xf32, #tpu.memory_space<vmem>>, vector<1x240x256xf32>
    %swap3A_1389 = vector.shape_cast %swap3A_1388 : vector<1x240x256xf32> to vector<240x256xf32>
    %swap3A_1390 = vector.shape_cast %concatenate3A_1384 : vector<240x256xf32> to vector<1x240x256xf32>
    tpu.vector_store %arg5[%swap3A_1385, %swap3A_1386, %swap3A_1387], %swap3A_1390 {strides = array<i32>} : memref<51x240x256xf32, #tpu.memory_space<vmem>>, vector<1x240x256xf32>,
    %slice3A_1391 = vector.extract_strided_slice %stack3A_314 {offsets = [0, 13, 0], sizes = [16, 1, 256], strides = [1, 1, 1]} : vector<16x16x256xf32> to vector<16x1x256xf32>
    %squeeze3A_1392 = vector.shape_cast %slice3A_1391 : vector<16x1x256xf32> to vector<16x256xf32>
    %broadcast_in_dim3A_1393 = vector.shape_cast %squeeze3A_1392 : vector<16x256xf32> to vector<1x16x256xf32>
    %broadcast_in_dim3A_1394 = vector.shape_cast %broadcast_in_dim3A_1393 : vector<1x16x256xf32> to vector<1x16x256xf32>
    %broadcast_in_dim3A_1395 = vector.broadcast %broadcast_in_dim3A_1394 : vector<1x16x256xf32> to vector<16x16x256xf32>
    %reshape3A_1396 = vector.shape_cast %broadcast_in_dim3A_1395 : vector<16x16x256xf32> to vector<256x256xf32>
    %slice3A_1397 = vector.extract_strided_slice %reshape3A_1396 {offsets = [1, 0], sizes = [16, 256], strides = [1, 1]} : vector<256x256xf32> to vector<16x256xf32>
    %slice3A_1398 = vector.extract_strided_slice %reshape3A_1396 {offsets = [18, 0], sizes = [16, 256], strides = [1, 1]} : vector<256x256xf32> to vector<16x256xf32>
    %slice3A_1399 = vector.extract_strided_slice %reshape3A_1396 {offsets = [35, 0], sizes = [16, 256], strides = [1, 1]} : vector<256x256xf32> to vector<16x256xf32>
    %slice3A_1400 = vector.extract_strided_slice %reshape3A_1396 {offsets = [52, 0], sizes = [16, 256], strides = [1, 1]} : vector<256x256xf32> to vector<16x256xf32>
    %slice3A_1401 = vector.extract_strided_slice %reshape3A_1396 {offsets = [69, 0], sizes = [16, 256], strides = [1, 1]} : vector<256x256xf32> to vector<16x256xf32>
    %slice3A_1402 = vector.extract_strided_slice %reshape3A_1396 {offsets = [86, 0], sizes = [16, 256], strides = [1, 1]} : vector<256x256xf32> to vector<16x256xf32>
    %slice3A_1403 = vector.extract_strided_slice %reshape3A_1396 {offsets = [103, 0], sizes = [16, 256], strides = [1, 1]} : vector<256x256xf32> to vector<16x256xf32>
    %slice3A_1404 = vector.extract_strided_slice %reshape3A_1396 {offsets = [120, 0], sizes = [16, 256], strides = [1, 1]} : vector<256x256xf32> to vector<16x256xf32>
    %slice3A_1405 = vector.extract_strided_slice %reshape3A_1396 {offsets = [137, 0], sizes = [16, 256], strides = [1, 1]} : vector<256x256xf32> to vector<16x256xf32>
    %slice3A_1406 = vector.extract_strided_slice %reshape3A_1396 {offsets = [154, 0], sizes = [16, 256], strides = [1, 1]} : vector<256x256xf32> to vector<16x256xf32>
    %slice3A_1407 = vector.extract_strided_slice %reshape3A_1396 {offsets = [171, 0], sizes = [16, 256], strides = [1, 1]} : vector<256x256xf32> to vector<16x256xf32>
    %slice3A_1408 = vector.extract_strided_slice %reshape3A_1396 {offsets = [188, 0], sizes = [16, 256], strides = [1, 1]} : vector<256x256xf32> to vector<16x256xf32>
    %slice3A_1409 = vector.extract_strided_slice %reshape3A_1396 {offsets = [205, 0], sizes = [16, 256], strides = [1, 1]} : vector<256x256xf32> to vector<16x256xf32>
    %slice3A_1410 = vector.extract_strided_slice %reshape3A_1396 {offsets = [222, 0], sizes = [16, 256], strides = [1, 1]} : vector<256x256xf32> to vector<16x256xf32>
    %slice3A_1411 = vector.extract_strided_slice %reshape3A_1396 {offsets = [239, 0], sizes = [16, 256], strides = [1, 1]} : vector<256x256xf32> to vector<16x256xf32>
    %concatenate3A_1412 = tpu.concatenate %slice3A_1397, %slice3A_1398, %slice3A_1399, %slice3A_1400, %slice3A_1401, %slice3A_1402, %slice3A_1403, %slice3A_1404, %slice3A_1405, %slice3A_1406, %slice3A_1407, %slice3A_1408, %slice3A_1409, %slice3A_1410, %slice3A_1411 in 0 : vector<16x256xf32>, vector<16x256xf32>, vector<16x256xf32>, vector<16x256xf32>, vector<16x256xf32>, vector<16x256xf32>, vector<16x256xf32>, vector<16x256xf32>, vector<16x256xf32>, vector<16x256xf32>, vector<16x256xf32>, vector<16x256xf32>, vector<16x256xf32>, vector<16x256xf32>, vector<16x256xf32> -> vector<240x256xf32>
    %swap3A_1413 = arith.constant 48 : index
    %swap3A_1414 = arith.constant 0 : index
    %swap3A_1415 = arith.constant 0 : index
    %swap3A_1416 = vector.load %arg5[%swap3A_1413, %swap3A_1414, %swap3A_1415] : memref<51x240x256xf32, #tpu.memory_space<vmem>>, vector<1x240x256xf32>
    %swap3A_1417 = vector.shape_cast %swap3A_1416 : vector<1x240x256xf32> to vector<240x256xf32>
    %swap3A_1418 = vector.shape_cast %concatenate3A_1412 : vector<240x256xf32> to vector<1x240x256xf32>
    tpu.vector_store %arg5[%swap3A_1413, %swap3A_1414, %swap3A_1415], %swap3A_1418 {strides = array<i32>} : memref<51x240x256xf32, #tpu.memory_space<vmem>>, vector<1x240x256xf32>,
    %slice3A_1419 = vector.extract_strided_slice %add3A_324 {offsets = [14, 0], sizes = [1, 256], strides = [1, 1]} : vector<16x256xf32> to vector<1x256xf32>
    %broadcast_in_dim3A_1420 = vector.shape_cast %slice3A_1419 : vector<1x256xf32> to vector<1x256xf32>
    %broadcast_in_dim3A_1421 = vector.broadcast %broadcast_in_dim3A_1420 : vector<1x256xf32> to vector<240x256xf32>
    %swap3A_1422 = arith.constant 17 : index
    %swap3A_1423 = arith.constant 0 : index
    %swap3A_1424 = arith.constant 0 : index
    %swap3A_1425 = vector.load %arg5[%swap3A_1422, %swap3A_1423, %swap3A_1424] : memref<51x240x256xf32, #tpu.memory_space<vmem>>, vector<1x240x256xf32>
    %swap3A_1426 = vector.shape_cast %swap3A_1425 : vector<1x240x256xf32> to vector<240x256xf32>
    %swap3A_1427 = vector.shape_cast %broadcast_in_dim3A_1421 : vector<240x256xf32> to vector<1x240x256xf32>
    tpu.vector_store %arg5[%swap3A_1422, %swap3A_1423, %swap3A_1424], %swap3A_1427 {strides = array<i32>} : memref<51x240x256xf32, #tpu.memory_space<vmem>>, vector<1x240x256xf32>,
    %slice3A_1428 = vector.extract_strided_slice %stack3A_314 {offsets = [0, 14, 0], sizes = [16, 1, 256], strides = [1, 1, 1]} : vector<16x16x256xf32> to vector<16x1x256xf32>
    %squeeze3A_1429 = vector.shape_cast %slice3A_1428 : vector<16x1x256xf32> to vector<16x256xf32>
    %broadcast_in_dim3A_1430 = vector.shape_cast %squeeze3A_1429 : vector<16x256xf32> to vector<16x1x256xf32>
    %broadcast_in_dim3A_1431 = vector.shape_cast %broadcast_in_dim3A_1430 : vector<16x1x256xf32> to vector<16x1x256xf32>
    %broadcast_in_dim3A_1432 = vector.broadcast %broadcast_in_dim3A_1431 : vector<16x1x256xf32> to vector<16x16x256xf32>
    %reshape3A_1433 = vector.shape_cast %broadcast_in_dim3A_1432 : vector<16x16x256xf32> to vector<256x256xf32>
    %slice3A_1434 = vector.extract_strided_slice %reshape3A_1433 {offsets = [1, 0], sizes = [16, 256], strides = [1, 1]} : vector<256x256xf32> to vector<16x256xf32>
    %slice3A_1435 = vector.extract_strided_slice %reshape3A_1433 {offsets = [18, 0], sizes = [16, 256], strides = [1, 1]} : vector<256x256xf32> to vector<16x256xf32>
    %slice3A_1436 = vector.extract_strided_slice %reshape3A_1433 {offsets = [35, 0], sizes = [16, 256], strides = [1, 1]} : vector<256x256xf32> to vector<16x256xf32>
    %slice3A_1437 = vector.extract_strided_slice %reshape3A_1433 {offsets = [52, 0], sizes = [16, 256], strides = [1, 1]} : vector<256x256xf32> to vector<16x256xf32>
    %slice3A_1438 = vector.extract_strided_slice %reshape3A_1433 {offsets = [69, 0], sizes = [16, 256], strides = [1, 1]} : vector<256x256xf32> to vector<16x256xf32>
    %slice3A_1439 = vector.extract_strided_slice %reshape3A_1433 {offsets = [86, 0], sizes = [16, 256], strides = [1, 1]} : vector<256x256xf32> to vector<16x256xf32>
    %slice3A_1440 = vector.extract_strided_slice %reshape3A_1433 {offsets = [103, 0], sizes = [16, 256], strides = [1, 1]} : vector<256x256xf32> to vector<16x256xf32>
    %slice3A_1441 = vector.extract_strided_slice %reshape3A_1433 {offsets = [120, 0], sizes = [16, 256], strides = [1, 1]} : vector<256x256xf32> to vector<16x256xf32>
    %slice3A_1442 = vector.extract_strided_slice %reshape3A_1433 {offsets = [137, 0], sizes = [16, 256], strides = [1, 1]} : vector<256x256xf32> to vector<16x256xf32>
    %slice3A_1443 = vector.extract_strided_slice %reshape3A_1433 {offsets = [154, 0], sizes = [16, 256], strides = [1, 1]} : vector<256x256xf32> to vector<16x256xf32>
    %slice3A_1444 = vector.extract_strided_slice %reshape3A_1433 {offsets = [171, 0], sizes = [16, 256], strides = [1, 1]} : vector<256x256xf32> to vector<16x256xf32>
    %slice3A_1445 = vector.extract_strided_slice %reshape3A_1433 {offsets = [188, 0], sizes = [16, 256], strides = [1, 1]} : vector<256x256xf32> to vector<16x256xf32>
    %slice3A_1446 = vector.extract_strided_slice %reshape3A_1433 {offsets = [205, 0], sizes = [16, 256], strides = [1, 1]} : vector<256x256xf32> to vector<16x256xf32>
    %slice3A_1447 = vector.extract_strided_slice %reshape3A_1433 {offsets = [222, 0], sizes = [16, 256], strides = [1, 1]} : vector<256x256xf32> to vector<16x256xf32>
    %slice3A_1448 = vector.extract_strided_slice %reshape3A_1433 {offsets = [239, 0], sizes = [16, 256], strides = [1, 1]} : vector<256x256xf32> to vector<16x256xf32>
    %concatenate3A_1449 = tpu.concatenate %slice3A_1434, %slice3A_1435, %slice3A_1436, %slice3A_1437, %slice3A_1438, %slice3A_1439, %slice3A_1440, %slice3A_1441, %slice3A_1442, %slice3A_1443, %slice3A_1444, %slice3A_1445, %slice3A_1446, %slice3A_1447, %slice3A_1448 in 0 : vector<16x256xf32>, vector<16x256xf32>, vector<16x256xf32>, vector<16x256xf32>, vector<16x256xf32>, vector<16x256xf32>, vector<16x256xf32>, vector<16x256xf32>, vector<16x256xf32>, vector<16x256xf32>, vector<16x256xf32>, vector<16x256xf32>, vector<16x256xf32>, vector<16x256xf32>, vector<16x256xf32> -> vector<240x256xf32>
    %swap3A_1450 = arith.constant 33 : index
    %swap3A_1451 = arith.constant 0 : index
    %swap3A_1452 = arith.constant 0 : index
    %swap3A_1453 = vector.load %arg5[%swap3A_1450, %swap3A_1451, %swap3A_1452] : memref<51x240x256xf32, #tpu.memory_space<vmem>>, vector<1x240x256xf32>
    %swap3A_1454 = vector.shape_cast %swap3A_1453 : vector<1x240x256xf32> to vector<240x256xf32>
    %swap3A_1455 = vector.shape_cast %concatenate3A_1449 : vector<240x256xf32> to vector<1x240x256xf32>
    tpu.vector_store %arg5[%swap3A_1450, %swap3A_1451, %swap3A_1452], %swap3A_1455 {strides = array<i32>} : memref<51x240x256xf32, #tpu.memory_space<vmem>>, vector<1x240x256xf32>,
    %slice3A_1456 = vector.extract_strided_slice %stack3A_314 {offsets = [0, 14, 0], sizes = [16, 1, 256], strides = [1, 1, 1]} : vector<16x16x256xf32> to vector<16x1x256xf32>
    %squeeze3A_1457 = vector.shape_cast %slice3A_1456 : vector<16x1x256xf32> to vector<16x256xf32>
    %broadcast_in_dim3A_1458 = vector.shape_cast %squeeze3A_1457 : vector<16x256xf32> to vector<1x16x256xf32>
    %broadcast_in_dim3A_1459 = vector.shape_cast %broadcast_in_dim3A_1458 : vector<1x16x256xf32> to vector<1x16x256xf32>
    %broadcast_in_dim3A_1460 = vector.broadcast %broadcast_in_dim3A_1459 : vector<1x16x256xf32> to vector<16x16x256xf32>
    %reshape3A_1461 = vector.shape_cast %broadcast_in_dim3A_1460 : vector<16x16x256xf32> to vector<256x256xf32>
    %slice3A_1462 = vector.extract_strided_slice %reshape3A_1461 {offsets = [1, 0], sizes = [16, 256], strides = [1, 1]} : vector<256x256xf32> to vector<16x256xf32>
    %slice3A_1463 = vector.extract_strided_slice %reshape3A_1461 {offsets = [18, 0], sizes = [16, 256], strides = [1, 1]} : vector<256x256xf32> to vector<16x256xf32>
    %slice3A_1464 = vector.extract_strided_slice %reshape3A_1461 {offsets = [35, 0], sizes = [16, 256], strides = [1, 1]} : vector<256x256xf32> to vector<16x256xf32>
    %slice3A_1465 = vector.extract_strided_slice %reshape3A_1461 {offsets = [52, 0], sizes = [16, 256], strides = [1, 1]} : vector<256x256xf32> to vector<16x256xf32>
    %slice3A_1466 = vector.extract_strided_slice %reshape3A_1461 {offsets = [69, 0], sizes = [16, 256], strides = [1, 1]} : vector<256x256xf32> to vector<16x256xf32>
    %slice3A_1467 = vector.extract_strided_slice %reshape3A_1461 {offsets = [86, 0], sizes = [16, 256], strides = [1, 1]} : vector<256x256xf32> to vector<16x256xf32>
    %slice3A_1468 = vector.extract_strided_slice %reshape3A_1461 {offsets = [103, 0], sizes = [16, 256], strides = [1, 1]} : vector<256x256xf32> to vector<16x256xf32>
    %slice3A_1469 = vector.extract_strided_slice %reshape3A_1461 {offsets = [120, 0], sizes = [16, 256], strides = [1, 1]} : vector<256x256xf32> to vector<16x256xf32>
    %slice3A_1470 = vector.extract_strided_slice %reshape3A_1461 {offsets = [137, 0], sizes = [16, 256], strides = [1, 1]} : vector<256x256xf32> to vector<16x256xf32>
    %slice3A_1471 = vector.extract_strided_slice %reshape3A_1461 {offsets = [154, 0], sizes = [16, 256], strides = [1, 1]} : vector<256x256xf32> to vector<16x256xf32>
    %slice3A_1472 = vector.extract_strided_slice %reshape3A_1461 {offsets = [171, 0], sizes = [16, 256], strides = [1, 1]} : vector<256x256xf32> to vector<16x256xf32>
    %slice3A_1473 = vector.extract_strided_slice %reshape3A_1461 {offsets = [188, 0], sizes = [16, 256], strides = [1, 1]} : vector<256x256xf32> to vector<16x256xf32>
    %slice3A_1474 = vector.extract_strided_slice %reshape3A_1461 {offsets = [205, 0], sizes = [16, 256], strides = [1, 1]} : vector<256x256xf32> to vector<16x256xf32>
    %slice3A_1475 = vector.extract_strided_slice %reshape3A_1461 {offsets = [222, 0], sizes = [16, 256], strides = [1, 1]} : vector<256x256xf32> to vector<16x256xf32>
    %slice3A_1476 = vector.extract_strided_slice %reshape3A_1461 {offsets = [239, 0], sizes = [16, 256], strides = [1, 1]} : vector<256x256xf32> to vector<16x256xf32>
    %concatenate3A_1477 = tpu.concatenate %slice3A_1462, %slice3A_1463, %slice3A_1464, %slice3A_1465, %slice3A_1466, %slice3A_1467, %slice3A_1468, %slice3A_1469, %slice3A_1470, %slice3A_1471, %slice3A_1472, %slice3A_1473, %slice3A_1474, %slice3A_1475, %slice3A_1476 in 0 : vector<16x256xf32>, vector<16x256xf32>, vector<16x256xf32>, vector<16x256xf32>, vector<16x256xf32>, vector<16x256xf32>, vector<16x256xf32>, vector<16x256xf32>, vector<16x256xf32>, vector<16x256xf32>, vector<16x256xf32>, vector<16x256xf32>, vector<16x256xf32>, vector<16x256xf32>, vector<16x256xf32> -> vector<240x256xf32>
    %swap3A_1478 = arith.constant 49 : index
    %swap3A_1479 = arith.constant 0 : index
    %swap3A_1480 = arith.constant 0 : index
    %swap3A_1481 = vector.load %arg5[%swap3A_1478, %swap3A_1479, %swap3A_1480] : memref<51x240x256xf32, #tpu.memory_space<vmem>>, vector<1x240x256xf32>
    %swap3A_1482 = vector.shape_cast %swap3A_1481 : vector<1x240x256xf32> to vector<240x256xf32>
    %swap3A_1483 = vector.shape_cast %concatenate3A_1477 : vector<240x256xf32> to vector<1x240x256xf32>
    tpu.vector_store %arg5[%swap3A_1478, %swap3A_1479, %swap3A_1480], %swap3A_1483 {strides = array<i32>} : memref<51x240x256xf32, #tpu.memory_space<vmem>>, vector<1x240x256xf32>,
    %slice3A_1484 = vector.extract_strided_slice %add3A_324 {offsets = [15, 0], sizes = [1, 256], strides = [1, 1]} : vector<16x256xf32> to vector<1x256xf32>
    %broadcast_in_dim3A_1485 = vector.shape_cast %slice3A_1484 : vector<1x256xf32> to vector<1x256xf32>
    %broadcast_in_dim3A_1486 = vector.broadcast %broadcast_in_dim3A_1485 : vector<1x256xf32> to vector<240x256xf32>
    %swap3A_1487 = arith.constant 18 : index
    %swap3A_1488 = arith.constant 0 : index
    %swap3A_1489 = arith.constant 0 : index
    %swap3A_1490 = vector.load %arg5[%swap3A_1487, %swap3A_1488, %swap3A_1489] : memref<51x240x256xf32, #tpu.memory_space<vmem>>, vector<1x240x256xf32>
    %swap3A_1491 = vector.shape_cast %swap3A_1490 : vector<1x240x256xf32> to vector<240x256xf32>
    %swap3A_1492 = vector.shape_cast %broadcast_in_dim3A_1486 : vector<240x256xf32> to vector<1x240x256xf32>
    tpu.vector_store %arg5[%swap3A_1487, %swap3A_1488, %swap3A_1489], %swap3A_1492 {strides = array<i32>} : memref<51x240x256xf32, #tpu.memory_space<vmem>>, vector<1x240x256xf32>,
    %slice3A_1493 = vector.extract_strided_slice %stack3A_314 {offsets = [0, 15, 0], sizes = [16, 1, 256], strides = [1, 1, 1]} : vector<16x16x256xf32> to vector<16x1x256xf32>
    %squeeze3A_1494 = vector.shape_cast %slice3A_1493 : vector<16x1x256xf32> to vector<16x256xf32>
    %broadcast_in_dim3A_1495 = vector.shape_cast %squeeze3A_1494 : vector<16x256xf32> to vector<16x1x256xf32>
    %broadcast_in_dim3A_1496 = vector.shape_cast %broadcast_in_dim3A_1495 : vector<16x1x256xf32> to vector<16x1x256xf32>
    %broadcast_in_dim3A_1497 = vector.broadcast %broadcast_in_dim3A_1496 : vector<16x1x256xf32> to vector<16x16x256xf32>
    %reshape3A_1498 = vector.shape_cast %broadcast_in_dim3A_1497 : vector<16x16x256xf32> to vector<256x256xf32>
    %slice3A_1499 = vector.extract_strided_slice %reshape3A_1498 {offsets = [1, 0], sizes = [16, 256], strides = [1, 1]} : vector<256x256xf32> to vector<16x256xf32>
    %slice3A_1500 = vector.extract_strided_slice %reshape3A_1498 {offsets = [18, 0], sizes = [16, 256], strides = [1, 1]} : vector<256x256xf32> to vector<16x256xf32>
    %slice3A_1501 = vector.extract_strided_slice %reshape3A_1498 {offsets = [35, 0], sizes = [16, 256], strides = [1, 1]} : vector<256x256xf32> to vector<16x256xf32>
    %slice3A_1502 = vector.extract_strided_slice %reshape3A_1498 {offsets = [52, 0], sizes = [16, 256], strides = [1, 1]} : vector<256x256xf32> to vector<16x256xf32>
    %slice3A_1503 = vector.extract_strided_slice %reshape3A_1498 {offsets = [69, 0], sizes = [16, 256], strides = [1, 1]} : vector<256x256xf32> to vector<16x256xf32>
    %slice3A_1504 = vector.extract_strided_slice %reshape3A_1498 {offsets = [86, 0], sizes = [16, 256], strides = [1, 1]} : vector<256x256xf32> to vector<16x256xf32>
    %slice3A_1505 = vector.extract_strided_slice %reshape3A_1498 {offsets = [103, 0], sizes = [16, 256], strides = [1, 1]} : vector<256x256xf32> to vector<16x256xf32>
    %slice3A_1506 = vector.extract_strided_slice %reshape3A_1498 {offsets = [120, 0], sizes = [16, 256], strides = [1, 1]} : vector<256x256xf32> to vector<16x256xf32>
    %slice3A_1507 = vector.extract_strided_slice %reshape3A_1498 {offsets = [137, 0], sizes = [16, 256], strides = [1, 1]} : vector<256x256xf32> to vector<16x256xf32>
    %slice3A_1508 = vector.extract_strided_slice %reshape3A_1498 {offsets = [154, 0], sizes = [16, 256], strides = [1, 1]} : vector<256x256xf32> to vector<16x256xf32>
    %slice3A_1509 = vector.extract_strided_slice %reshape3A_1498 {offsets = [171, 0], sizes = [16, 256], strides = [1, 1]} : vector<256x256xf32> to vector<16x256xf32>
    %slice3A_1510 = vector.extract_strided_slice %reshape3A_1498 {offsets = [188, 0], sizes = [16, 256], strides = [1, 1]} : vector<256x256xf32> to vector<16x256xf32>
    %slice3A_1511 = vector.extract_strided_slice %reshape3A_1498 {offsets = [205, 0], sizes = [16, 256], strides = [1, 1]} : vector<256x256xf32> to vector<16x256xf32>
    %slice3A_1512 = vector.extract_strided_slice %reshape3A_1498 {offsets = [222, 0], sizes = [16, 256], strides = [1, 1]} : vector<256x256xf32> to vector<16x256xf32>
    %slice3A_1513 = vector.extract_strided_slice %reshape3A_1498 {offsets = [239, 0], sizes = [16, 256], strides = [1, 1]} : vector<256x256xf32> to vector<16x256xf32>
    %concatenate3A_1514 = tpu.concatenate %slice3A_1499, %slice3A_1500, %slice3A_1501, %slice3A_1502, %slice3A_1503, %slice3A_1504, %slice3A_1505, %slice3A_1506, %slice3A_1507, %slice3A_1508, %slice3A_1509, %slice3A_1510, %slice3A_1511, %slice3A_1512, %slice3A_1513 in 0 : vector<16x256xf32>, vector<16x256xf32>, vector<16x256xf32>, vector<16x256xf32>, vector<16x256xf32>, vector<16x256xf32>, vector<16x256xf32>, vector<16x256xf32>, vector<16x256xf32>, vector<16x256xf32>, vector<16x256xf32>, vector<16x256xf32>, vector<16x256xf32>, vector<16x256xf32>, vector<16x256xf32> -> vector<240x256xf32>
    %swap3A_1515 = arith.constant 34 : index
    %swap3A_1516 = arith.constant 0 : index
    %swap3A_1517 = arith.constant 0 : index
    %swap3A_1518 = vector.load %arg5[%swap3A_1515, %swap3A_1516, %swap3A_1517] : memref<51x240x256xf32, #tpu.memory_space<vmem>>, vector<1x240x256xf32>
    %swap3A_1519 = vector.shape_cast %swap3A_1518 : vector<1x240x256xf32> to vector<240x256xf32>
    %swap3A_1520 = vector.shape_cast %concatenate3A_1514 : vector<240x256xf32> to vector<1x240x256xf32>
    tpu.vector_store %arg5[%swap3A_1515, %swap3A_1516, %swap3A_1517], %swap3A_1520 {strides = array<i32>} : memref<51x240x256xf32, #tpu.memory_space<vmem>>, vector<1x240x256xf32>,
    %slice3A_1521 = vector.extract_strided_slice %stack3A_314 {offsets = [0, 15, 0], sizes = [16, 1, 256], strides = [1, 1, 1]} : vector<16x16x256xf32> to vector<16x1x256xf32>
    %squeeze3A_1522 = vector.shape_cast %slice3A_1521 : vector<16x1x256xf32> to vector<16x256xf32>
    %broadcast_in_dim3A_1523 = vector.shape_cast %squeeze3A_1522 : vector<16x256xf32> to vector<1x16x256xf32>
    %broadcast_in_dim3A_1524 = vector.shape_cast %broadcast_in_dim3A_1523 : vector<1x16x256xf32> to vector<1x16x256xf32>
    %broadcast_in_dim3A_1525 = vector.broadcast %broadcast_in_dim3A_1524 : vector<1x16x256xf32> to vector<16x16x256xf32>
    %reshape3A_1526 = vector.shape_cast %broadcast_in_dim3A_1525 : vector<16x16x256xf32> to vector<256x256xf32>
    %slice3A_1527 = vector.extract_strided_slice %reshape3A_1526 {offsets = [1, 0], sizes = [16, 256], strides = [1, 1]} : vector<256x256xf32> to vector<16x256xf32>
    %slice3A_1528 = vector.extract_strided_slice %reshape3A_1526 {offsets = [18, 0], sizes = [16, 256], strides = [1, 1]} : vector<256x256xf32> to vector<16x256xf32>
    %slice3A_1529 = vector.extract_strided_slice %reshape3A_1526 {offsets = [35, 0], sizes = [16, 256], strides = [1, 1]} : vector<256x256xf32> to vector<16x256xf32>
    %slice3A_1530 = vector.extract_strided_slice %reshape3A_1526 {offsets = [52, 0], sizes = [16, 256], strides = [1, 1]} : vector<256x256xf32> to vector<16x256xf32>
    %slice3A_1531 = vector.extract_strided_slice %reshape3A_1526 {offsets = [69, 0], sizes = [16, 256], strides = [1, 1]} : vector<256x256xf32> to vector<16x256xf32>
    %slice3A_1532 = vector.extract_strided_slice %reshape3A_1526 {offsets = [86, 0], sizes = [16, 256], strides = [1, 1]} : vector<256x256xf32> to vector<16x256xf32>
    %slice3A_1533 = vector.extract_strided_slice %reshape3A_1526 {offsets = [103, 0], sizes = [16, 256], strides = [1, 1]} : vector<256x256xf32> to vector<16x256xf32>
    %slice3A_1534 = vector.extract_strided_slice %reshape3A_1526 {offsets = [120, 0], sizes = [16, 256], strides = [1, 1]} : vector<256x256xf32> to vector<16x256xf32>
    %slice3A_1535 = vector.extract_strided_slice %reshape3A_1526 {offsets = [137, 0], sizes = [16, 256], strides = [1, 1]} : vector<256x256xf32> to vector<16x256xf32>
    %slice3A_1536 = vector.extract_strided_slice %reshape3A_1526 {offsets = [154, 0], sizes = [16, 256], strides = [1, 1]} : vector<256x256xf32> to vector<16x256xf32>
    %slice3A_1537 = vector.extract_strided_slice %reshape3A_1526 {offsets = [171, 0], sizes = [16, 256], strides = [1, 1]} : vector<256x256xf32> to vector<16x256xf32>
    %slice3A_1538 = vector.extract_strided_slice %reshape3A_1526 {offsets = [188, 0], sizes = [16, 256], strides = [1, 1]} : vector<256x256xf32> to vector<16x256xf32>
    %slice3A_1539 = vector.extract_strided_slice %reshape3A_1526 {offsets = [205, 0], sizes = [16, 256], strides = [1, 1]} : vector<256x256xf32> to vector<16x256xf32>
    %slice3A_1540 = vector.extract_strided_slice %reshape3A_1526 {offsets = [222, 0], sizes = [16, 256], strides = [1, 1]} : vector<256x256xf32> to vector<16x256xf32>
    %slice3A_1541 = vector.extract_strided_slice %reshape3A_1526 {offsets = [239, 0], sizes = [16, 256], strides = [1, 1]} : vector<256x256xf32> to vector<16x256xf32>
    %concatenate3A_1542 = tpu.concatenate %slice3A_1527, %slice3A_1528, %slice3A_1529, %slice3A_1530, %slice3A_1531, %slice3A_1532, %slice3A_1533, %slice3A_1534, %slice3A_1535, %slice3A_1536, %slice3A_1537, %slice3A_1538, %slice3A_1539, %slice3A_1540, %slice3A_1541 in 0 : vector<16x256xf32>, vector<16x256xf32>, vector<16x256xf32>, vector<16x256xf32>, vector<16x256xf32>, vector<16x256xf32>, vector<16x256xf32>, vector<16x256xf32>, vector<16x256xf32>, vector<16x256xf32>, vector<16x256xf32>, vector<16x256xf32>, vector<16x256xf32>, vector<16x256xf32>, vector<16x256xf32> -> vector<240x256xf32>
    %swap3A_1543 = arith.constant 50 : index
    %swap3A_1544 = arith.constant 0 : index
    %swap3A_1545 = arith.constant 0 : index
    %swap3A_1546 = vector.load %arg5[%swap3A_1543, %swap3A_1544, %swap3A_1545] : memref<51x240x256xf32, #tpu.memory_space<vmem>>, vector<1x240x256xf32>
    %swap3A_1547 = vector.shape_cast %swap3A_1546 : vector<1x240x256xf32> to vector<240x256xf32>
    %swap3A_1548 = vector.shape_cast %concatenate3A_1542 : vector<240x256xf32> to vector<1x240x256xf32>
    tpu.vector_store %arg5[%swap3A_1543, %swap3A_1544, %swap3A_1545], %swap3A_1548 {strides = array<i32>} : memref<51x240x256xf32, #tpu.memory_space<vmem>>, vector<1x240x256xf32>,
    return
  }
  func.func @transform_0(%arg0: i32) -> i32 {
    %c0_i32 = arith.constant 0 : i32
    %c0_i32_0 = arith.constant 0 : i32
    return %c0_i32 : i32
  }
  func.func @transform_1(%arg0: i32) -> (i32, i32) {
    %c0_i32 = arith.constant 0 : i32
    %c0_i32_0 = arith.constant 0 : i32
    return %arg0, %c0_i32 : i32, i32
  }
  func.func @transform_2(%arg0: i32) -> (i32, i32) {
    %c0_i32 = arith.constant 0 : i32
    %c0_i32_0 = arith.constant 0 : i32
    return %arg0, %c0_i32 : i32, i32
  }
  func.func @transform_3(%arg0: i32) -> (i32, i32) {
    %c0_i32 = arith.constant 0 : i32
    %c0_i32_0 = arith.constant 0 : i32
    %c0_i32_1 = arith.constant 0 : i32
    return %c0_i32, %c0_i32_0 : i32, i32
  }
  func.func @transform_4(%arg0: i32) -> (i32, i32, i32) {
    %c0_i32 = arith.constant 0 : i32
    %c0_i32_0 = arith.constant 0 : i32
    %c0_i32_1 = arith.constant 0 : i32
    return %c0_i32, %c0_i32_0, %arg0 : i32, i32, i32
  }
}

</mosaic_0001>

<sc_bundles>
// kernel: kernel.4.cloned.1.call-start
scs
__scs_entry_jumppad:
0x0: {  	(pc) =	sbr.rel $0x88, $3  }
0x1: {  	(tag) =	ssettag $0x0;
	lr =	simm.s32 $0x1  }
0x2: {  	[smem:$0x3F9A] =	sst lr;
	_ =	strace $0xD0000000  }
0x3: {  	_ = 	snop  }
0x4: {  	_ = 	snop  }
0x5: {  	_ = 	snop  }
0x6: {  	_ = 	snop  }
0x7: {  	_ = 	snop  }
__scs_overlays_trampoline_lowered:
0x8: {  	[smem:$0x3FA9] =	sst s0  }
0x9: {  	[smem:$0x3FAA] =	sst s1  }
0xa: {  	[smem:$0x3FAB] =	sst s2  }
0xb: {  	[smem:$0x3FAC] =	sst s3  }
0xc: {  	[smem:$0x3FAD] =	sst s4  }
0xd: {  	[smem:$0x3FAE] =	sst s5  }
0xe: {  	[smem:$0x3FAF] =	sst s6  }
0xf: {  	[smem:$0x3FB0] =	sst s7  }
0x10: {  	[smem:$0x3FB1] =	sst s8  }
0x11: {  	[smem:$0x3FB2] =	sst s9;
	s0 =	simm.s32 @!p0 $0x0  }
0x12: {  	s1 =	sld [smem:$0x3F98];
	s0 =	simm.s32 @p0 $0x1  }
0x13: {  	[smem:$0x3FB3] =	sst s0;
	s0 =	simm.s32 @!p1 $0x0  }
0x14: {  	s2 =	sld [smem:$0x3F97];
	s0 =	simm.s32 @p1 $0x1  }
0x15: {  	[smem:$0x3FB4] =	sst s0;
	s0 =	simm.s32 @!p2 $0x0  }
0x16: {  	s3 =	sld [smem:$0x3FDB];
	s0 =	simm.s32 @p2 $0x1  }
0x17: {  	s4 =	simm.s32 $0x1BF5;
	[smem:$0x3FB6] =	sst s0  }
0x18: {  	s0 =	sld [smem:$0x3F99];
	_ =	swait.ge [sflag:s4], $0x0  }
0x19: {  	s7 =	sld [smem:$0x3F9A]  }
0x1a: {  	s8 =	sadd.s32 $0xFFFFE003, lr  }
0x1b: {  	s9 =	sadd.s32 $0xFFFFFEF7, lr;
	s5 =	simm.s32 $0xFFFFFFFF;
	p2 =	slt.u32 s8, $0xFFFFF086  }
0x1c: {  	p1 =	slt.u32 s9, $0xF7A;
	s5 =	simm.s32 @!p2 $0x0  }
0x1d: {  	s5 =	simm.s32 @p1 $0x1;
	p0 =	seq.s32 s7, s2  }
0x1e: {  	s7 =	smul.u32 @!p0 $0xF7A, s2;
	p2 =	seq.s32 @!p0 s5, $0x0  }
0x1f: {  	s9 =	smul.u32 $0xF7A, s1;
	s8 =	simm.s32 @!p0 $0x1BF5;
	p2 =	por !p2, p0  }
0x20: {  	[sflag:s8] =	ssyncset.s32 @!p0 $0xFFFFF086;
	s6 =	sadd.s32 @!p0 s3, s7;
	s7 =	simm.s32 @!p0 $0x108  }
0x21: {  	s3 =	sadd.s32 s3, s9;
	s6 =	sadd.s32 @!p0 $0x88, s6;
	s7 =	simm.s32 @p2 $0x1082  }
0x22: {  	[simem:s7], [sflag:s8] =	dma.local @!p0 [hbm:s6], $0xF7A  }
0x23: {  	s9 =	sor.u32 $0xD0000000, s2;
	s6 =	simm.s32 $0x108;
	_ =	swait.ge @!p0 [sflag:s8], $0x0  }
0x24: {  	s3 =	sadd.s32 $0x88, s3;
	s6 =	simm.s32 @!p1 $0x1082;
	[sflag:s4] =	ssyncset.s32 $0xFFFFF086  }
0x25: {  	[simem:s6], [sflag:s4] =	dma.local [hbm:s3], $0xF7A  }
0x26: {  	[smem:$0x3F9A] =	sst s1;
	(tag) =	ssettag s2;
	_ =	strace s9  }
0x27: {  	s1 =	sld [smem:$0x3FAA]  }
0x28: {  	s2 =	sld [smem:$0x3FAB]  }
0x29: {  	s4 =	sld [smem:$0x3FAD]  }
0x2a: {  	p0 =	seq.s32 s5, $0x0;
	s5 =	sld [smem:$0x3FAE]  }
0x2b: {  	s6 =	sld [smem:$0x3FAF]  }
0x2c: {  	s7 =	sld [smem:$0x3FB0]  }
0x2d: {  	s3 =	simm.s32 $0x108;
	s8 =	sld [smem:$0x3FB1]  }
0x2e: {  	s3 =	simm.s32 @!p0 $0x1082;
	s9 =	sld [smem:$0x3FB2]  }
0x2f: {  	lr =	sadd.s32 s0, s3;
	s0 =	sld [smem:$0x3FA9]  }
0x30: {  	s3 =	sld [smem:$0x3FAC]  }
0x31: {  	[smem:$0x3FB5] =	sst s10  }
0x32: {  	s10 =	sld [smem:$0x3FB3];
	_ =	sdelay $0x3  }
0x33: {  	p0 =	seq.s32 s10, $0x1;
	s10 =	sld [smem:$0x3FB5];
	_ =	sdelay $0x3  }
0x34: {  	[smem:$0x3FB5] =	sst s10  }
0x35: {  	s10 =	sld [smem:$0x3FB4];
	_ =	sdelay $0x3  }
0x36: {  	p1 =	seq.s32 s10, $0x1;
	s10 =	sld [smem:$0x3FB5];
	_ =	sdelay $0x3  }
0x37: {  	[smem:$0x3FB5] =	sst s10  }
0x38: {  	s10 =	sld [smem:$0x3FB6]  }
0x39: {  	_ = 	snop;
	(pc) =	sbr.ind lr, $3  }
0x3a: {  	_ = 	snop  }
0x3b: {  	_ = 	snop  }
0x3c: {  	p2 =	seq.s32 s10, $0x1;
	s10 =	sld [smem:$0x3FB5]  }
0x3d: {  	_ =	shalt  }
0x3e: {  	_ =	shalt  }
0x3f: {  	_ =	shalt  }
0x40: {  	_ =	shalt  }
0x41: {  	_ =	shalt  }
0x42: {  	_ =	shalt  }
0x43: {  	_ =	shalt  }
0x44: {  	_ =	shalt  }
0x45: {  	_ =	shalt  }
0x46: {  	_ =	shalt  }
0x47: {  	_ =	shalt  }
0x48: {  	_ =	shalt  }
0x49: {  	_ =	shalt  }
0x4a: {  	_ =	shalt  }
0x4b: {  	_ =	shalt  }
0x4c: {  	_ =	shalt  }
0x4d: {  	_ =	shalt  }
0x4e: {  	_ =	shalt  }
0x4f: {  	_ =	shalt  }
0x50: {  	_ =	shalt  }
0x51: {  	_ =	shalt  }
0x52: {  	_ =	shalt  }
0x53: {  	_ =	shalt  }
0x54: {  	_ =	shalt  }
0x55: {  	_ =	shalt  }
0x56: {  	_ =	shalt  }
0x57: {  	_ =	shalt  }
0x58: {  	_ =	shalt  }
0x59: {  	_ =	shalt  }
0x5a: {  	_ =	shalt  }
0x5b: {  	_ =	shalt  }
0x5c: {  	_ =	shalt  }
0x5d: {  	_ =	shalt  }
0x5e: {  	_ =	shalt  }
0x5f: {  	_ =	shalt  }
0x60: {  	_ =	shalt  }
0x61: {  	_ =	shalt  }
0x62: {  	_ =	shalt  }
0x63: {  	_ =	shalt  }
0x64: {  	_ =	shalt  }
0x65: {  	_ =	shalt  }
0x66: {  	_ =	shalt  }
0x67: {  	_ =	shalt  }
0x68: {  	_ =	shalt  }
0x69: {  	_ =	shalt  }
0x6a: {  	_ =	shalt  }
0x6b: {  	_ =	shalt  }
0x6c: {  	_ =	shalt  }
0x6d: {  	_ =	shalt  }
0x6e: {  	_ =	shalt  }
0x6f: {  	_ =	shalt  }
0x70: {  	_ =	shalt  }
0x71: {  	_ =	shalt  }
0x72: {  	_ =	shalt  }
0x73: {  	_ =	shalt  }
0x74: {  	_ =	shalt  }
0x75: {  	_ =	shalt  }
0x76: {  	_ =	shalt  }
0x77: {  	_ =	shalt  }
0x78: {  	_ =	shalt  }
0x79: {  	_ =	shalt  }
0x7a: {  	_ =	shalt  }
0x7b: {  	_ =	shalt  }
0x7c: {  	_ =	shalt  }
0x7d: {  	_ =	shalt  }
0x7e: {  	_ =	shalt  }
0x7f: {  	_ =	shalt  }
0x80: {  	_ =	shalt  }
0x81: {  	_ =	shalt  }
0x82: {  	_ =	shalt  }
0x83: {  	_ =	shalt  }
0x84: {  	_ =	shalt  }
0x85: {  	_ =	shalt  }
0x86: {  	_ =	shalt  }
0x87: {  	_ =	shalt  }
.Lfunc_end0:
.L_simem_size_0:
called_computation_lowered:
.L_overlay_start_0:
0x88: {  	s2 =	sld [smem:$0x3FD9]  }
0x89: {  	s3 =	sld [smem:$0x3FFE];
	_ =	sdelay $0x1  }
0x8a: {  	s1 =	srdreg.scid  }
0x8b: {  	s0 =	sand.u32 $0x1, s1  }
0x8c: {  	s14 =	sshll.u32 s0, $0xA;
	s2 =	sadd.s32 s3, s2  }
0x8d: {  	s2 =	sadd.s32 s2, s14  }
0x8e: {  	[smem:$0x3FC1] =	sst s2  }
0x8f: {  	_ = 	snop  }
0x90: {  	s2 =	sld [smem:$0x3FD0];
	_ =	sdelay $0x2  }
0x91: {  	s15 =	simm.s32 $0xA;
	s4 =	simm.s32 $0x10  }
0x92: {  	[smem:s4], [sflag:s15] =	dma.local [hbm:s2], $0x1  }
0x93: {  	_ =	swait.eq [sflag:s15], $0x1  }
0x94: {  	[sflag:s15] =	ssyncset.done $0x0  }
0x95: {  	[sflag:s15] =	ssyncadd.s32 $0xFFFFFFFF  }
0x96: {  	s16 =	sld [smem:$0x11];
	(tm) =	ssettm $0x1  }
0x97: {  	s17 =	sld [smem:$0x3FFB];
	_ =	sdelay $0x3  }
0x98: {  	_ =	strace s17  }
0x99: {  	s3 =	sld [smem:$0x3FFC];
	_ =	sdelay $0x3  }
0x9a: {  	_ =	strace s3  }
0x9b: {  	s3 =	sld [smem:$0x3FFD];
	_ =	sdelay $0x3  }
0x9c: {  	_ =	strace s3  }
0x9d: {  	_ =	strace $0x8FFFFFFF  }
0x9e: {  	s18 =	sld [smem:$0x3FDB];
	_ =	sdelay $0x1  }
0x9f: {  	s19 =	simm.s32 $_scs_section_size  }
0xa0: {  	s5 =	simm.s32 $_size__tile_overlayer_lowered;
	s6 =	simm.s32 $_tile_overlayer_lowered  }
0xa1: {  	s22 =	simm.s32 $0x1BFF;
	s21 =	sshll.u32 s6, $0x1;
	s3 =	sadd.s32 s19, s18  }
0xa2: {  	s7 =	simm.s32 $0x0;
	s20 =	sshll.u32 s5, $0x1;
	s5 =	sadd.s32 s21, s3  }
0xa3: {  	[timem:s7], [sflag:s22] =	dma.local [hbm:s5], s20  }
0xa4: {  	_ =	swait.ge [sflag:s22], s20  }
0xa5: {  	s4 =	ssub.s32 $0x0, s20;
	[sflag:s22] =	ssyncset.done $0x0  }
0xa6: {  	[sflag:s22] =	ssyncadd.s32 s4;
	_ =	sdelay $0x1  }
0xa7: {  	s23 =	simm.s32 $0x1B8B  }
0xa8: {  	_ =	swait.ge [sflag:s23], $0x1  }
0xa9: {  	[sflag:s23] =	ssyncset.done $0x0  }
0xaa: {  	s25 =	simm.s32 $0x1B8E;
	s24 =	sld [smem:$0x3FFE];
	[sflag:s23] =	ssyncadd.s32 $0xFFFFFFFF  }
0xab: {  	s26 =	simm.s32 $execute0_lowered;
	[smem:$0x3FD2] =	sst s25  }
0xac: {  	s5 =	sshll.u32 s26, $0x1;
	_ =	strace $0x80000046;
	[dreg:$0x1] =	wrdreg $0xFFFFFFFF  }
0xad: {  	s28 =	simm.s32 $_size_execute0_lowered;
	s3 =	sadd.s32 s3, s5;
	[dreg:$0x0] =	wrdreg $0x0  }
0xae: {  	s5 =	sshll.u32 s28, $0x1;
	[dreg:$0x2] =	wrdreg s3  }
0xaf: {  	[dreg:$0x3] =	wrdreg s5  }
0xb0: {  	[dreg:$0x4] =	wrdreg $0xC0  }
0xb1: {  	_ =	task [dreg:s7], $0x5FFFF  }
0xb2: {  	[dreg:$0x1] =	wrdreg $0xFFFFFFFF  }
0xb3: {  	[dreg:$0x0] =	wrdreg $0x60  }
0xb4: {  	[dreg:$0x2] =	wrdreg s24  }
0xb5: {  	[dreg:$0x3] =	wrdreg s16  }
0xb6: {  	[dreg:$0x4] =	wrdreg $0x9  }
0xb7: {  	_ =	task.clear_ibuf [dreg:s7], $0x5FFFF;
	_ =	strace $0x90000046  }
0xb8: {  	s29 =	simm.s32 $0x9;
	_ =	strace $0x80000048  }
0xb9: {  	_ =	swait.ge [sflag:s29], $0x1  }
0xba: {  	[sflag:s29] =	ssyncadd.s32 $0xFFFFFFFF  }
0xbb: {  	_ =	strace $0x90000048  }
0xbc: {  	_ =	sfence  }
0xbd: {  	s30 =	sld [smem:$0x0];
	_ =	sdelay $0x2  }
0xbe: {  	s31 =	sshll.u32 s1, $0xD;
	s1 =	sshrl.u32 s1, $0x2  }
0xbf: {  	s3 =	sand.u32 $0x4000, s31;
	s1 =	sadd.s32 s1, s30  }
0xc0: {  	s0 =	sor.u32 s3, s0;
	s1 =	sshll.u32 s1, $0x11  }
0xc1: {  	s0 =	sor.u32 s1, s0  }
0xc2: {  	s0 =	sadd.s32 $0x8F2B, s0  }
0xc3: {  	[sflag:s0] =	ssyncadd.remote.s32 $0x1  }
0xc4: {  	_ =	sfence.sel $0xFFFF  }
0xc5: {  	[dreg:$0x0] =	wrdreg $0xFFFFFFFF;
	(pc) =	sbr.abs _section_cstart, $3  }
0xc6: {  	[dreg:$0x1] =	wrdreg $0xFFFFFFFF  }
0xc7: {  	_ =	task.clear_ibuf [dreg:s7], $0x2FFFF;
	_ =	strace $0x9FFFFFFF  }
0xc8: {  	(tm) =	ssettm $0x7FFFFFFF  }
0xc9: {  	_ =	shalt  }
tec
execute0_lowered:
.L_overlay_start_1:
0x0: {  	(tag) =	ssettag $0x1  }
0x1: {  	s2 =	stileid.u32;
	s4 =	rddreg [dreg:$0x0]  }
0x2: {  	s3 =	rddreg [dreg:$0x1];
	s11 =	sshll.u32 s2, $0x1;
	s2 =	simm.s32 $0x0  }
0x3: {  	s12 =	simm.s32 $0x1080;
	[smem:$0x7FF] =	sst s2  }
0x4: {  	s13 =	simm.s32 $0x100;
	_ =	strace $0x80000047;
	[dreg:$0x5] =	wrdreg s12  }
0x5: {  	s0 =	srdreg.scid;
	s14 =	simm.s32 $0x1880;
	[dreg:$0x6] =	wrdreg s13  }
0x6: {  	s15 =	simm.s32 $0x180;
	s1 =	sand.u32 $0x1, s0;
	[dreg:$0x7] =	wrdreg s14  }
0x7: {  	s16 =	simm.s32 $0x2080;
	s0 =	sor.u32 s1, s11;
	[dreg:$0x8] =	wrdreg s15  }
0x8: {  	s17 =	simm.s32 $0x200;
	s5 =	smul.u32 $0x110, s0;
	[dreg:$0x9] =	wrdreg s16  }
0x9: {  	s18 =	simm.s32 $0x2880;
	s0 =	smul.u32 $0x1100, s0;
	[dreg:$0xa] =	wrdreg s17  }
0xa: {  	s19 =	simm.s32 $0x280;
	[dreg:$0xb] =	wrdreg s18  }
0xb: {  	[dreg:$0xc] =	wrdreg s19;
	s5 =	sadd.s32 s5, s4;
	s0 =	sadd.s32 s3, s0  }
0xc: {  	s5 =	sadd.s32 $0x19400, s5;
	[dreg:$0x4] =	wrdreg s0  }
0xd: {  	[dreg:$0x3] =	wrdreg s5  }
0xe: {  	s3 =	simm.s32 $0x2;
	s5 =	rddreg [dreg:$0x3]  }
0xf: {  	[tilespmem:s2], [sflag:$0x2] =	stream.linear.gather [hbm4b:s5+s2], $0x880, $0x38;
	[tilespmem:$0x9080] =	vst v63  }
0x10: {  	_ =	swait.ge [sflag:s3], $0x880  }
0x11: {  	s6 =	simm.s32 $0x880;
	s20 =	rddreg [dreg:$0xb]  }
0x12: {  	s4 =	sadd.s32 $0xC00, s4;
	s7 =	rddreg [dreg:$0x6];
	[sflag:s3] =	ssyncset.done $0x0  }
0x13: {  	s5 =	simm.s32 $0x80;
	s8 =	rddreg [dreg:$0x5];
	[sflag:s3] =	ssyncadd.s32 $0xFFFFF780  }
0x14: {  	[tilespmem:s6], [sflag:$0x1] =	stream.indirect.gather [hbm4b:s4+s5], $0x10, s2, s5, $0xb8;
	[tilespmem:$0x9080] =	vst v63  }
0x15: {  	s9 =	rddreg [dreg:$0x7]  }
0x16: {  	[tilespmem:s8], [sflag:$0x1] =	stream.indirect.gather [hbm4b:s4+s5], $0x10, s5, s5, $0xb8;
	[tilespmem:$0x9080] =	vst v63  }
0x17: {  	s10 =	rddreg [dreg:$0x9]  }
0x18: {  	[tilespmem:s9], [sflag:$0x1] =	stream.indirect.gather [hbm4b:s4+s5], $0x10, s7, s5, $0xb8;
	[tilespmem:$0x9080] =	vst v63  }
0x19: {  	s21 =	rddreg [dreg:$0x8]  }
0x1a: {  	[tilespmem:s10], [sflag:$0x1] =	stream.indirect.gather [hbm4b:s4+s5], $0x10, s21, s5, $0xb8;
	[tilespmem:$0x9080] =	vst v63  }
0x1b: {  	s22 =	rddreg [dreg:$0xa]  }
0x1c: {  	[tilespmem:s20], [sflag:$0x1] =	stream.indirect.gather [hbm4b:s4+s5], $0x10, s22, s5, $0xb8;
	[tilespmem:$0x9080] =	vst v63  }
0x1d: {  	s24 =	simm.s32 $0x3080;
	s23 =	rddreg [dreg:$0xc]  }
0x1e: {  	[tilespmem:s24], [sflag:$0x1] =	stream.indirect.gather [hbm4b:s4+s5], $0x10, s23, s5, $0xb8;
	[tilespmem:$0x9080] =	vst v63  }
0x1f: {  	s25 =	simm.s32 $0x300;
	s26 =	simm.s32 $0x3880  }
0x20: {  	[tilespmem:s26], [sflag:$0x1] =	stream.indirect.gather [hbm4b:s4+s5], $0x10, s25, s5, $0xb8;
	[tilespmem:$0x9080] =	vst v63  }
0x21: {  	s8 =	simm.s32 $0x380;
	s9 =	simm.s32 $0x4080  }
0x22: {  	[tilespmem:s9], [sflag:$0x1] =	stream.indirect.gather [hbm4b:s4+s5], $0x10, s8, s5, $0xb8;
	[tilespmem:$0x9080] =	vst v63  }
0x23: {  	s12 =	simm.s32 $0x400;
	s13 =	simm.s32 $0x4880  }
0x24: {  	[tilespmem:s13], [sflag:$0x1] =	stream.indirect.gather [hbm4b:s4+s5], $0x10, s12, s5, $0xb8;
	[tilespmem:$0x9080] =	vst v63  }
0x25: {  	s14 =	simm.s32 $0x480;
	s15 =	simm.s32 $0x5080  }
0x26: {  	[tilespmem:s15], [sflag:$0x1] =	stream.indirect.gather [hbm4b:s4+s5], $0x10, s14, s5, $0xb8;
	[tilespmem:$0x9080] =	vst v63  }
0x27: {  	s16 =	simm.s32 $0x500;
	s17 =	simm.s32 $0x5880  }
0x28: {  	[tilespmem:s17], [sflag:$0x1] =	stream.indirect.gather [hbm4b:s4+s5], $0x10, s16, s5, $0xb8;
	[tilespmem:$0x9080] =	vst v63  }
0x29: {  	s18 =	simm.s32 $0x580;
	s19 =	simm.s32 $0x6080  }
0x2a: {  	[tilespmem:s19], [sflag:$0x1] =	stream.indirect.gather [hbm4b:s4+s5], $0x10, s18, s5, $0xb8;
	[tilespmem:$0x9080] =	vst v63  }
0x2b: {  	s21 =	simm.s32 $0x6880;
	s20 =	simm.s32 $0x600  }
0x2c: {  	[tilespmem:s21], [sflag:$0x1] =	stream.indirect.gather [hbm4b:s4+s5], $0x10, s20, s5, $0xb8;
	[tilespmem:$0x9080] =	vst v63  }
0x2d: {  	s22 =	simm.s32 $0x680;
	s23 =	simm.s32 $0x7080  }
0x2e: {  	[tilespmem:s23], [sflag:$0x1] =	stream.indirect.gather [hbm4b:s4+s5], $0x10, s22, s5, $0xb8;
	[tilespmem:$0x9080] =	vst v63  }
0x2f: {  	s24 =	simm.s32 $0x700;
	s25 =	simm.s32 $0x7880  }
0x30: {  	[tilespmem:s25], [sflag:$0x1] =	stream.indirect.gather [hbm4b:s4+s5], $0x10, s24, s5, $0xb8;
	[tilespmem:$0x9080] =	vst v63  }
0x31: {  	s28 =	simm.s32 $0x8080;
	s26 =	simm.s32 $0x780  }
0x32: {  	[tilespmem:s28], [sflag:$0x1] =	stream.indirect.gather [hbm4b:s4+s5], $0x10, s26, s5, $0xb8;
	[tilespmem:$0x9080] =	vst v63  }
0x33: {  	s29 =	simm.s32 $0x800;
	s30 =	simm.s32 $0x8880;
	s31 =	simm.s32 $0x1  }
0x34: {  	[tilespmem:s30], [sflag:$0x1] =	stream.indirect.gather [hbm4b:s4+s5], $0x10, s29, s5, $0xb8;
	[tilespmem:$0x9080] =	vst v63  }
0x35: {  	_ =	swait.ge [sflag:s31], $0x800  }
0x36: {  	[sflag:s31] =	ssyncset.done $0x0  }
0x37: {  	[sflag:s31] =	ssyncadd.s32 $0xFFFFF800  }
0x38: {  	_ =	swait.ge [sflag:s31], $0x800  }
0x39: {  	[sflag:s31] =	ssyncset.done $0x0  }
0x3a: {  	[sflag:s31] =	ssyncadd.s32 $0xFFFFF800  }
0x3b: {  	_ =	swait.ge [sflag:s31], $0x800  }
0x3c: {  	[sflag:s31] =	ssyncset.done $0x0  }
0x3d: {  	[sflag:s31] =	ssyncadd.s32 $0xFFFFF800  }
0x3e: {  	_ =	swait.ge [sflag:s31], $0x800  }
0x3f: {  	[sflag:s31] =	ssyncset.done $0x0  }
0x40: {  	[sflag:s31] =	ssyncadd.s32 $0xFFFFF800  }
0x41: {  	_ =	swait.ge [sflag:s31], $0x800  }
0x42: {  	[sflag:s31] =	ssyncset.done $0x0  }
0x43: {  	[sflag:s31] =	ssyncadd.s32 $0xFFFFF800  }
0x44: {  	_ =	swait.ge [sflag:s31], $0x800  }
0x45: {  	[sflag:s31] =	ssyncset.done $0x0  }
0x46: {  	[sflag:s31] =	ssyncadd.s32 $0xFFFFF800  }
0x47: {  	_ =	swait.ge [sflag:s31], $0x800  }
0x48: {  	[sflag:s31] =	ssyncset.done $0x0  }
0x49: {  	[sflag:s31] =	ssyncadd.s32 $0xFFFFF800  }
0x4a: {  	_ =	swait.ge [sflag:s31], $0x800  }
0x4b: {  	[sflag:s31] =	ssyncset.done $0x0  }
0x4c: {  	[sflag:s31] =	ssyncadd.s32 $0xFFFFF800  }
0x4d: {  	_ =	swait.ge [sflag:s31], $0x800  }
0x4e: {  	[sflag:s31] =	ssyncset.done $0x0  }
0x4f: {  	[sflag:s31] =	ssyncadd.s32 $0xFFFFF800  }
0x50: {  	_ =	swait.ge [sflag:s31], $0x800  }
0x51: {  	[sflag:s31] =	ssyncset.done $0x0  }
0x52: {  	[sflag:s31] =	ssyncadd.s32 $0xFFFFF800  }
0x53: {  	_ =	swait.ge [sflag:s31], $0x800  }
0x54: {  	[sflag:s31] =	ssyncset.done $0x0  }
0x55: {  	[sflag:s31] =	ssyncadd.s32 $0xFFFFF800  }
0x56: {  	_ =	swait.ge [sflag:s31], $0x800  }
0x57: {  	[sflag:s31] =	ssyncset.done $0x0  }
0x58: {  	[sflag:s31] =	ssyncadd.s32 $0xFFFFF800  }
0x59: {  	_ =	swait.ge [sflag:s31], $0x800  }
0x5a: {  	[sflag:s31] =	ssyncset.done $0x0  }
0x5b: {  	[sflag:s31] =	ssyncadd.s32 $0xFFFFF800  }
0x5c: {  	_ =	swait.ge [sflag:s31], $0x800  }
0x5d: {  	[sflag:s31] =	ssyncset.done $0x0  }
0x5e: {  	s10 =	ssub.s32 $0x2, s1;
	[sflag:s31] =	ssyncadd.s32 $0xFFFFF800  }
0x5f: {  	s1 =	sshrl.u32 s10, $0x1;
	_ =	swait.ge [sflag:s31], $0x800  }
0x60: {  	s0 =	ssub.s32 s10, s1;
	[sflag:s31] =	ssyncset.done $0x0  }
0x61: {  	s0 =	smax.u32 s0, $0x1;
	[sflag:s31] =	ssyncadd.s32 $0xFFFFF800  }
0x62: {  	p0 =	sne.s32 s0, $0x1;
	_ =	swait.ge [sflag:s31], $0x800  }
.Ltmp0:
0x63: {  	[sflag:s31] =	ssyncset.done $0x0;
	(pc) =	sbr.rel @!p0 .LBB2_2-.Ltmp0, $4  }
0x64: {  	[sflag:s31] =	ssyncadd.s32 $0xFFFFF800  }
0x65: {  	_ =	swait.ge [sflag:s31], $0x800  }
0x66: {  	s11 =	simm.s32 $0x4080;
	[sflag:s31] =	ssyncset.done $0x0  }
0x67: {  	s1 =	sadd.s32 $0xFFFFFFFF, s0;
	s0 =	rddreg [dreg:$0x4];
	[sflag:s31] =	ssyncadd.s32 $0xFFFFF800  }
.LBB2_1:
0x68: {  	[hbm4b:s0+s2] =	stream.linear.scatter [tilespmem:s6], [sflag:$0x2], $0x8800, $0x38;
	[tilespmem:$0x9080] =	vst v63  }
0x69: {  	_ =	swait.ge [sflag:s3], $0x8800  }
0x6a: {  	[sflag:s3] =	ssyncset.done $0x0  }
0x6b: {  	s8 =	rddreg [dreg:$0x3];
	[sflag:s3] =	ssyncadd.s32 $0xFFFF7800  }
0x6c: {  	[tilespmem:s2], [sflag:$0x2] =	stream.linear.gather [hbm4b:s8+s2], $0x880, $0x38;
	[tilespmem:$0x9080] =	vst v63  }
0x6d: {  	_ =	swait.ge [sflag:s3], $0x880  }
0x6e: {  	s0 =	rddreg [dreg:$0xb]  }
0x6f: {  	s7 =	rddreg [dreg:$0x6];
	[sflag:s3] =	ssyncset.done $0x0  }
0x70: {  	s8 =	rddreg [dreg:$0x5];
	[sflag:s3] =	ssyncadd.s32 $0xFFFFF780  }
0x71: {  	[tilespmem:s6], [sflag:$0x1] =	stream.indirect.gather [hbm4b:s4+s5], $0x10, s2, s5, $0xb8;
	[tilespmem:$0x9080] =	vst v63  }
0x72: {  	s9 =	rddreg [dreg:$0x7]  }
0x73: {  	[tilespmem:s8], [sflag:$0x1] =	stream.indirect.gather [hbm4b:s4+s5], $0x10, s5, s5, $0xb8;
	[tilespmem:$0x9080] =	vst v63  }
0x74: {  	s10 =	rddreg [dreg:$0x9]  }
0x75: {  	[tilespmem:s9], [sflag:$0x1] =	stream.indirect.gather [hbm4b:s4+s5], $0x10, s7, s5, $0xb8;
	[tilespmem:$0x9080] =	vst v63  }
0x76: {  	s8 =	rddreg [dreg:$0x8]  }
0x77: {  	[tilespmem:s10], [sflag:$0x1] =	stream.indirect.gather [hbm4b:s4+s5], $0x10, s8, s5, $0xb8;
	[tilespmem:$0x9080] =	vst v63  }
0x78: {  	s9 =	rddreg [dreg:$0xa]  }
0x79: {  	[tilespmem:s0], [sflag:$0x1] =	stream.indirect.gather [hbm4b:s4+s5], $0x10, s9, s5, $0xb8;
	[tilespmem:$0x9080] =	vst v63  }
0x7a: {  	s7 =	simm.s32 $0x3080;
	s10 =	rddreg [dreg:$0xc]  }
0x7b: {  	[tilespmem:s7], [sflag:$0x1] =	stream.indirect.gather [hbm4b:s4+s5], $0x10, s10, s5, $0xb8;
	[tilespmem:$0x9080] =	vst v63  }
0x7c: {  	s8 =	simm.s32 $0x300;
	s9 =	simm.s32 $0x3880  }
0x7d: {  	[tilespmem:s9], [sflag:$0x1] =	stream.indirect.gather [hbm4b:s4+s5], $0x10, s8, s5, $0xb8;
	[tilespmem:$0x9080] =	vst v63  }
0x7e: {  	s10 =	simm.s32 $0x380  }
0x7f: {  	[tilespmem:s11], [sflag:$0x1] =	stream.indirect.gather [hbm4b:s4+s5], $0x10, s10, s5, $0xb8;
	[tilespmem:$0x9080] =	vst v63  }
0x80: {  	_ = 	snop  }
0x81: {  	[tilespmem:s13], [sflag:$0x1] =	stream.indirect.gather [hbm4b:s4+s5], $0x10, s12, s5, $0xb8;
	[tilespmem:$0x9080] =	vst v63  }
0x82: {  	_ = 	snop  }
0x83: {  	[tilespmem:s15], [sflag:$0x1] =	stream.indirect.gather [hbm4b:s4+s5], $0x10, s14, s5, $0xb8;
	[tilespmem:$0x9080] =	vst v63  }
0x84: {  	_ = 	snop  }
0x85: {  	[tilespmem:s17], [sflag:$0x1] =	stream.indirect.gather [hbm4b:s4+s5], $0x10, s16, s5, $0xb8;
	[tilespmem:$0x9080] =	vst v63  }
0x86: {  	_ = 	snop  }
0x87: {  	[tilespmem:s19], [sflag:$0x1] =	stream.indirect.gather [hbm4b:s4+s5], $0x10, s18, s5, $0xb8;
	[tilespmem:$0x9080] =	vst v63  }
0x88: {  	_ = 	snop  }
0x89: {  	[tilespmem:s21], [sflag:$0x1] =	stream.indirect.gather [hbm4b:s4+s5], $0x10, s20, s5, $0xb8;
	[tilespmem:$0x9080] =	vst v63  }
0x8a: {  	_ = 	snop  }
0x8b: {  	[tilespmem:s23], [sflag:$0x1] =	stream.indirect.gather [hbm4b:s4+s5], $0x10, s22, s5, $0xb8;
	[tilespmem:$0x9080] =	vst v63  }
0x8c: {  	_ = 	snop  }
0x8d: {  	[tilespmem:s25], [sflag:$0x1] =	stream.indirect.gather [hbm4b:s4+s5], $0x10, s24, s5, $0xb8;
	[tilespmem:$0x9080] =	vst v63  }
0x8e: {  	_ = 	snop  }
0x8f: {  	[tilespmem:s28], [sflag:$0x1] =	stream.indirect.gather [hbm4b:s4+s5], $0x10, s26, s5, $0xb8;
	[tilespmem:$0x9080] =	vst v63  }
0x90: {  	_ = 	snop  }
0x91: {  	[tilespmem:s30], [sflag:$0x1] =	stream.indirect.gather [hbm4b:s4+s5], $0x10, s29, s5, $0xb8;
	[tilespmem:$0x9080] =	vst v63  }
0x92: {  	_ =	swait.ge [sflag:s31], $0x800  }
0x93: {  	[sflag:s31] =	ssyncset.done $0x0  }
0x94: {  	[sflag:s31] =	ssyncadd.s32 $0xFFFFF800  }
0x95: {  	_ =	swait.ge [sflag:s31], $0x800  }
0x96: {  	[sflag:s31] =	ssyncset.done $0x0  }
0x97: {  	[sflag:s31] =	ssyncadd.s32 $0xFFFFF800  }
0x98: {  	_ =	swait.ge [sflag:s31], $0x800  }
0x99: {  	[sflag:s31] =	ssyncset.done $0x0  }
0x9a: {  	[sflag:s31] =	ssyncadd.s32 $0xFFFFF800  }
0x9b: {  	_ =	swait.ge [sflag:s31], $0x800  }
0x9c: {  	[sflag:s31] =	ssyncset.done $0x0  }
0x9d: {  	[sflag:s31] =	ssyncadd.s32 $0xFFFFF800  }
0x9e: {  	_ =	swait.ge [sflag:s31], $0x800  }
0x9f: {  	[sflag:s31] =	ssyncset.done $0x0  }
0xa0: {  	[sflag:s31] =	ssyncadd.s32 $0xFFFFF800  }
0xa1: {  	_ =	swait.ge [sflag:s31], $0x800  }
0xa2: {  	[sflag:s31] =	ssyncset.done $0x0  }
0xa3: {  	[sflag:s31] =	ssyncadd.s32 $0xFFFFF800  }
0xa4: {  	_ =	swait.ge [sflag:s31], $0x800  }
0xa5: {  	[sflag:s31] =	ssyncset.done $0x0  }
0xa6: {  	[sflag:s31] =	ssyncadd.s32 $0xFFFFF800  }
0xa7: {  	_ =	swait.ge [sflag:s31], $0x800  }
0xa8: {  	[sflag:s31] =	ssyncset.done $0x0  }
0xa9: {  	[sflag:s31] =	ssyncadd.s32 $0xFFFFF800  }
0xaa: {  	_ =	swait.ge [sflag:s31], $0x800  }
0xab: {  	[sflag:s31] =	ssyncset.done $0x0  }
0xac: {  	[sflag:s31] =	ssyncadd.s32 $0xFFFFF800  }
0xad: {  	_ =	swait.ge [sflag:s31], $0x800  }
0xae: {  	[sflag:s31] =	ssyncset.done $0x0  }
0xaf: {  	[sflag:s31] =	ssyncadd.s32 $0xFFFFF800  }
0xb0: {  	_ =	swait.ge [sflag:s31], $0x800  }
0xb1: {  	[sflag:s31] =	ssyncset.done $0x0  }
0xb2: {  	[sflag:s31] =	ssyncadd.s32 $0xFFFFF800  }
0xb3: {  	_ =	swait.ge [sflag:s31], $0x800  }
0xb4: {  	[sflag:s31] =	ssyncset.done $0x0  }
0xb5: {  	[sflag:s31] =	ssyncadd.s32 $0xFFFFF800  }
0xb6: {  	_ =	swait.ge [sflag:s31], $0x800  }
0xb7: {  	[sflag:s31] =	ssyncset.done $0x0  }
0xb8: {  	[sflag:s31] =	ssyncadd.s32 $0xFFFFF800  }
0xb9: {  	_ =	swait.ge [sflag:s31], $0x800  }
0xba: {  	[sflag:s31] =	ssyncset.done $0x0  }
0xbb: {  	[sflag:s31] =	ssyncadd.s32 $0xFFFFF800  }
0xbc: {  	_ =	swait.ge [sflag:s31], $0x800  }
0xbd: {  	[sflag:s31] =	ssyncset.done $0x0  }
0xbe: {  	[sflag:s31] =	ssyncadd.s32 $0xFFFFF800  }
0xbf: {  	p0 =	sne.s32 s1, $0x1;
	_ =	swait.ge [sflag:s31], $0x800  }
.Ltmp1:
0xc0: {  	[sflag:s31] =	ssyncset.done $0x0;
	(pc) =	sbr.rel @p0 .LBB2_1-.Ltmp1, $4  }
0xc1: {  	[sflag:s31] =	ssyncadd.s32 $0xFFFFF800  }
0xc2: {  	_ =	swait.ge [sflag:s31], $0x800  }
0xc3: {  	[sflag:s31] =	ssyncset.done $0x0  }
0xc4: {  	s1 =	sadd.s32 $0xFFFFFFFF, s1;
	s0 =	rddreg [dreg:$0x4];
	[sflag:s31] =	ssyncadd.s32 $0xFFFFF800  }
.LBB2_2:
0xc5: {  	[hbm4b:s0+s2] =	stream.linear.scatter [tilespmem:s6], [sflag:$0x2], $0x8800, $0x38;
	[tilespmem:$0x9080] =	vst v63  }
0xc6: {  	_ =	swait.ge [sflag:s3], $0x8800  }
0xc7: {  	[sflag:s3] =	ssyncset.done $0x0  }
0xc8: {  	[sflag:s3] =	ssyncadd.s32 $0xFFFF7800  }
0xc9: {  	_ =	sfence.sel $0x180000  }
0xca: {  	[bflag:$0x0] =	sbarrier.arrive $0xFFFF  }
0xcb: {  	_ =	strace $0x90000047  }
0xcc: {  	s31 =	stileid.u32;
	[bflag:$0x2] =	sbarrier.arrive $0xFFFF  }
0xcd: {  	p0 =	sne.s32 s31, $0x0;
	s0 =	rddreg [dreg:$0x2]  }
0xce: {  	s0 =	sadd.s32 @!p0 $0x100000, s0  }
0xcf: {  	[sflag:s0] =	ssyncadd.tile.s32 @!p0 $0x1;
	_ =	shalt  }
.Lfunc_end2:
_tile_overlayer_lowered:
.L_overlay_start_2:
0xd0: {  	(tag) =	ssettag $0x2  }
0xd1: {  	s0 =	rddreg [dreg:$0x0];
	s2 =	stileid.u32  }
0xd2: {  	s1 =	rddreg [dreg:$0x1];
	p0 =	sne.s32 s2, $0x0  }
0xd3: {  	s3 =	rddreg [dreg:$0x2];
	[bflag:$0x3] =	sbarrier.arrive $0xFFFF;
	s2 =	simm.s32 @!p0 $0x1C02  }
0xd4: {  	[timem:s3], [sflag:s2] =	dma.local @!p0 [hbm:s0], s1  }
0xd5: {  	s0 =	simm.s32 @!p0 $0x2  }
0xd6: {  	_ =	swait.ge @!p0 [sflag:s0], s1  }
0xd7: {  	s1 =	ssub.s32 @!p0 $0x0, s1;
	[sflag:s0] =	ssyncset.done @!p0 $0x0  }
0xd8: {  	[sflag:s0] =	ssyncadd.s32 @!p0 s1  }
0xd9: {  	[bflag:$0x3] =	sbarrier.arrive $0xFFFF  }
0xda: {  	_ =	shalt  }

</sc_bundles>
